<compile_context>
chip_gen: v7x
topology: tpu7x:2x2x1
jax: 0.10.2.dev20260603
libtpu: 0.0.44.dev20260713+nightly
codegen_flags: <defaults>
</compile_context>

<pallas_src>
import functools

import jax
import jax.numpy as jnp
from jax import lax
from jax.experimental import pallas as pl
from jax.experimental.pallas import tpu as pltpu
from jax.experimental.pallas import tpu_sc as plsc

N = 10000
E = 320000
M_PAD = 10240
NC, NS = 2, 16
NW = NC * NS
CH = 80
EPT = CH * 128
E_PAD = NW * EPT
RPT = M_PAD // NS
BM = 512
GRID = M_PAD // BM

_HI = jax.lax.Precision.HIGHEST



def _sc_mesh():
  return plsc.VectorSubcoreMesh(core_axis_name="c", subcore_axis_name="s")


@functools.partial(
    pl.kernel,
    out_type=jax.ShapeDtypeStruct((NC, NS, M_PAD), jnp.float32),
    mesh=_sc_mesh(),
    scratch_types=[
        pltpu.VMEM((EPT,), jnp.int32),
        pltpu.VMEM((M_PAD,), jnp.float32)
    ],
    compiler_params=pltpu.CompilerParams(needs_layout_passes=False),
)
def _deg_kernel(dstf_hbm, z_hbm, out_hbm, didx, hist):
  c = lax.axis_index("c")
  s = lax.axis_index("s")
  w = s * NC + c
  pltpu.sync_copy(z_hbm, hist)
  pltpu.sync_copy(dstf_hbm.at[w], didx)
  ones = jnp.ones((16,), jnp.float32)

  def body(i, carry):
    idx = didx[pl.ds(i * 16, 16)]
    plsc.addupdate_scatter(hist, [idx], ones)
    return carry

  lax.fori_loop(0, EPT // 16, body, 0)
  pltpu.sync_copy(hist, out_hbm.at[c, s])


NR = 4


def _make_agg(D):

  @functools.partial(
      pl.kernel,
      out_type=jax.ShapeDtypeStruct((NC, M_PAD, D), jnp.float32),
      mesh=_sc_mesh(),
      scratch_types=[
          pltpu.VMEM((CH, 128), jnp.int32),
          [pltpu.VMEM((128,), jnp.int32)] * NR,
          [pltpu.VMEM((128, D), jnp.float32)] * 2,
          pltpu.VMEM_SHARED((M_PAD, D), jnp.float32),
          [pltpu.SemaphoreType.DMA] * NR,
          [pltpu.SemaphoreType.DMA] * 2,
          [pltpu.SemaphoreType.DMA] * 2,
      ],
  )
  def agg(y_hbm, src_hbm, dst_hbm, z_hbm, out_hbm, didx, iring, rows, acc,
          isem, gsem, ssem):
    c = lax.axis_index("c")
    s = lax.axis_index("s")
    w = s * NC + c
    r0 = s * RPT
    pltpu.sync_copy(z_hbm.at[pl.ds(r0, RPT)], acc.at[pl.ds(r0, RPT)])
    pltpu.sync_copy(dst_hbm.at[pl.ds(w * CH, CH)], didx)
    plsc.subcore_barrier()

    def i_load(j, q):
      pltpu.async_copy(src_hbm.at[w * CH + j], iring[q], isem[q])

    def i_wait(q):
      pltpu.make_async_copy(src_hbm.at[0], iring[q], isem[q]).wait()

    def g_start(q, p):
      pltpu.async_copy(y_hbm.at[iring[q]], rows[p], gsem[p])

    def g_wait(p):
      pltpu.make_async_copy(y_hbm.at[iring[0]], rows[p], gsem[p]).wait()

    def s_start(j, p):
      pltpu.async_copy(rows[p], acc.at[didx.at[j]], ssem[p], add=True)

    def s_wait(p):
      pltpu.make_async_copy(rows[p], acc.at[pl.ds(0, 128)], ssem[p]).wait()

    def steady(j, b):
      q, p, p1, q1 = b, b % 2, 1 - (b % 2), (b - 1) % NR
      i_wait(q)
      s_wait(p)
      g_start(q, p)
      g_wait(p1)
      i_load(j - 1 + NR, q1)
      s_start(j - 1, p1)

    for q in range(NR):
      i_load(q, q)
    i_wait(0)
    g_start(0, 0)
    i_wait(1)
    g_start(1, 1)
    g_wait(0)
    i_load(NR, 0)
    s_start(0, 0)
    steady(2, 2)
    steady(3, 3)

    def round_body(r, carry):
      base = r * NR
      for b in range(NR):
        steady(base + b, b)
      return carry

    lax.fori_loop(1, CH // NR, round_body, 0)
    g_wait(1)
    s_start(CH - 1, 1)
    s_wait(0)
    s_wait(1)
    i_wait(0)
    i_wait(1)
    i_wait(2)
    plsc.subcore_barrier()
    pltpu.sync_copy(acc.at[pl.ds(r0, RPT)], out_hbm.at[c, pl.ds(r0, RPT)])

  return agg


_agg128 = _make_agg(128)



def _tc0_body(d_ref, x_ref, dis_ref, y_ref):
  d = d_ref[...]
  deg = jnp.sum(d, axis=(0, 1))[:, None] + 1.0
  dis = lax.rsqrt(deg)
  dis_ref[...] = jnp.broadcast_to(dis, dis_ref.shape)
  y_ref[...] = dis * x_ref[...]


def _tc0(d, x_pad):
  return pl.pallas_call(
      _tc0_body,
      grid=(GRID,),
      in_specs=[
          pl.BlockSpec((NC, NS, BM), lambda i: (0, 0, i)),
          pl.BlockSpec((BM, 128), lambda i: (i, 0)),
      ],
      out_specs=[
          pl.BlockSpec((BM, 128), lambda i: (i, 0)),
          pl.BlockSpec((BM, 128), lambda i: (i, 0)),
      ],
      out_shape=[
          jax.ShapeDtypeStruct((M_PAD, 128), jnp.float32),
          jax.ShapeDtypeStruct((M_PAD, 128), jnp.float32),
      ],
  )(d, x_pad)


def _tc1_body(s_ref, y_ref, dis_ref, w1_ref, b1_ref, w2_ref, out_ref):
  sblk = s_ref[...]
  t = dis_ref[...] * (sblk[0] + sblk[1] + y_ref[...])
  h = jnp.dot(t, w1_ref[...], precision=_HI,
              preferred_element_type=jnp.float32) + b1_ref[...]
  h = jnp.maximum(h, 0.0)
  out_ref[...] = dis_ref[...] * jnp.dot(
      h, w2_ref[...], precision=_HI, preferred_element_type=jnp.float32)


def _tc1(s1, y1, dis, W1, b1, W2):
  return pl.pallas_call(
      _tc1_body,
      grid=(GRID,),
      in_specs=[
          pl.BlockSpec((NC, BM, 128), lambda i: (0, i, 0)),
          pl.BlockSpec((BM, 128), lambda i: (i, 0)),
          pl.BlockSpec((BM, 128), lambda i: (i, 0)),
          pl.BlockSpec((128, 256), lambda i: (0, 0)),
          pl.BlockSpec((1, 256), lambda i: (0, 0)),
          pl.BlockSpec((256, 128), lambda i: (0, 0)),
      ],
      out_specs=pl.BlockSpec((BM, 128), lambda i: (i, 0)),
      out_shape=jax.ShapeDtypeStruct((M_PAD, 128), jnp.float32),
  )(s1, y1, dis, W1, b1, W2)


def _tc2_body(s_ref, y_ref, dis_ref, b2_ref, out_ref):
  sblk = s_ref[...]
  dis = dis_ref[...]
  h = dis * (sblk[0] + sblk[1] + y_ref[...]) + b2_ref[...]
  out_ref[...] = dis * jnp.maximum(h, 0.0)


def _tc2(s2, y2, dis, b2):
  return pl.pallas_call(
      _tc2_body,
      grid=(GRID,),
      in_specs=[
          pl.BlockSpec((NC, BM, 128), lambda i: (0, i, 0)),
          pl.BlockSpec((BM, 128), lambda i: (i, 0)),
          pl.BlockSpec((BM, 128), lambda i: (i, 0)),
          pl.BlockSpec((1, 128), lambda i: (0, 0)),
      ],
      out_specs=pl.BlockSpec((BM, 128), lambda i: (i, 0)),
      out_shape=jax.ShapeDtypeStruct((M_PAD, 128), jnp.float32),
  )(s2, y2, dis, b2)


def _tc3_body(s_ref, y_ref, dis_ref, w3_ref, b3_ref, out_ref):
  sblk = s_ref[...]
  a = dis_ref[...] * (sblk[0] + sblk[1] + y_ref[...])
  out_ref[...] = jnp.dot(
      a, w3_ref[...], precision=_HI,
      preferred_element_type=jnp.float32) + b3_ref[...]


def _tc3(s3, y3, dis, W3, b3):
  return pl.pallas_call(
      _tc3_body,
      grid=(GRID,),
      in_specs=[
          pl.BlockSpec((NC, BM, 128), lambda i: (0, i, 0)),
          pl.BlockSpec((BM, 128), lambda i: (i, 0)),
          pl.BlockSpec((BM, 128), lambda i: (i, 0)),
          pl.BlockSpec((128, 64), lambda i: (0, 0)),
          pl.BlockSpec((1, 64), lambda i: (0, 0)),
      ],
      out_specs=pl.BlockSpec((BM, 64), lambda i: (i, 0)),
      out_shape=jax.ShapeDtypeStruct((M_PAD, 64), jnp.float32),
  )(s3, y3, dis, W3, b3)



@jax.jit
def kernel(x, edge_index, W1, b1, W2, b2, W3, b3):
  pad = jnp.full((2, E_PAD - E), N, jnp.int32)
  ep = jnp.concatenate([edge_index, pad], axis=1)
  srcm = jnp.concatenate(
      [ep[0].reshape(NW * CH, 128), jnp.zeros((8, 128), jnp.int32)])
  dstm = ep[1].reshape(NW * CH, 128)
  dstf = ep[1].reshape(NW, EPT)

  x_pad = jnp.zeros((M_PAD, 128), jnp.float32).at[:N].set(x)
  zrow = jnp.zeros((M_PAD,), jnp.float32)
  z128 = jnp.zeros((M_PAD, 128), jnp.float32)
  b1r = b1.reshape(1, -1)
  b2r = b2.reshape(1, -1)
  b3r = b3.reshape(1, -1)

  d = _deg_kernel(dstf, zrow)
  dis, y1 = _tc0(d, x_pad)
  s1 = _agg128(y1, srcm, dstm, z128)
  y2 = _tc1(s1, y1, dis, W1, b1r, W2)
  s2 = _agg128(y2, srcm, dstm, z128)
  y3 = _tc2(s2, y2, dis, b2r)
  s3 = _agg128(y3, srcm, dstm, z128)
  z_pad = _tc3(s3, y3, dis, W3, b3r)
  return z_pad[:N]

# --- scband reference (transcript-rebuilt; emitter-appended) ---
"""Pipeline reference for scband-gcnencoder-56616258895902 (READ-ONLY COPY).

The authoritative reference and input builder live on the scoring server;
editing this copy changes nothing except your own understanding.
"""

import jax, jax.numpy as jnp
import numpy as np

N_NODES = 10000
N_EDGES = 320000
IN_C = 128
H1 = 256
H2 = 128
OUT_C = 64


def _glorot(key, shape):
    fan_in, fan_out = shape[0], shape[1]
    limit = np.sqrt(6.0 / (fan_in + fan_out))
    return jax.random.uniform(key, shape, jnp.float32, -limit, limit)


def setup_inputs(seed: int = 0) -> dict:
    key = jax.random.key(seed)
    ks = jax.random.split(key, 8)
    x = jax.random.normal(ks[0], (N_NODES, IN_C), jnp.float32)
    edge_index = jax.random.randint(ks[1], (2, N_EDGES), 0, N_NODES, jnp.int32)
    W1 = _glorot(ks[2], (IN_C, H1))
    b1 = jnp.zeros((H1,), jnp.float32)
    W2 = _glorot(ks[3], (H1, H2))
    b2 = jnp.zeros((H2,), jnp.float32)
    W3 = _glorot(ks[4], (H2, OUT_C))
    b3 = jnp.zeros((OUT_C,), jnp.float32)
    return {"x": x, "edge_index": edge_index, "W1": W1, "b1": b1, "W2": W2, "b2": b2, "W3": W3, "b3": b3}


def _gcn_conv(x, edge_index, W, b):
    # Faithful PyG GCNConv: add self-loops, symmetric deg^{-1/2} A deg^{-1/2} norm,
    # linear transform, scatter-add aggregation, bias.
    n = x.shape[0]
    loop = jnp.arange(n, dtype=edge_index.dtype)
    src = jnp.concatenate([edge_index[0], loop])
    dst = jnp.concatenate([edge_index[1], loop])
    deg = jnp.zeros((n,), x.dtype).at[dst].add(1.0)
    deg_inv_sqrt = jnp.where(deg > 0, jax.lax.rsqrt(jnp.maximum(deg, 1e-12)), 0.0)
    norm = deg_inv_sqrt[src] * deg_inv_sqrt[dst]
    h = x @ W
    msg = h[src] * norm[:, None]
    out = jnp.zeros((n, W.shape[1]), x.dtype).at[dst].add(msg)
    return out + b


def reference(x, edge_index, W1, b1, W2, b2, W3, b3):
    h = jax.nn.relu(_gcn_conv(x, edge_index, W1, b1))
    h = jax.nn.relu(_gcn_conv(h, edge_index, W2, b2))
    z = _gcn_conv(h, edge_index, W3, b3)
    return z

if __name__ == "__main__":
    import jax
    _d = setup_inputs()
    print(jax.jit(kernel)(*tuple(_d.values())))

</pallas_src>

<mosaic_0001>
#map = affine_map<(d0, d1) -> (0, 0)>
#map1 = affine_map<(d0, d1) -> (0)>
#map2 = affine_map<(d0, d1) -> (0, 0, 0)>
module attributes {stable_mosaic.version = 14 : i64} {
  func.func @_deg_kernel(%arg0: i32, %arg1: i32, %arg2: memref<32x10240xi32, #tpu.memory_space<hbm>>, %arg3: memref<10240xf32, #tpu.memory_space<hbm>>, %arg4: memref<2x16x10240xf32, #tpu.memory_space<hbm>>, %arg5: memref<10240xi32, #tpu.memory_space<vmem>>, %arg6: memref<10240xf32, #tpu.memory_space<vmem>>) attributes {dimension_semantics = [#tpu.dimension_semantics<core_parallel>, #tpu.dimension_semantics<subcore_parallel>], iteration_bounds = array<i64: 2, 16>, scalar_prefetch = 0 : i64, scratch_operands = 2 : i64, tpu.core_type = #tpu.core_type<sc_vector_subcore>, window_params = [{transform_indices = #map}, {transform_indices = #map1}, {transform_indices = #map2}]} {
    %mul3A = arith.constant 2 : i32
    %mul3A_0 = arith.muli %arg1, %mul3A : i32
    %add3A = arith.addi %mul3A_0, %arg0 : i32
    "tpu.region"() ({
      %run_scoped3A = tpu.sem_alloc : memref<!tpu.dma_semaphore, #tpu.memory_space<semaphore_mem>>
      tpu.enqueue_dma source(%arg3 : memref<10240xf32, #tpu.memory_space<hbm>>) target(%arg6 : memref<10240xf32, #tpu.memory_space<vmem>>) target_semaphore(%run_scoped3A : memref<!tpu.dma_semaphore, #tpu.memory_space<semaphore_mem>>)
      tpu.wait_dma2 semaphore(%run_scoped3A : memref<!tpu.dma_semaphore, #tpu.memory_space<semaphore_mem>>) src(%arg3 : memref<10240xf32, #tpu.memory_space<hbm>>) dst(%arg6 : memref<10240xf32, #tpu.memory_space<vmem>>)
      tpu.yield
    }) : () -> ()
    "tpu.region"() ({
      %run_scoped3A = tpu.sem_alloc : memref<!tpu.dma_semaphore, #tpu.memory_space<semaphore_mem>>
      %dma_start3A = arith.constant 0 : i32
      %dma_start3A_7 = tpu.memref_slice %arg2[%add3A, %dma_start3A] : memref<32x10240xi32, #tpu.memory_space<hbm>> -> memref<1x10240xi32, #tpu.memory_space<hbm>>
      %dma_start3A_8 = tpu.memref_squeeze %dma_start3A_7 : memref<1x10240xi32, #tpu.memory_space<hbm>> -> memref<10240xi32, #tpu.memory_space<hbm>>
      %dma_start3A_9 = arith.constant 0 : i32
      %dma_start3A_10 = tpu.memref_slice %arg2[%add3A, %dma_start3A_9] : memref<32x10240xi32, #tpu.memory_space<hbm>> -> memref<1x10240xi32, #tpu.memory_space<hbm>>
      %dma_start3A_11 = tpu.memref_squeeze %dma_start3A_10 : memref<1x10240xi32, #tpu.memory_space<hbm>> -> memref<10240xi32, #tpu.memory_space<hbm>>
      tpu.enqueue_dma source(%dma_start3A_11 : memref<10240xi32, #tpu.memory_space<hbm>>) target(%arg5 : memref<10240xi32, #tpu.memory_space<vmem>>) target_semaphore(%run_scoped3A : memref<!tpu.dma_semaphore, #tpu.memory_space<semaphore_mem>>)
      %dma_wait3A = arith.constant 0 : i32
      %dma_wait3A_12 = tpu.memref_slice %arg2[%add3A, %dma_wait3A] : memref<32x10240xi32, #tpu.memory_space<hbm>> -> memref<1x10240xi32, #tpu.memory_space<hbm>>
      %dma_wait3A_13 = tpu.memref_squeeze %dma_wait3A_12 : memref<1x10240xi32, #tpu.memory_space<hbm>> -> memref<10240xi32, #tpu.memory_space<hbm>>
      %dma_wait3A_14 = arith.constant 0 : i32
      %dma_wait3A_15 = tpu.memref_slice %arg2[%add3A, %dma_wait3A_14] : memref<32x10240xi32, #tpu.memory_space<hbm>> -> memref<1x10240xi32, #tpu.memory_space<hbm>>
      %dma_wait3A_16 = tpu.memref_squeeze %dma_wait3A_15 : memref<1x10240xi32, #tpu.memory_space<hbm>> -> memref<10240xi32, #tpu.memory_space<hbm>>
      tpu.wait_dma2 semaphore(%run_scoped3A : memref<!tpu.dma_semaphore, #tpu.memory_space<semaphore_mem>>) src(%dma_wait3A_16 : memref<10240xi32, #tpu.memory_space<hbm>>) dst(%arg5 : memref<10240xi32, #tpu.memory_space<vmem>>)
      tpu.yield
    }) : () -> ()
    %broadcast_in_dim3A = arith.constant 1.000000e+00 : f32
    %broadcast_in_dim3A_1 = vector.broadcast %broadcast_in_dim3A : f32 to vector<16xf32>
    %scan3A = arith.constant 0 : i32
    %scan3A_2 = arith.constant 0 : i32
    %scan3A_3 = arith.constant 640 : i32
    %scan3A_4 = arith.addi %scan3A_2, %scan3A_3 : i32
    %scan3A_5 = arith.constant 1 : i32
    scf.for %scan3A_7 = %scan3A_2 to %scan3A_4 step %scan3A_5  : i32 {
      %mul3A_8 = arith.constant 16 : i32
      %mul3A_9 = arith.muli %scan3A_7, %mul3A_8 : i32
      %get3A = arith.index_cast %mul3A_9 : i32 to index
      %get3A_10 = tpu.vector_load %arg5[%get3A] {strides = array<i32>} : memref<10240xi32, #tpu.memory_space<vmem>>, vector<16xi32>,
      tpu.vector_store_idx %arg6[%get3A_10], %broadcast_in_dim3A_1 {add = true} : memref<10240xf32, #tpu.memory_space<vmem>>[vector<16xi32>], vector<16xf32>,
    }
    %scan3A_6 = arith.constant 640 : i32
    "tpu.region"() ({
      %run_scoped3A = tpu.sem_alloc : memref<!tpu.dma_semaphore, #tpu.memory_space<semaphore_mem>>
      %dma_start3A = arith.constant 0 : i32
      %dma_start3A_7 = tpu.memref_slice %arg4[%arg0, %arg1, %dma_start3A] : memref<2x16x10240xf32, #tpu.memory_space<hbm>> -> memref<1x1x10240xf32, #tpu.memory_space<hbm>>
      %dma_start3A_8 = tpu.memref_squeeze %dma_start3A_7 : memref<1x1x10240xf32, #tpu.memory_space<hbm>> -> memref<10240xf32, #tpu.memory_space<hbm>>
      %dma_start3A_9 = arith.constant 0 : i32
      %dma_start3A_10 = tpu.memref_slice %arg4[%arg0, %arg1, %dma_start3A_9] : memref<2x16x10240xf32, #tpu.memory_space<hbm>> -> memref<1x1x10240xf32, #tpu.memory_space<hbm>>
      %dma_start3A_11 = tpu.memref_squeeze %dma_start3A_10 : memref<1x1x10240xf32, #tpu.memory_space<hbm>> -> memref<10240xf32, #tpu.memory_space<hbm>>
      tpu.enqueue_dma source(%arg6 : memref<10240xf32, #tpu.memory_space<vmem>>) target(%dma_start3A_11 : memref<10240xf32, #tpu.memory_space<hbm>>) target_semaphore(%run_scoped3A : memref<!tpu.dma_semaphore, #tpu.memory_space<semaphore_mem>>)
      %dma_wait3A = arith.constant 0 : i32
      %dma_wait3A_12 = tpu.memref_slice %arg4[%arg0, %arg1, %dma_wait3A] : memref<2x16x10240xf32, #tpu.memory_space<hbm>> -> memref<1x1x10240xf32, #tpu.memory_space<hbm>>
      %dma_wait3A_13 = tpu.memref_squeeze %dma_wait3A_12 : memref<1x1x10240xf32, #tpu.memory_space<hbm>> -> memref<10240xf32, #tpu.memory_space<hbm>>
      %dma_wait3A_14 = arith.constant 0 : i32
      %dma_wait3A_15 = tpu.memref_slice %arg4[%arg0, %arg1, %dma_wait3A_14] : memref<2x16x10240xf32, #tpu.memory_space<hbm>> -> memref<1x1x10240xf32, #tpu.memory_space<hbm>>
      %dma_wait3A_16 = tpu.memref_squeeze %dma_wait3A_15 : memref<1x1x10240xf32, #tpu.memory_space<hbm>> -> memref<10240xf32, #tpu.memory_space<hbm>>
      tpu.wait_dma2 semaphore(%run_scoped3A : memref<!tpu.dma_semaphore, #tpu.memory_space<semaphore_mem>>) src(%arg6 : memref<10240xf32, #tpu.memory_space<vmem>>) dst(%dma_wait3A_16 : memref<10240xf32, #tpu.memory_space<hbm>>)
      tpu.yield
    }) : () -> ()
    return
  }
}

#map = affine_map<(d0, d1) -> (0, 0)>
#map1 = affine_map<(d0, d1) -> (0, 0, 0)>
module attributes {stable_mosaic.version = 14 : i64} {
  func.func @agg(%arg0: i32, %arg1: i32, %arg2: memref<10240x128xf32, #tpu.memory_space<hbm>>, %arg3: memref<2568x128xi32, #tpu.memory_space<hbm>>, %arg4: memref<2560x128xi32, #tpu.memory_space<hbm>>, %arg5: memref<10240x128xf32, #tpu.memory_space<hbm>>, %arg6: memref<2x10240x128xf32, #tpu.memory_space<hbm>>, %arg7: memref<80x128xi32, #tpu.memory_space<vmem>>, %arg8: memref<128xi32, #tpu.memory_space<vmem>>, %arg9: memref<128xi32, #tpu.memory_space<vmem>>, %arg10: memref<128xi32, #tpu.memory_space<vmem>>, %arg11: memref<128xi32, #tpu.memory_space<vmem>>, %arg12: memref<128x128xf32, #tpu.memory_space<vmem>>, %arg13: memref<128x128xf32, #tpu.memory_space<vmem>>, %arg14: memref<10240x128xf32, #tpu.memory_space<vmem_shared>>, %arg15: memref<!tpu.dma_semaphore, #tpu.memory_space<semaphore_mem>>, %arg16: memref<!tpu.dma_semaphore, #tpu.memory_space<semaphore_mem>>, %arg17: memref<!tpu.dma_semaphore, #tpu.memory_space<semaphore_mem>>, %arg18: memref<!tpu.dma_semaphore, #tpu.memory_space<semaphore_mem>>, %arg19: memref<!tpu.dma_semaphore, #tpu.memory_space<semaphore_mem>>, %arg20: memref<!tpu.dma_semaphore, #tpu.memory_space<semaphore_mem>>, %arg21: memref<!tpu.dma_semaphore, #tpu.memory_space<semaphore_mem>>, %arg22: memref<!tpu.dma_semaphore, #tpu.memory_space<semaphore_mem>>) attributes {dimension_semantics = [#tpu.dimension_semantics<core_parallel>, #tpu.dimension_semantics<subcore_parallel>], iteration_bounds = array<i64: 2, 16>, scalar_prefetch = 0 : i64, scratch_operands = 16 : i64, tpu.core_type = #tpu.core_type<sc_vector_subcore>, window_params = [{transform_indices = #map}, {transform_indices = #map}, {transform_indices = #map}, {transform_indices = #map}, {transform_indices = #map1}]} {
    %mul3A = arith.constant 2 : i32
    %mul3A_0 = arith.muli %arg1, %mul3A : i32
    %add3A = arith.addi %mul3A_0, %arg0 : i32
    %mul3A_1 = arith.constant 640 : i32
    %mul3A_2 = arith.muli %arg1, %mul3A_1 : i32
    "tpu.region"() ({
      %run_scoped3A = tpu.sem_alloc : memref<!tpu.dma_semaphore, #tpu.memory_space<semaphore_mem>>
      %dma_start3A_204 = arith.constant 0 : i32
      %dma_start3A_205 = tpu.memref_slice %arg14[%mul3A_2, %dma_start3A_204] : memref<10240x128xf32, #tpu.memory_space<vmem_shared>> -> memref<640x128xf32, #tpu.memory_space<vmem_shared>>
      %dma_start3A_206 = arith.constant 0 : i32
      %dma_start3A_207 = tpu.memref_slice %arg5[%mul3A_2, %dma_start3A_206] : memref<10240x128xf32, #tpu.memory_space<hbm>> -> memref<640x128xf32, #tpu.memory_space<hbm>>
      tpu.enqueue_dma source(%dma_start3A_207 : memref<640x128xf32, #tpu.memory_space<hbm>>) target(%dma_start3A_205 : memref<640x128xf32, #tpu.memory_space<vmem_shared>>) target_semaphore(%run_scoped3A : memref<!tpu.dma_semaphore, #tpu.memory_space<semaphore_mem>>)
      %dma_wait3A_208 = arith.constant 0 : i32
      %dma_wait3A_209 = tpu.memref_slice %arg14[%mul3A_2, %dma_wait3A_208] : memref<10240x128xf32, #tpu.memory_space<vmem_shared>> -> memref<640x128xf32, #tpu.memory_space<vmem_shared>>
      %dma_wait3A_210 = arith.constant 0 : i32
      %dma_wait3A_211 = tpu.memref_slice %arg5[%mul3A_2, %dma_wait3A_210] : memref<10240x128xf32, #tpu.memory_space<hbm>> -> memref<640x128xf32, #tpu.memory_space<hbm>>
      tpu.wait_dma2 semaphore(%run_scoped3A : memref<!tpu.dma_semaphore, #tpu.memory_space<semaphore_mem>>) src(%dma_wait3A_211 : memref<640x128xf32, #tpu.memory_space<hbm>>) dst(%dma_wait3A_209 : memref<640x128xf32, #tpu.memory_space<vmem_shared>>)
      tpu.yield
    }) : () -> ()
    %mul3A_3 = arith.constant 80 : i32
    %mul3A_4 = arith.muli %add3A, %mul3A_3 : i32
    "tpu.region"() ({
      %run_scoped3A = tpu.sem_alloc : memref<!tpu.dma_semaphore, #tpu.memory_space<semaphore_mem>>
      %dma_start3A_204 = arith.constant 0 : i32
      %dma_start3A_205 = tpu.memref_slice %arg4[%mul3A_4, %dma_start3A_204] : memref<2560x128xi32, #tpu.memory_space<hbm>> -> memref<80x128xi32, #tpu.memory_space<hbm>>
      %dma_start3A_206 = arith.constant 0 : i32
      %dma_start3A_207 = tpu.memref_slice %arg4[%mul3A_4, %dma_start3A_206] : memref<2560x128xi32, #tpu.memory_space<hbm>> -> memref<80x128xi32, #tpu.memory_space<hbm>>
      tpu.enqueue_dma source(%dma_start3A_207 : memref<80x128xi32, #tpu.memory_space<hbm>>) target(%arg7 : memref<80x128xi32, #tpu.memory_space<vmem>>) target_semaphore(%run_scoped3A : memref<!tpu.dma_semaphore, #tpu.memory_space<semaphore_mem>>)
      %dma_wait3A_208 = arith.constant 0 : i32
      %dma_wait3A_209 = tpu.memref_slice %arg4[%mul3A_4, %dma_wait3A_208] : memref<2560x128xi32, #tpu.memory_space<hbm>> -> memref<80x128xi32, #tpu.memory_space<hbm>>
      %dma_wait3A_210 = arith.constant 0 : i32
      %dma_wait3A_211 = tpu.memref_slice %arg4[%mul3A_4, %dma_wait3A_210] : memref<2560x128xi32, #tpu.memory_space<hbm>> -> memref<80x128xi32, #tpu.memory_space<hbm>>
      tpu.wait_dma2 semaphore(%run_scoped3A : memref<!tpu.dma_semaphore, #tpu.memory_space<semaphore_mem>>) src(%dma_wait3A_211 : memref<80x128xi32, #tpu.memory_space<hbm>>) dst(%arg7 : memref<80x128xi32, #tpu.memory_space<vmem>>)
      tpu.yield
    }) : () -> ()
    %barrier3A = arith.constant 0 : index
    tpu.barrier barrier_id(%barrier3A)
    %mul3A_5 = arith.constant 80 : i32
    %mul3A_6 = arith.muli %add3A, %mul3A_5 : i32
    %add3A_7 = arith.constant 0 : i32
    %add3A_8 = arith.addi %mul3A_6, %add3A_7 : i32
    %dma_start3A = arith.constant 0 : i32
    %dma_start3A_9 = tpu.memref_slice %arg3[%add3A_8, %dma_start3A] : memref<2568x128xi32, #tpu.memory_space<hbm>> -> memref<1x128xi32, #tpu.memory_space<hbm>>
    %dma_start3A_10 = tpu.memref_squeeze %dma_start3A_9 : memref<1x128xi32, #tpu.memory_space<hbm>> -> memref<128xi32, #tpu.memory_space<hbm>>
    %dma_start3A_11 = arith.constant 0 : i32
    %dma_start3A_12 = tpu.memref_slice %arg3[%add3A_8, %dma_start3A_11] : memref<2568x128xi32, #tpu.memory_space<hbm>> -> memref<1x128xi32, #tpu.memory_space<hbm>>
    %dma_start3A_13 = tpu.memref_squeeze %dma_start3A_12 : memref<1x128xi32, #tpu.memory_space<hbm>> -> memref<128xi32, #tpu.memory_space<hbm>>
    tpu.enqueue_dma source(%dma_start3A_13 : memref<128xi32, #tpu.memory_space<hbm>>) target(%arg8 : memref<128xi32, #tpu.memory_space<vmem>>) target_semaphore(%arg15 : memref<!tpu.dma_semaphore, #tpu.memory_space<semaphore_mem>>)
    %mul3A_14 = arith.constant 80 : i32
    %mul3A_15 = arith.muli %add3A, %mul3A_14 : i32
    %add3A_16 = arith.constant 1 : i32
    %add3A_17 = arith.addi %mul3A_15, %add3A_16 : i32
    %dma_start3A_18 = arith.constant 0 : i32
    %dma_start3A_19 = tpu.memref_slice %arg3[%add3A_17, %dma_start3A_18] : memref<2568x128xi32, #tpu.memory_space<hbm>> -> memref<1x128xi32, #tpu.memory_space<hbm>>
    %dma_start3A_20 = tpu.memref_squeeze %dma_start3A_19 : memref<1x128xi32, #tpu.memory_space<hbm>> -> memref<128xi32, #tpu.memory_space<hbm>>
    %dma_start3A_21 = arith.constant 0 : i32
    %dma_start3A_22 = tpu.memref_slice %arg3[%add3A_17, %dma_start3A_21] : memref<2568x128xi32, #tpu.memory_space<hbm>> -> memref<1x128xi32, #tpu.memory_space<hbm>>
    %dma_start3A_23 = tpu.memref_squeeze %dma_start3A_22 : memref<1x128xi32, #tpu.memory_space<hbm>> -> memref<128xi32, #tpu.memory_space<hbm>>
    tpu.enqueue_dma source(%dma_start3A_23 : memref<128xi32, #tpu.memory_space<hbm>>) target(%arg9 : memref<128xi32, #tpu.memory_space<vmem>>) target_semaphore(%arg16 : memref<!tpu.dma_semaphore, #tpu.memory_space<semaphore_mem>>)
    %mul3A_24 = arith.constant 80 : i32
    %mul3A_25 = arith.muli %add3A, %mul3A_24 : i32
    %add3A_26 = arith.constant 2 : i32
    %add3A_27 = arith.addi %mul3A_25, %add3A_26 : i32
    %dma_start3A_28 = arith.constant 0 : i32
    %dma_start3A_29 = tpu.memref_slice %arg3[%add3A_27, %dma_start3A_28] : memref<2568x128xi32, #tpu.memory_space<hbm>> -> memref<1x128xi32, #tpu.memory_space<hbm>>
    %dma_start3A_30 = tpu.memref_squeeze %dma_start3A_29 : memref<1x128xi32, #tpu.memory_space<hbm>> -> memref<128xi32, #tpu.memory_space<hbm>>
    %dma_start3A_31 = arith.constant 0 : i32
    %dma_start3A_32 = tpu.memref_slice %arg3[%add3A_27, %dma_start3A_31] : memref<2568x128xi32, #tpu.memory_space<hbm>> -> memref<1x128xi32, #tpu.memory_space<hbm>>
    %dma_start3A_33 = tpu.memref_squeeze %dma_start3A_32 : memref<1x128xi32, #tpu.memory_space<hbm>> -> memref<128xi32, #tpu.memory_space<hbm>>
    tpu.enqueue_dma source(%dma_start3A_33 : memref<128xi32, #tpu.memory_space<hbm>>) target(%arg10 : memref<128xi32, #tpu.memory_space<vmem>>) target_semaphore(%arg17 : memref<!tpu.dma_semaphore, #tpu.memory_space<semaphore_mem>>)
    %mul3A_34 = arith.constant 80 : i32
    %mul3A_35 = arith.muli %add3A, %mul3A_34 : i32
    %add3A_36 = arith.constant 3 : i32
    %add3A_37 = arith.addi %mul3A_35, %add3A_36 : i32
    %dma_start3A_38 = arith.constant 0 : i32
    %dma_start3A_39 = tpu.memref_slice %arg3[%add3A_37, %dma_start3A_38] : memref<2568x128xi32, #tpu.memory_space<hbm>> -> memref<1x128xi32, #tpu.memory_space<hbm>>
    %dma_start3A_40 = tpu.memref_squeeze %dma_start3A_39 : memref<1x128xi32, #tpu.memory_space<hbm>> -> memref<128xi32, #tpu.memory_space<hbm>>
    %dma_start3A_41 = arith.constant 0 : i32
    %dma_start3A_42 = tpu.memref_slice %arg3[%add3A_37, %dma_start3A_41] : memref<2568x128xi32, #tpu.memory_space<hbm>> -> memref<1x128xi32, #tpu.memory_space<hbm>>
    %dma_start3A_43 = tpu.memref_squeeze %dma_start3A_42 : memref<1x128xi32, #tpu.memory_space<hbm>> -> memref<128xi32, #tpu.memory_space<hbm>>
    tpu.enqueue_dma source(%dma_start3A_43 : memref<128xi32, #tpu.memory_space<hbm>>) target(%arg11 : memref<128xi32, #tpu.memory_space<vmem>>) target_semaphore(%arg18 : memref<!tpu.dma_semaphore, #tpu.memory_space<semaphore_mem>>)
    %dma_wait3A = arith.constant 0 : i32
    %dma_wait3A_44 = arith.constant 0 : i32
    %dma_wait3A_45 = tpu.memref_slice %arg3[%dma_wait3A, %dma_wait3A_44] : memref<2568x128xi32, #tpu.memory_space<hbm>> -> memref<1x128xi32, #tpu.memory_space<hbm>>
    %dma_wait3A_46 = tpu.memref_squeeze %dma_wait3A_45 : memref<1x128xi32, #tpu.memory_space<hbm>> -> memref<128xi32, #tpu.memory_space<hbm>>
    %dma_wait3A_47 = arith.constant 0 : i32
    %dma_wait3A_48 = tpu.memref_slice %arg3[%dma_wait3A, %dma_wait3A_47] : memref<2568x128xi32, #tpu.memory_space<hbm>> -> memref<1x128xi32, #tpu.memory_space<hbm>>
    %dma_wait3A_49 = tpu.memref_squeeze %dma_wait3A_48 : memref<1x128xi32, #tpu.memory_space<hbm>> -> memref<128xi32, #tpu.memory_space<hbm>>
    tpu.wait_dma2 semaphore(%arg15 : memref<!tpu.dma_semaphore, #tpu.memory_space<semaphore_mem>>) src(%dma_wait3A_49 : memref<128xi32, #tpu.memory_space<hbm>>) dst(%arg8 : memref<128xi32, #tpu.memory_space<vmem>>)
    %dma_start3A_50 = arith.constant 0 : i32
    %dma_start3A_51 = arith.constant 0 : i32
    %dma_start3A_52 = tpu.memref_slice %arg2[%dma_start3A_50, %dma_start3A_51] : memref<10240x128xf32, #tpu.memory_space<hbm>> -> memref<10240x128xf32, #tpu.memory_space<hbm>>
    tpu.enqueue_indirect_dma source(%dma_start3A_52 : memref<10240x128xf32, #tpu.memory_space<hbm>>) target(%arg12 : memref<128x128xf32, #tpu.memory_space<vmem>>) offsets(%arg8 : memref<128xi32, #tpu.memory_space<vmem>>) semaphore(%arg19 : memref<!tpu.dma_semaphore, #tpu.memory_space<semaphore_mem>>)
    %dma_wait3A_53 = arith.constant 0 : i32
    %dma_wait3A_54 = arith.constant 0 : i32
    %dma_wait3A_55 = tpu.memref_slice %arg3[%dma_wait3A_53, %dma_wait3A_54] : memref<2568x128xi32, #tpu.memory_space<hbm>> -> memref<1x128xi32, #tpu.memory_space<hbm>>
    %dma_wait3A_56 = tpu.memref_squeeze %dma_wait3A_55 : memref<1x128xi32, #tpu.memory_space<hbm>> -> memref<128xi32, #tpu.memory_space<hbm>>
    %dma_wait3A_57 = arith.constant 0 : i32
    %dma_wait3A_58 = tpu.memref_slice %arg3[%dma_wait3A_53, %dma_wait3A_57] : memref<2568x128xi32, #tpu.memory_space<hbm>> -> memref<1x128xi32, #tpu.memory_space<hbm>>
    %dma_wait3A_59 = tpu.memref_squeeze %dma_wait3A_58 : memref<1x128xi32, #tpu.memory_space<hbm>> -> memref<128xi32, #tpu.memory_space<hbm>>
    tpu.wait_dma2 semaphore(%arg16 : memref<!tpu.dma_semaphore, #tpu.memory_space<semaphore_mem>>) src(%dma_wait3A_59 : memref<128xi32, #tpu.memory_space<hbm>>) dst(%arg9 : memref<128xi32, #tpu.memory_space<vmem>>)
    %dma_start3A_60 = arith.constant 0 : i32
    %dma_start3A_61 = arith.constant 0 : i32
    %dma_start3A_62 = tpu.memref_slice %arg2[%dma_start3A_60, %dma_start3A_61] : memref<10240x128xf32, #tpu.memory_space<hbm>> -> memref<10240x128xf32, #tpu.memory_space<hbm>>
    tpu.enqueue_indirect_dma source(%dma_start3A_62 : memref<10240x128xf32, #tpu.memory_space<hbm>>) target(%arg13 : memref<128x128xf32, #tpu.memory_space<vmem>>) offsets(%arg9 : memref<128xi32, #tpu.memory_space<vmem>>) semaphore(%arg20 : memref<!tpu.dma_semaphore, #tpu.memory_space<semaphore_mem>>)
    %dma_wait3A_63 = arith.constant 0 : i32
    %dma_wait3A_64 = arith.constant 0 : i32
    %dma_wait3A_65 = tpu.memref_slice %arg2[%dma_wait3A_63, %dma_wait3A_64] : memref<10240x128xf32, #tpu.memory_space<hbm>> -> memref<10240x128xf32, #tpu.memory_space<hbm>>
    tpu.wait_indirect_dma semaphore(%arg19 : memref<!tpu.dma_semaphore, #tpu.memory_space<semaphore_mem>>) src(%dma_wait3A_65 : memref<10240x128xf32, #tpu.memory_space<hbm>>) dst(%arg12 : memref<128x128xf32, #tpu.memory_space<vmem>>)
    %mul3A_66 = arith.constant 80 : i32
    %mul3A_67 = arith.muli %add3A, %mul3A_66 : i32
    %add3A_68 = arith.constant 4 : i32
    %add3A_69 = arith.addi %mul3A_67, %add3A_68 : i32
    %dma_start3A_70 = arith.constant 0 : i32
    %dma_start3A_71 = tpu.memref_slice %arg3[%add3A_69, %dma_start3A_70] : memref<2568x128xi32, #tpu.memory_space<hbm>> -> memref<1x128xi32, #tpu.memory_space<hbm>>
    %dma_start3A_72 = tpu.memref_squeeze %dma_start3A_71 : memref<1x128xi32, #tpu.memory_space<hbm>> -> memref<128xi32, #tpu.memory_space<hbm>>
    %dma_start3A_73 = arith.constant 0 : i32
    %dma_start3A_74 = tpu.memref_slice %arg3[%add3A_69, %dma_start3A_73] : memref<2568x128xi32, #tpu.memory_space<hbm>> -> memref<1x128xi32, #tpu.memory_space<hbm>>
    %dma_start3A_75 = tpu.memref_squeeze %dma_start3A_74 : memref<1x128xi32, #tpu.memory_space<hbm>> -> memref<128xi32, #tpu.memory_space<hbm>>
    tpu.enqueue_dma source(%dma_start3A_75 : memref<128xi32, #tpu.memory_space<hbm>>) target(%arg8 : memref<128xi32, #tpu.memory_space<vmem>>) target_semaphore(%arg15 : memref<!tpu.dma_semaphore, #tpu.memory_space<semaphore_mem>>)
    %dma_start3A_76 = arith.constant 0 : i32
    %dma_start3A_77 = arith.constant 0 : i32
    %dma_start3A_78 = tpu.memref_slice %arg7[%dma_start3A_76, %dma_start3A_77] : memref<80x128xi32, #tpu.memory_space<vmem>> -> memref<1x128xi32, #tpu.memory_space<vmem>>
    %dma_start3A_79 = tpu.memref_squeeze %dma_start3A_78 : memref<1x128xi32, #tpu.memory_space<vmem>> -> memref<128xi32, #tpu.memory_space<vmem>>
    %dma_start3A_80 = arith.constant 0 : i32
    %dma_start3A_81 = arith.constant 0 : i32
    %dma_start3A_82 = tpu.memref_slice %arg14[%dma_start3A_80, %dma_start3A_81] : memref<10240x128xf32, #tpu.memory_space<vmem_shared>> -> memref<10240x128xf32, #tpu.memory_space<vmem_shared>>
    tpu.enqueue_indirect_dma source(%arg12 : memref<128x128xf32, #tpu.memory_space<vmem>>) target(%dma_start3A_82 : memref<10240x128xf32, #tpu.memory_space<vmem_shared>>) offsets(%dma_start3A_79 : memref<128xi32, #tpu.memory_space<vmem>>) semaphore(%arg21 : memref<!tpu.dma_semaphore, #tpu.memory_space<semaphore_mem>>) {add = true}
    %dma_wait3A_83 = arith.constant 0 : i32
    %dma_wait3A_84 = arith.constant 0 : i32
    %dma_wait3A_85 = tpu.memref_slice %arg3[%dma_wait3A_83, %dma_wait3A_84] : memref<2568x128xi32, #tpu.memory_space<hbm>> -> memref<1x128xi32, #tpu.memory_space<hbm>>
    %dma_wait3A_86 = tpu.memref_squeeze %dma_wait3A_85 : memref<1x128xi32, #tpu.memory_space<hbm>> -> memref<128xi32, #tpu.memory_space<hbm>>
    %dma_wait3A_87 = arith.constant 0 : i32
    %dma_wait3A_88 = tpu.memref_slice %arg3[%dma_wait3A_83, %dma_wait3A_87] : memref<2568x128xi32, #tpu.memory_space<hbm>> -> memref<1x128xi32, #tpu.memory_space<hbm>>
    %dma_wait3A_89 = tpu.memref_squeeze %dma_wait3A_88 : memref<1x128xi32, #tpu.memory_space<hbm>> -> memref<128xi32, #tpu.memory_space<hbm>>
    tpu.wait_dma2 semaphore(%arg17 : memref<!tpu.dma_semaphore, #tpu.memory_space<semaphore_mem>>) src(%dma_wait3A_89 : memref<128xi32, #tpu.memory_space<hbm>>) dst(%arg10 : memref<128xi32, #tpu.memory_space<vmem>>)
    %dma_wait3A_90 = arith.constant 0 : i32
    %dma_wait3A_91 = arith.constant 0 : i32
    %dma_wait3A_92 = tpu.memref_slice %arg14[%dma_wait3A_90, %dma_wait3A_91] : memref<10240x128xf32, #tpu.memory_space<vmem_shared>> -> memref<128x128xf32, #tpu.memory_space<vmem_shared>>
    %dma_wait3A_93 = arith.constant 0 : i32
    %dma_wait3A_94 = arith.constant 0 : i32
    %dma_wait3A_95 = tpu.memref_slice %arg14[%dma_wait3A_93, %dma_wait3A_94] : memref<10240x128xf32, #tpu.memory_space<vmem_shared>> -> memref<128x128xf32, #tpu.memory_space<vmem_shared>>
    tpu.wait_dma2 semaphore(%arg21 : memref<!tpu.dma_semaphore, #tpu.memory_space<semaphore_mem>>) src(%arg12 : memref<128x128xf32, #tpu.memory_space<vmem>>) dst(%dma_wait3A_95 : memref<128x128xf32, #tpu.memory_space<vmem_shared>>)
    %dma_start3A_96 = arith.constant 0 : i32
    %dma_start3A_97 = arith.constant 0 : i32
    %dma_start3A_98 = tpu.memref_slice %arg2[%dma_start3A_96, %dma_start3A_97] : memref<10240x128xf32, #tpu.memory_space<hbm>> -> memref<10240x128xf32, #tpu.memory_space<hbm>>
    tpu.enqueue_indirect_dma source(%dma_start3A_98 : memref<10240x128xf32, #tpu.memory_space<hbm>>) target(%arg12 : memref<128x128xf32, #tpu.memory_space<vmem>>) offsets(%arg10 : memref<128xi32, #tpu.memory_space<vmem>>) semaphore(%arg19 : memref<!tpu.dma_semaphore, #tpu.memory_space<semaphore_mem>>)
    %dma_wait3A_99 = arith.constant 0 : i32
    %dma_wait3A_100 = arith.constant 0 : i32
    %dma_wait3A_101 = tpu.memref_slice %arg2[%dma_wait3A_99, %dma_wait3A_100] : memref<10240x128xf32, #tpu.memory_space<hbm>> -> memref<10240x128xf32, #tpu.memory_space<hbm>>
    tpu.wait_indirect_dma semaphore(%arg20 : memref<!tpu.dma_semaphore, #tpu.memory_space<semaphore_mem>>) src(%dma_wait3A_101 : memref<10240x128xf32, #tpu.memory_space<hbm>>) dst(%arg13 : memref<128x128xf32, #tpu.memory_space<vmem>>)
    %mul3A_102 = arith.constant 80 : i32
    %mul3A_103 = arith.muli %add3A, %mul3A_102 : i32
    %add3A_104 = arith.constant 5 : i32
    %add3A_105 = arith.addi %mul3A_103, %add3A_104 : i32
    %dma_start3A_106 = arith.constant 0 : i32
    %dma_start3A_107 = tpu.memref_slice %arg3[%add3A_105, %dma_start3A_106] : memref<2568x128xi32, #tpu.memory_space<hbm>> -> memref<1x128xi32, #tpu.memory_space<hbm>>
    %dma_start3A_108 = tpu.memref_squeeze %dma_start3A_107 : memref<1x128xi32, #tpu.memory_space<hbm>> -> memref<128xi32, #tpu.memory_space<hbm>>
    %dma_start3A_109 = arith.constant 0 : i32
    %dma_start3A_110 = tpu.memref_slice %arg3[%add3A_105, %dma_start3A_109] : memref<2568x128xi32, #tpu.memory_space<hbm>> -> memref<1x128xi32, #tpu.memory_space<hbm>>
    %dma_start3A_111 = tpu.memref_squeeze %dma_start3A_110 : memref<1x128xi32, #tpu.memory_space<hbm>> -> memref<128xi32, #tpu.memory_space<hbm>>
    tpu.enqueue_dma source(%dma_start3A_111 : memref<128xi32, #tpu.memory_space<hbm>>) target(%arg9 : memref<128xi32, #tpu.memory_space<vmem>>) target_semaphore(%arg16 : memref<!tpu.dma_semaphore, #tpu.memory_space<semaphore_mem>>)
    %dma_start3A_112 = arith.constant 1 : i32
    %dma_start3A_113 = arith.constant 0 : i32
    %dma_start3A_114 = tpu.memref_slice %arg7[%dma_start3A_112, %dma_start3A_113] : memref<80x128xi32, #tpu.memory_space<vmem>> -> memref<1x128xi32, #tpu.memory_space<vmem>>
    %dma_start3A_115 = tpu.memref_squeeze %dma_start3A_114 : memref<1x128xi32, #tpu.memory_space<vmem>> -> memref<128xi32, #tpu.memory_space<vmem>>
    %dma_start3A_116 = arith.constant 0 : i32
    %dma_start3A_117 = arith.constant 0 : i32
    %dma_start3A_118 = tpu.memref_slice %arg14[%dma_start3A_116, %dma_start3A_117] : memref<10240x128xf32, #tpu.memory_space<vmem_shared>> -> memref<10240x128xf32, #tpu.memory_space<vmem_shared>>
    tpu.enqueue_indirect_dma source(%arg13 : memref<128x128xf32, #tpu.memory_space<vmem>>) target(%dma_start3A_118 : memref<10240x128xf32, #tpu.memory_space<vmem_shared>>) offsets(%dma_start3A_115 : memref<128xi32, #tpu.memory_space<vmem>>) semaphore(%arg22 : memref<!tpu.dma_semaphore, #tpu.memory_space<semaphore_mem>>) {add = true}
    %dma_wait3A_119 = arith.constant 0 : i32
    %dma_wait3A_120 = arith.constant 0 : i32
    %dma_wait3A_121 = tpu.memref_slice %arg3[%dma_wait3A_119, %dma_wait3A_120] : memref<2568x128xi32, #tpu.memory_space<hbm>> -> memref<1x128xi32, #tpu.memory_space<hbm>>
    %dma_wait3A_122 = tpu.memref_squeeze %dma_wait3A_121 : memref<1x128xi32, #tpu.memory_space<hbm>> -> memref<128xi32, #tpu.memory_space<hbm>>
    %dma_wait3A_123 = arith.constant 0 : i32
    %dma_wait3A_124 = tpu.memref_slice %arg3[%dma_wait3A_119, %dma_wait3A_123] : memref<2568x128xi32, #tpu.memory_space<hbm>> -> memref<1x128xi32, #tpu.memory_space<hbm>>
    %dma_wait3A_125 = tpu.memref_squeeze %dma_wait3A_124 : memref<1x128xi32, #tpu.memory_space<hbm>> -> memref<128xi32, #tpu.memory_space<hbm>>
    tpu.wait_dma2 semaphore(%arg18 : memref<!tpu.dma_semaphore, #tpu.memory_space<semaphore_mem>>) src(%dma_wait3A_125 : memref<128xi32, #tpu.memory_space<hbm>>) dst(%arg11 : memref<128xi32, #tpu.memory_space<vmem>>)
    %dma_wait3A_126 = arith.constant 0 : i32
    %dma_wait3A_127 = arith.constant 0 : i32
    %dma_wait3A_128 = tpu.memref_slice %arg14[%dma_wait3A_126, %dma_wait3A_127] : memref<10240x128xf32, #tpu.memory_space<vmem_shared>> -> memref<128x128xf32, #tpu.memory_space<vmem_shared>>
    %dma_wait3A_129 = arith.constant 0 : i32
    %dma_wait3A_130 = arith.constant 0 : i32
    %dma_wait3A_131 = tpu.memref_slice %arg14[%dma_wait3A_129, %dma_wait3A_130] : memref<10240x128xf32, #tpu.memory_space<vmem_shared>> -> memref<128x128xf32, #tpu.memory_space<vmem_shared>>
    tpu.wait_dma2 semaphore(%arg22 : memref<!tpu.dma_semaphore, #tpu.memory_space<semaphore_mem>>) src(%arg13 : memref<128x128xf32, #tpu.memory_space<vmem>>) dst(%dma_wait3A_131 : memref<128x128xf32, #tpu.memory_space<vmem_shared>>)
    %dma_start3A_132 = arith.constant 0 : i32
    %dma_start3A_133 = arith.constant 0 : i32
    %dma_start3A_134 = tpu.memref_slice %arg2[%dma_start3A_132, %dma_start3A_133] : memref<10240x128xf32, #tpu.memory_space<hbm>> -> memref<10240x128xf32, #tpu.memory_space<hbm>>
    tpu.enqueue_indirect_dma source(%dma_start3A_134 : memref<10240x128xf32, #tpu.memory_space<hbm>>) target(%arg13 : memref<128x128xf32, #tpu.memory_space<vmem>>) offsets(%arg11 : memref<128xi32, #tpu.memory_space<vmem>>) semaphore(%arg20 : memref<!tpu.dma_semaphore, #tpu.memory_space<semaphore_mem>>)
    %dma_wait3A_135 = arith.constant 0 : i32
    %dma_wait3A_136 = arith.constant 0 : i32
    %dma_wait3A_137 = tpu.memref_slice %arg2[%dma_wait3A_135, %dma_wait3A_136] : memref<10240x128xf32, #tpu.memory_space<hbm>> -> memref<10240x128xf32, #tpu.memory_space<hbm>>
    tpu.wait_indirect_dma semaphore(%arg19 : memref<!tpu.dma_semaphore, #tpu.memory_space<semaphore_mem>>) src(%dma_wait3A_137 : memref<10240x128xf32, #tpu.memory_space<hbm>>) dst(%arg12 : memref<128x128xf32, #tpu.memory_space<vmem>>)
    %mul3A_138 = arith.constant 80 : i32
    %mul3A_139 = arith.muli %add3A, %mul3A_138 : i32
    %add3A_140 = arith.constant 6 : i32
    %add3A_141 = arith.addi %mul3A_139, %add3A_140 : i32
    %dma_start3A_142 = arith.constant 0 : i32
    %dma_start3A_143 = tpu.memref_slice %arg3[%add3A_141, %dma_start3A_142] : memref<2568x128xi32, #tpu.memory_space<hbm>> -> memref<1x128xi32, #tpu.memory_space<hbm>>
    %dma_start3A_144 = tpu.memref_squeeze %dma_start3A_143 : memref<1x128xi32, #tpu.memory_space<hbm>> -> memref<128xi32, #tpu.memory_space<hbm>>
    %dma_start3A_145 = arith.constant 0 : i32
    %dma_start3A_146 = tpu.memref_slice %arg3[%add3A_141, %dma_start3A_145] : memref<2568x128xi32, #tpu.memory_space<hbm>> -> memref<1x128xi32, #tpu.memory_space<hbm>>
    %dma_start3A_147 = tpu.memref_squeeze %dma_start3A_146 : memref<1x128xi32, #tpu.memory_space<hbm>> -> memref<128xi32, #tpu.memory_space<hbm>>
    tpu.enqueue_dma source(%dma_start3A_147 : memref<128xi32, #tpu.memory_space<hbm>>) target(%arg10 : memref<128xi32, #tpu.memory_space<vmem>>) target_semaphore(%arg17 : memref<!tpu.dma_semaphore, #tpu.memory_space<semaphore_mem>>)
    %dma_start3A_148 = arith.constant 2 : i32
    %dma_start3A_149 = arith.constant 0 : i32
    %dma_start3A_150 = tpu.memref_slice %arg7[%dma_start3A_148, %dma_start3A_149] : memref<80x128xi32, #tpu.memory_space<vmem>> -> memref<1x128xi32, #tpu.memory_space<vmem>>
    %dma_start3A_151 = tpu.memref_squeeze %dma_start3A_150 : memref<1x128xi32, #tpu.memory_space<vmem>> -> memref<128xi32, #tpu.memory_space<vmem>>
    %dma_start3A_152 = arith.constant 0 : i32
    %dma_start3A_153 = arith.constant 0 : i32
    %dma_start3A_154 = tpu.memref_slice %arg14[%dma_start3A_152, %dma_start3A_153] : memref<10240x128xf32, #tpu.memory_space<vmem_shared>> -> memref<10240x128xf32, #tpu.memory_space<vmem_shared>>
    tpu.enqueue_indirect_dma source(%arg12 : memref<128x128xf32, #tpu.memory_space<vmem>>) target(%dma_start3A_154 : memref<10240x128xf32, #tpu.memory_space<vmem_shared>>) offsets(%dma_start3A_151 : memref<128xi32, #tpu.memory_space<vmem>>) semaphore(%arg21 : memref<!tpu.dma_semaphore, #tpu.memory_space<semaphore_mem>>) {add = true}
    %scan3A = arith.constant 0 : i32
    %scan3A_155 = arith.constant 1 : i32
    %scan3A_156 = arith.constant 19 : i32
    %scan3A_157 = arith.addi %scan3A_155, %scan3A_156 : i32
    %scan3A_158 = arith.constant 1 : i32
    scf.for %scan3A_204 = %scan3A_155 to %scan3A_157 step %scan3A_158  : i32 {
      %mul3A_205 = arith.constant 4 : i32
      %mul3A_206 = arith.muli %scan3A_204, %mul3A_205 : i32
      %add3A_207 = arith.constant 0 : i32
      %add3A_208 = arith.addi %mul3A_206, %add3A_207 : i32
      %dma_wait3A_209 = arith.constant 0 : i32
      %dma_wait3A_210 = arith.constant 0 : i32
      %dma_wait3A_211 = tpu.memref_slice %arg3[%dma_wait3A_209, %dma_wait3A_210] : memref<2568x128xi32, #tpu.memory_space<hbm>> -> memref<1x128xi32, #tpu.memory_space<hbm>>
      %dma_wait3A_212 = tpu.memref_squeeze %dma_wait3A_211 : memref<1x128xi32, #tpu.memory_space<hbm>> -> memref<128xi32, #tpu.memory_space<hbm>>
      %dma_wait3A_213 = arith.constant 0 : i32
      %dma_wait3A_214 = tpu.memref_slice %arg3[%dma_wait3A_209, %dma_wait3A_213] : memref<2568x128xi32, #tpu.memory_space<hbm>> -> memref<1x128xi32, #tpu.memory_space<hbm>>
      %dma_wait3A_215 = tpu.memref_squeeze %dma_wait3A_214 : memref<1x128xi32, #tpu.memory_space<hbm>> -> memref<128xi32, #tpu.memory_space<hbm>>
      tpu.wait_dma2 semaphore(%arg15 : memref<!tpu.dma_semaphore, #tpu.memory_space<semaphore_mem>>) src(%dma_wait3A_215 : memref<128xi32, #tpu.memory_space<hbm>>) dst(%arg8 : memref<128xi32, #tpu.memory_space<vmem>>)
      %dma_wait3A_216 = arith.constant 0 : i32
      %dma_wait3A_217 = arith.constant 0 : i32
      %dma_wait3A_218 = tpu.memref_slice %arg14[%dma_wait3A_216, %dma_wait3A_217] : memref<10240x128xf32, #tpu.memory_space<vmem_shared>> -> memref<128x128xf32, #tpu.memory_space<vmem_shared>>
      %dma_wait3A_219 = arith.constant 0 : i32
      %dma_wait3A_220 = arith.constant 0 : i32
      %dma_wait3A_221 = tpu.memref_slice %arg14[%dma_wait3A_219, %dma_wait3A_220] : memref<10240x128xf32, #tpu.memory_space<vmem_shared>> -> memref<128x128xf32, #tpu.memory_space<vmem_shared>>
      tpu.wait_dma2 semaphore(%arg21 : memref<!tpu.dma_semaphore, #tpu.memory_space<semaphore_mem>>) src(%arg12 : memref<128x128xf32, #tpu.memory_space<vmem>>) dst(%dma_wait3A_221 : memref<128x128xf32, #tpu.memory_space<vmem_shared>>)
      %dma_start3A_222 = arith.constant 0 : i32
      %dma_start3A_223 = arith.constant 0 : i32
      %dma_start3A_224 = tpu.memref_slice %arg2[%dma_start3A_222, %dma_start3A_223] : memref<10240x128xf32, #tpu.memory_space<hbm>> -> memref<10240x128xf32, #tpu.memory_space<hbm>>
      tpu.enqueue_indirect_dma source(%dma_start3A_224 : memref<10240x128xf32, #tpu.memory_space<hbm>>) target(%arg12 : memref<128x128xf32, #tpu.memory_space<vmem>>) offsets(%arg8 : memref<128xi32, #tpu.memory_space<vmem>>) semaphore(%arg19 : memref<!tpu.dma_semaphore, #tpu.memory_space<semaphore_mem>>)
      %dma_wait3A_225 = arith.constant 0 : i32
      %dma_wait3A_226 = arith.constant 0 : i32
      %dma_wait3A_227 = tpu.memref_slice %arg2[%dma_wait3A_225, %dma_wait3A_226] : memref<10240x128xf32, #tpu.memory_space<hbm>> -> memref<10240x128xf32, #tpu.memory_space<hbm>>
      tpu.wait_indirect_dma semaphore(%arg20 : memref<!tpu.dma_semaphore, #tpu.memory_space<semaphore_mem>>) src(%dma_wait3A_227 : memref<10240x128xf32, #tpu.memory_space<hbm>>) dst(%arg13 : memref<128x128xf32, #tpu.memory_space<vmem>>)
      %sub3A = arith.constant 1 : i32
      %sub3A_228 = arith.subi %add3A_208, %sub3A : i32
      %add3A_229 = arith.constant 4 : i32
      %add3A_230 = arith.addi %sub3A_228, %add3A_229 : i32
      %mul3A_231 = arith.constant 80 : i32
      %mul3A_232 = arith.muli %add3A, %mul3A_231 : i32
      %add3A_233 = arith.addi %mul3A_232, %add3A_230 : i32
      %dma_start3A_234 = arith.constant 0 : i32
      %dma_start3A_235 = tpu.memref_slice %arg3[%add3A_233, %dma_start3A_234] : memref<2568x128xi32, #tpu.memory_space<hbm>> -> memref<1x128xi32, #tpu.memory_space<hbm>>
      %dma_start3A_236 = tpu.memref_squeeze %dma_start3A_235 : memref<1x128xi32, #tpu.memory_space<hbm>> -> memref<128xi32, #tpu.memory_space<hbm>>
      %dma_start3A_237 = arith.constant 0 : i32
      %dma_start3A_238 = tpu.memref_slice %arg3[%add3A_233, %dma_start3A_237] : memref<2568x128xi32, #tpu.memory_space<hbm>> -> memref<1x128xi32, #tpu.memory_space<hbm>>
      %dma_start3A_239 = tpu.memref_squeeze %dma_start3A_238 : memref<1x128xi32, #tpu.memory_space<hbm>> -> memref<128xi32, #tpu.memory_space<hbm>>
      tpu.enqueue_dma source(%dma_start3A_239 : memref<128xi32, #tpu.memory_space<hbm>>) target(%arg11 : memref<128xi32, #tpu.memory_space<vmem>>) target_semaphore(%arg18 : memref<!tpu.dma_semaphore, #tpu.memory_space<semaphore_mem>>)
      %sub3A_240 = arith.constant 1 : i32
      %sub3A_241 = arith.subi %add3A_208, %sub3A_240 : i32
      %dma_start3A_242 = arith.constant 0 : i32
      %dma_start3A_243 = tpu.memref_slice %arg7[%sub3A_241, %dma_start3A_242] : memref<80x128xi32, #tpu.memory_space<vmem>> -> memref<1x128xi32, #tpu.memory_space<vmem>>
      %dma_start3A_244 = tpu.memref_squeeze %dma_start3A_243 : memref<1x128xi32, #tpu.memory_space<vmem>> -> memref<128xi32, #tpu.memory_space<vmem>>
      %dma_start3A_245 = arith.constant 0 : i32
      %dma_start3A_246 = arith.constant 0 : i32
      %dma_start3A_247 = tpu.memref_slice %arg14[%dma_start3A_245, %dma_start3A_246] : memref<10240x128xf32, #tpu.memory_space<vmem_shared>> -> memref<10240x128xf32, #tpu.memory_space<vmem_shared>>
      tpu.enqueue_indirect_dma source(%arg13 : memref<128x128xf32, #tpu.memory_space<vmem>>) target(%dma_start3A_247 : memref<10240x128xf32, #tpu.memory_space<vmem_shared>>) offsets(%dma_start3A_244 : memref<128xi32, #tpu.memory_space<vmem>>) semaphore(%arg22 : memref<!tpu.dma_semaphore, #tpu.memory_space<semaphore_mem>>) {add = true}
      %add3A_248 = arith.constant 1 : i32
      %add3A_249 = arith.addi %mul3A_206, %add3A_248 : i32
      %dma_wait3A_250 = arith.constant 0 : i32
      %dma_wait3A_251 = arith.constant 0 : i32
      %dma_wait3A_252 = tpu.memref_slice %arg3[%dma_wait3A_250, %dma_wait3A_251] : memref<2568x128xi32, #tpu.memory_space<hbm>> -> memref<1x128xi32, #tpu.memory_space<hbm>>
      %dma_wait3A_253 = tpu.memref_squeeze %dma_wait3A_252 : memref<1x128xi32, #tpu.memory_space<hbm>> -> memref<128xi32, #tpu.memory_space<hbm>>
      %dma_wait3A_254 = arith.constant 0 : i32
      %dma_wait3A_255 = tpu.memref_slice %arg3[%dma_wait3A_250, %dma_wait3A_254] : memref<2568x128xi32, #tpu.memory_space<hbm>> -> memref<1x128xi32, #tpu.memory_space<hbm>>
      %dma_wait3A_256 = tpu.memref_squeeze %dma_wait3A_255 : memref<1x128xi32, #tpu.memory_space<hbm>> -> memref<128xi32, #tpu.memory_space<hbm>>
      tpu.wait_dma2 semaphore(%arg16 : memref<!tpu.dma_semaphore, #tpu.memory_space<semaphore_mem>>) src(%dma_wait3A_256 : memref<128xi32, #tpu.memory_space<hbm>>) dst(%arg9 : memref<128xi32, #tpu.memory_space<vmem>>)
      %dma_wait3A_257 = arith.constant 0 : i32
      %dma_wait3A_258 = arith.constant 0 : i32
      %dma_wait3A_259 = tpu.memref_slice %arg14[%dma_wait3A_257, %dma_wait3A_258] : memref<10240x128xf32, #tpu.memory_space<vmem_shared>> -> memref<128x128xf32, #tpu.memory_space<vmem_shared>>
      %dma_wait3A_260 = arith.constant 0 : i32
      %dma_wait3A_261 = arith.constant 0 : i32
      %dma_wait3A_262 = tpu.memref_slice %arg14[%dma_wait3A_260, %dma_wait3A_261] : memref<10240x128xf32, #tpu.memory_space<vmem_shared>> -> memref<128x128xf32, #tpu.memory_space<vmem_shared>>
      tpu.wait_dma2 semaphore(%arg22 : memref<!tpu.dma_semaphore, #tpu.memory_space<semaphore_mem>>) src(%arg13 : memref<128x128xf32, #tpu.memory_space<vmem>>) dst(%dma_wait3A_262 : memref<128x128xf32, #tpu.memory_space<vmem_shared>>)
      %dma_start3A_263 = arith.constant 0 : i32
      %dma_start3A_264 = arith.constant 0 : i32
      %dma_start3A_265 = tpu.memref_slice %arg2[%dma_start3A_263, %dma_start3A_264] : memref<10240x128xf32, #tpu.memory_space<hbm>> -> memref<10240x128xf32, #tpu.memory_space<hbm>>
      tpu.enqueue_indirect_dma source(%dma_start3A_265 : memref<10240x128xf32, #tpu.memory_space<hbm>>) target(%arg13 : memref<128x128xf32, #tpu.memory_space<vmem>>) offsets(%arg9 : memref<128xi32, #tpu.memory_space<vmem>>) semaphore(%arg20 : memref<!tpu.dma_semaphore, #tpu.memory_space<semaphore_mem>>)
      %dma_wait3A_266 = arith.constant 0 : i32
      %dma_wait3A_267 = arith.constant 0 : i32
      %dma_wait3A_268 = tpu.memref_slice %arg2[%dma_wait3A_266, %dma_wait3A_267] : memref<10240x128xf32, #tpu.memory_space<hbm>> -> memref<10240x128xf32, #tpu.memory_space<hbm>>
      tpu.wait_indirect_dma semaphore(%arg19 : memref<!tpu.dma_semaphore, #tpu.memory_space<semaphore_mem>>) src(%dma_wait3A_268 : memref<10240x128xf32, #tpu.memory_space<hbm>>) dst(%arg12 : memref<128x128xf32, #tpu.memory_space<vmem>>)
      %sub3A_269 = arith.constant 1 : i32
      %sub3A_270 = arith.subi %add3A_249, %sub3A_269 : i32
      %add3A_271 = arith.constant 4 : i32
      %add3A_272 = arith.addi %sub3A_270, %add3A_271 : i32
      %mul3A_273 = arith.constant 80 : i32
      %mul3A_274 = arith.muli %add3A, %mul3A_273 : i32
      %add3A_275 = arith.addi %mul3A_274, %add3A_272 : i32
      %dma_start3A_276 = arith.constant 0 : i32
      %dma_start3A_277 = tpu.memref_slice %arg3[%add3A_275, %dma_start3A_276] : memref<2568x128xi32, #tpu.memory_space<hbm>> -> memref<1x128xi32, #tpu.memory_space<hbm>>
      %dma_start3A_278 = tpu.memref_squeeze %dma_start3A_277 : memref<1x128xi32, #tpu.memory_space<hbm>> -> memref<128xi32, #tpu.memory_space<hbm>>
      %dma_start3A_279 = arith.constant 0 : i32
      %dma_start3A_280 = tpu.memref_slice %arg3[%add3A_275, %dma_start3A_279] : memref<2568x128xi32, #tpu.memory_space<hbm>> -> memref<1x128xi32, #tpu.memory_space<hbm>>
      %dma_start3A_281 = tpu.memref_squeeze %dma_start3A_280 : memref<1x128xi32, #tpu.memory_space<hbm>> -> memref<128xi32, #tpu.memory_space<hbm>>
      tpu.enqueue_dma source(%dma_start3A_281 : memref<128xi32, #tpu.memory_space<hbm>>) target(%arg8 : memref<128xi32, #tpu.memory_space<vmem>>) target_semaphore(%arg15 : memref<!tpu.dma_semaphore, #tpu.memory_space<semaphore_mem>>)
      %sub3A_282 = arith.constant 1 : i32
      %sub3A_283 = arith.subi %add3A_249, %sub3A_282 : i32
      %dma_start3A_284 = arith.constant 0 : i32
      %dma_start3A_285 = tpu.memref_slice %arg7[%sub3A_283, %dma_start3A_284] : memref<80x128xi32, #tpu.memory_space<vmem>> -> memref<1x128xi32, #tpu.memory_space<vmem>>
      %dma_start3A_286 = tpu.memref_squeeze %dma_start3A_285 : memref<1x128xi32, #tpu.memory_space<vmem>> -> memref<128xi32, #tpu.memory_space<vmem>>
      %dma_start3A_287 = arith.constant 0 : i32
      %dma_start3A_288 = arith.constant 0 : i32
      %dma_start3A_289 = tpu.memref_slice %arg14[%dma_start3A_287, %dma_start3A_288] : memref<10240x128xf32, #tpu.memory_space<vmem_shared>> -> memref<10240x128xf32, #tpu.memory_space<vmem_shared>>
      tpu.enqueue_indirect_dma source(%arg12 : memref<128x128xf32, #tpu.memory_space<vmem>>) target(%dma_start3A_289 : memref<10240x128xf32, #tpu.memory_space<vmem_shared>>) offsets(%dma_start3A_286 : memref<128xi32, #tpu.memory_space<vmem>>) semaphore(%arg21 : memref<!tpu.dma_semaphore, #tpu.memory_space<semaphore_mem>>) {add = true}
      %add3A_290 = arith.constant 2 : i32
      %add3A_291 = arith.addi %mul3A_206, %add3A_290 : i32
      %dma_wait3A_292 = arith.constant 0 : i32
      %dma_wait3A_293 = arith.constant 0 : i32
      %dma_wait3A_294 = tpu.memref_slice %arg3[%dma_wait3A_292, %dma_wait3A_293] : memref<2568x128xi32, #tpu.memory_space<hbm>> -> memref<1x128xi32, #tpu.memory_space<hbm>>
      %dma_wait3A_295 = tpu.memref_squeeze %dma_wait3A_294 : memref<1x128xi32, #tpu.memory_space<hbm>> -> memref<128xi32, #tpu.memory_space<hbm>>
      %dma_wait3A_296 = arith.constant 0 : i32
      %dma_wait3A_297 = tpu.memref_slice %arg3[%dma_wait3A_292, %dma_wait3A_296] : memref<2568x128xi32, #tpu.memory_space<hbm>> -> memref<1x128xi32, #tpu.memory_space<hbm>>
      %dma_wait3A_298 = tpu.memref_squeeze %dma_wait3A_297 : memref<1x128xi32, #tpu.memory_space<hbm>> -> memref<128xi32, #tpu.memory_space<hbm>>
      tpu.wait_dma2 semaphore(%arg17 : memref<!tpu.dma_semaphore, #tpu.memory_space<semaphore_mem>>) src(%dma_wait3A_298 : memref<128xi32, #tpu.memory_space<hbm>>) dst(%arg10 : memref<128xi32, #tpu.memory_space<vmem>>)
      %dma_wait3A_299 = arith.constant 0 : i32
      %dma_wait3A_300 = arith.constant 0 : i32
      %dma_wait3A_301 = tpu.memref_slice %arg14[%dma_wait3A_299, %dma_wait3A_300] : memref<10240x128xf32, #tpu.memory_space<vmem_shared>> -> memref<128x128xf32, #tpu.memory_space<vmem_shared>>
      %dma_wait3A_302 = arith.constant 0 : i32
      %dma_wait3A_303 = arith.constant 0 : i32
      %dma_wait3A_304 = tpu.memref_slice %arg14[%dma_wait3A_302, %dma_wait3A_303] : memref<10240x128xf32, #tpu.memory_space<vmem_shared>> -> memref<128x128xf32, #tpu.memory_space<vmem_shared>>
      tpu.wait_dma2 semaphore(%arg21 : memref<!tpu.dma_semaphore, #tpu.memory_space<semaphore_mem>>) src(%arg12 : memref<128x128xf32, #tpu.memory_space<vmem>>) dst(%dma_wait3A_304 : memref<128x128xf32, #tpu.memory_space<vmem_shared>>)
      %dma_start3A_305 = arith.constant 0 : i32
      %dma_start3A_306 = arith.constant 0 : i32
      %dma_start3A_307 = tpu.memref_slice %arg2[%dma_start3A_305, %dma_start3A_306] : memref<10240x128xf32, #tpu.memory_space<hbm>> -> memref<10240x128xf32, #tpu.memory_space<hbm>>
      tpu.enqueue_indirect_dma source(%dma_start3A_307 : memref<10240x128xf32, #tpu.memory_space<hbm>>) target(%arg12 : memref<128x128xf32, #tpu.memory_space<vmem>>) offsets(%arg10 : memref<128xi32, #tpu.memory_space<vmem>>) semaphore(%arg19 : memref<!tpu.dma_semaphore, #tpu.memory_space<semaphore_mem>>)
      %dma_wait3A_308 = arith.constant 0 : i32
      %dma_wait3A_309 = arith.constant 0 : i32
      %dma_wait3A_310 = tpu.memref_slice %arg2[%dma_wait3A_308, %dma_wait3A_309] : memref<10240x128xf32, #tpu.memory_space<hbm>> -> memref<10240x128xf32, #tpu.memory_space<hbm>>
      tpu.wait_indirect_dma semaphore(%arg20 : memref<!tpu.dma_semaphore, #tpu.memory_space<semaphore_mem>>) src(%dma_wait3A_310 : memref<10240x128xf32, #tpu.memory_space<hbm>>) dst(%arg13 : memref<128x128xf32, #tpu.memory_space<vmem>>)
      %sub3A_311 = arith.constant 1 : i32
      %sub3A_312 = arith.subi %add3A_291, %sub3A_311 : i32
      %add3A_313 = arith.constant 4 : i32
      %add3A_314 = arith.addi %sub3A_312, %add3A_313 : i32
      %mul3A_315 = arith.constant 80 : i32
      %mul3A_316 = arith.muli %add3A, %mul3A_315 : i32
      %add3A_317 = arith.addi %mul3A_316, %add3A_314 : i32
      %dma_start3A_318 = arith.constant 0 : i32
      %dma_start3A_319 = tpu.memref_slice %arg3[%add3A_317, %dma_start3A_318] : memref<2568x128xi32, #tpu.memory_space<hbm>> -> memref<1x128xi32, #tpu.memory_space<hbm>>
      %dma_start3A_320 = tpu.memref_squeeze %dma_start3A_319 : memref<1x128xi32, #tpu.memory_space<hbm>> -> memref<128xi32, #tpu.memory_space<hbm>>
      %dma_start3A_321 = arith.constant 0 : i32
      %dma_start3A_322 = tpu.memref_slice %arg3[%add3A_317, %dma_start3A_321] : memref<2568x128xi32, #tpu.memory_space<hbm>> -> memref<1x128xi32, #tpu.memory_space<hbm>>
      %dma_start3A_323 = tpu.memref_squeeze %dma_start3A_322 : memref<1x128xi32, #tpu.memory_space<hbm>> -> memref<128xi32, #tpu.memory_space<hbm>>
      tpu.enqueue_dma source(%dma_start3A_323 : memref<128xi32, #tpu.memory_space<hbm>>) target(%arg9 : memref<128xi32, #tpu.memory_space<vmem>>) target_semaphore(%arg16 : memref<!tpu.dma_semaphore, #tpu.memory_space<semaphore_mem>>)
      %sub3A_324 = arith.constant 1 : i32
      %sub3A_325 = arith.subi %add3A_291, %sub3A_324 : i32
      %dma_start3A_326 = arith.constant 0 : i32
      %dma_start3A_327 = tpu.memref_slice %arg7[%sub3A_325, %dma_start3A_326] : memref<80x128xi32, #tpu.memory_space<vmem>> -> memref<1x128xi32, #tpu.memory_space<vmem>>
      %dma_start3A_328 = tpu.memref_squeeze %dma_start3A_327 : memref<1x128xi32, #tpu.memory_space<vmem>> -> memref<128xi32, #tpu.memory_space<vmem>>
      %dma_start3A_329 = arith.constant 0 : i32
      %dma_start3A_330 = arith.constant 0 : i32
      %dma_start3A_331 = tpu.memref_slice %arg14[%dma_start3A_329, %dma_start3A_330] : memref<10240x128xf32, #tpu.memory_space<vmem_shared>> -> memref<10240x128xf32, #tpu.memory_space<vmem_shared>>
      tpu.enqueue_indirect_dma source(%arg13 : memref<128x128xf32, #tpu.memory_space<vmem>>) target(%dma_start3A_331 : memref<10240x128xf32, #tpu.memory_space<vmem_shared>>) offsets(%dma_start3A_328 : memref<128xi32, #tpu.memory_space<vmem>>) semaphore(%arg22 : memref<!tpu.dma_semaphore, #tpu.memory_space<semaphore_mem>>) {add = true}
      %add3A_332 = arith.constant 3 : i32
      %add3A_333 = arith.addi %mul3A_206, %add3A_332 : i32
      %dma_wait3A_334 = arith.constant 0 : i32
      %dma_wait3A_335 = arith.constant 0 : i32
      %dma_wait3A_336 = tpu.memref_slice %arg3[%dma_wait3A_334, %dma_wait3A_335] : memref<2568x128xi32, #tpu.memory_space<hbm>> -> memref<1x128xi32, #tpu.memory_space<hbm>>
      %dma_wait3A_337 = tpu.memref_squeeze %dma_wait3A_336 : memref<1x128xi32, #tpu.memory_space<hbm>> -> memref<128xi32, #tpu.memory_space<hbm>>
      %dma_wait3A_338 = arith.constant 0 : i32
      %dma_wait3A_339 = tpu.memref_slice %arg3[%dma_wait3A_334, %dma_wait3A_338] : memref<2568x128xi32, #tpu.memory_space<hbm>> -> memref<1x128xi32, #tpu.memory_space<hbm>>
      %dma_wait3A_340 = tpu.memref_squeeze %dma_wait3A_339 : memref<1x128xi32, #tpu.memory_space<hbm>> -> memref<128xi32, #tpu.memory_space<hbm>>
      tpu.wait_dma2 semaphore(%arg18 : memref<!tpu.dma_semaphore, #tpu.memory_space<semaphore_mem>>) src(%dma_wait3A_340 : memref<128xi32, #tpu.memory_space<hbm>>) dst(%arg11 : memref<128xi32, #tpu.memory_space<vmem>>)
      %dma_wait3A_341 = arith.constant 0 : i32
      %dma_wait3A_342 = arith.constant 0 : i32
      %dma_wait3A_343 = tpu.memref_slice %arg14[%dma_wait3A_341, %dma_wait3A_342] : memref<10240x128xf32, #tpu.memory_space<vmem_shared>> -> memref<128x128xf32, #tpu.memory_space<vmem_shared>>
      %dma_wait3A_344 = arith.constant 0 : i32
      %dma_wait3A_345 = arith.constant 0 : i32
      %dma_wait3A_346 = tpu.memref_slice %arg14[%dma_wait3A_344, %dma_wait3A_345] : memref<10240x128xf32, #tpu.memory_space<vmem_shared>> -> memref<128x128xf32, #tpu.memory_space<vmem_shared>>
      tpu.wait_dma2 semaphore(%arg22 : memref<!tpu.dma_semaphore, #tpu.memory_space<semaphore_mem>>) src(%arg13 : memref<128x128xf32, #tpu.memory_space<vmem>>) dst(%dma_wait3A_346 : memref<128x128xf32, #tpu.memory_space<vmem_shared>>)
      %dma_start3A_347 = arith.constant 0 : i32
      %dma_start3A_348 = arith.constant 0 : i32
      %dma_start3A_349 = tpu.memref_slice %arg2[%dma_start3A_347, %dma_start3A_348] : memref<10240x128xf32, #tpu.memory_space<hbm>> -> memref<10240x128xf32, #tpu.memory_space<hbm>>
      tpu.enqueue_indirect_dma source(%dma_start3A_349 : memref<10240x128xf32, #tpu.memory_space<hbm>>) target(%arg13 : memref<128x128xf32, #tpu.memory_space<vmem>>) offsets(%arg11 : memref<128xi32, #tpu.memory_space<vmem>>) semaphore(%arg20 : memref<!tpu.dma_semaphore, #tpu.memory_space<semaphore_mem>>)
      %dma_wait3A_350 = arith.constant 0 : i32
      %dma_wait3A_351 = arith.constant 0 : i32
      %dma_wait3A_352 = tpu.memref_slice %arg2[%dma_wait3A_350, %dma_wait3A_351] : memref<10240x128xf32, #tpu.memory_space<hbm>> -> memref<10240x128xf32, #tpu.memory_space<hbm>>
      tpu.wait_indirect_dma semaphore(%arg19 : memref<!tpu.dma_semaphore, #tpu.memory_space<semaphore_mem>>) src(%dma_wait3A_352 : memref<10240x128xf32, #tpu.memory_space<hbm>>) dst(%arg12 : memref<128x128xf32, #tpu.memory_space<vmem>>)
      %sub3A_353 = arith.constant 1 : i32
      %sub3A_354 = arith.subi %add3A_333, %sub3A_353 : i32
      %add3A_355 = arith.constant 4 : i32
      %add3A_356 = arith.addi %sub3A_354, %add3A_355 : i32
      %mul3A_357 = arith.constant 80 : i32
      %mul3A_358 = arith.muli %add3A, %mul3A_357 : i32
      %add3A_359 = arith.addi %mul3A_358, %add3A_356 : i32
      %dma_start3A_360 = arith.constant 0 : i32
      %dma_start3A_361 = tpu.memref_slice %arg3[%add3A_359, %dma_start3A_360] : memref<2568x128xi32, #tpu.memory_space<hbm>> -> memref<1x128xi32, #tpu.memory_space<hbm>>
      %dma_start3A_362 = tpu.memref_squeeze %dma_start3A_361 : memref<1x128xi32, #tpu.memory_space<hbm>> -> memref<128xi32, #tpu.memory_space<hbm>>
      %dma_start3A_363 = arith.constant 0 : i32
      %dma_start3A_364 = tpu.memref_slice %arg3[%add3A_359, %dma_start3A_363] : memref<2568x128xi32, #tpu.memory_space<hbm>> -> memref<1x128xi32, #tpu.memory_space<hbm>>
      %dma_start3A_365 = tpu.memref_squeeze %dma_start3A_364 : memref<1x128xi32, #tpu.memory_space<hbm>> -> memref<128xi32, #tpu.memory_space<hbm>>
      tpu.enqueue_dma source(%dma_start3A_365 : memref<128xi32, #tpu.memory_space<hbm>>) target(%arg10 : memref<128xi32, #tpu.memory_space<vmem>>) target_semaphore(%arg17 : memref<!tpu.dma_semaphore, #tpu.memory_space<semaphore_mem>>)
      %sub3A_366 = arith.constant 1 : i32
      %sub3A_367 = arith.subi %add3A_333, %sub3A_366 : i32
      %dma_start3A_368 = arith.constant 0 : i32
      %dma_start3A_369 = tpu.memref_slice %arg7[%sub3A_367, %dma_start3A_368] : memref<80x128xi32, #tpu.memory_space<vmem>> -> memref<1x128xi32, #tpu.memory_space<vmem>>
      %dma_start3A_370 = tpu.memref_squeeze %dma_start3A_369 : memref<1x128xi32, #tpu.memory_space<vmem>> -> memref<128xi32, #tpu.memory_space<vmem>>
      %dma_start3A_371 = arith.constant 0 : i32
      %dma_start3A_372 = arith.constant 0 : i32
      %dma_start3A_373 = tpu.memref_slice %arg14[%dma_start3A_371, %dma_start3A_372] : memref<10240x128xf32, #tpu.memory_space<vmem_shared>> -> memref<10240x128xf32, #tpu.memory_space<vmem_shared>>
      tpu.enqueue_indirect_dma source(%arg12 : memref<128x128xf32, #tpu.memory_space<vmem>>) target(%dma_start3A_373 : memref<10240x128xf32, #tpu.memory_space<vmem_shared>>) offsets(%dma_start3A_370 : memref<128xi32, #tpu.memory_space<vmem>>) semaphore(%arg21 : memref<!tpu.dma_semaphore, #tpu.memory_space<semaphore_mem>>) {add = true}
    }
    %scan3A_159 = arith.constant 19 : i32
    %dma_wait3A_160 = arith.constant 0 : i32
    %dma_wait3A_161 = arith.constant 0 : i32
    %dma_wait3A_162 = tpu.memref_slice %arg2[%dma_wait3A_160, %dma_wait3A_161] : memref<10240x128xf32, #tpu.memory_space<hbm>> -> memref<10240x128xf32, #tpu.memory_space<hbm>>
    tpu.wait_indirect_dma semaphore(%arg20 : memref<!tpu.dma_semaphore, #tpu.memory_space<semaphore_mem>>) src(%dma_wait3A_162 : memref<10240x128xf32, #tpu.memory_space<hbm>>) dst(%arg13 : memref<128x128xf32, #tpu.memory_space<vmem>>)
    %dma_start3A_163 = arith.constant 79 : i32
    %dma_start3A_164 = arith.constant 0 : i32
    %dma_start3A_165 = tpu.memref_slice %arg7[%dma_start3A_163, %dma_start3A_164] : memref<80x128xi32, #tpu.memory_space<vmem>> -> memref<1x128xi32, #tpu.memory_space<vmem>>
    %dma_start3A_166 = tpu.memref_squeeze %dma_start3A_165 : memref<1x128xi32, #tpu.memory_space<vmem>> -> memref<128xi32, #tpu.memory_space<vmem>>
    %dma_start3A_167 = arith.constant 0 : i32
    %dma_start3A_168 = arith.constant 0 : i32
    %dma_start3A_169 = tpu.memref_slice %arg14[%dma_start3A_167, %dma_start3A_168] : memref<10240x128xf32, #tpu.memory_space<vmem_shared>> -> memref<10240x128xf32, #tpu.memory_space<vmem_shared>>
    tpu.enqueue_indirect_dma source(%arg13 : memref<128x128xf32, #tpu.memory_space<vmem>>) target(%dma_start3A_169 : memref<10240x128xf32, #tpu.memory_space<vmem_shared>>) offsets(%dma_start3A_166 : memref<128xi32, #tpu.memory_space<vmem>>) semaphore(%arg22 : memref<!tpu.dma_semaphore, #tpu.memory_space<semaphore_mem>>) {add = true}
    %dma_wait3A_170 = arith.constant 0 : i32
    %dma_wait3A_171 = arith.constant 0 : i32
    %dma_wait3A_172 = tpu.memref_slice %arg14[%dma_wait3A_170, %dma_wait3A_171] : memref<10240x128xf32, #tpu.memory_space<vmem_shared>> -> memref<128x128xf32, #tpu.memory_space<vmem_shared>>
    %dma_wait3A_173 = arith.constant 0 : i32
    %dma_wait3A_174 = arith.constant 0 : i32
    %dma_wait3A_175 = tpu.memref_slice %arg14[%dma_wait3A_173, %dma_wait3A_174] : memref<10240x128xf32, #tpu.memory_space<vmem_shared>> -> memref<128x128xf32, #tpu.memory_space<vmem_shared>>
    tpu.wait_dma2 semaphore(%arg21 : memref<!tpu.dma_semaphore, #tpu.memory_space<semaphore_mem>>) src(%arg12 : memref<128x128xf32, #tpu.memory_space<vmem>>) dst(%dma_wait3A_175 : memref<128x128xf32, #tpu.memory_space<vmem_shared>>)
    %dma_wait3A_176 = arith.constant 0 : i32
    %dma_wait3A_177 = arith.constant 0 : i32
    %dma_wait3A_178 = tpu.memref_slice %arg14[%dma_wait3A_176, %dma_wait3A_177] : memref<10240x128xf32, #tpu.memory_space<vmem_shared>> -> memref<128x128xf32, #tpu.memory_space<vmem_shared>>
    %dma_wait3A_179 = arith.constant 0 : i32
    %dma_wait3A_180 = arith.constant 0 : i32
    %dma_wait3A_181 = tpu.memref_slice %arg14[%dma_wait3A_179, %dma_wait3A_180] : memref<10240x128xf32, #tpu.memory_space<vmem_shared>> -> memref<128x128xf32, #tpu.memory_space<vmem_shared>>
    tpu.wait_dma2 semaphore(%arg22 : memref<!tpu.dma_semaphore, #tpu.memory_space<semaphore_mem>>) src(%arg13 : memref<128x128xf32, #tpu.memory_space<vmem>>) dst(%dma_wait3A_181 : memref<128x128xf32, #tpu.memory_space<vmem_shared>>)
    %dma_wait3A_182 = arith.constant 0 : i32
    %dma_wait3A_183 = arith.constant 0 : i32
    %dma_wait3A_184 = tpu.memref_slice %arg3[%dma_wait3A_182, %dma_wait3A_183] : memref<2568x128xi32, #tpu.memory_space<hbm>> -> memref<1x128xi32, #tpu.memory_space<hbm>>
    %dma_wait3A_185 = tpu.memref_squeeze %dma_wait3A_184 : memref<1x128xi32, #tpu.memory_space<hbm>> -> memref<128xi32, #tpu.memory_space<hbm>>
    %dma_wait3A_186 = arith.constant 0 : i32
    %dma_wait3A_187 = tpu.memref_slice %arg3[%dma_wait3A_182, %dma_wait3A_186] : memref<2568x128xi32, #tpu.memory_space<hbm>> -> memref<1x128xi32, #tpu.memory_space<hbm>>
    %dma_wait3A_188 = tpu.memref_squeeze %dma_wait3A_187 : memref<1x128xi32, #tpu.memory_space<hbm>> -> memref<128xi32, #tpu.memory_space<hbm>>
    tpu.wait_dma2 semaphore(%arg15 : memref<!tpu.dma_semaphore, #tpu.memory_space<semaphore_mem>>) src(%dma_wait3A_188 : memref<128xi32, #tpu.memory_space<hbm>>) dst(%arg8 : memref<128xi32, #tpu.memory_space<vmem>>)
    %dma_wait3A_189 = arith.constant 0 : i32
    %dma_wait3A_190 = arith.constant 0 : i32
    %dma_wait3A_191 = tpu.memref_slice %arg3[%dma_wait3A_189, %dma_wait3A_190] : memref<2568x128xi32, #tpu.memory_space<hbm>> -> memref<1x128xi32, #tpu.memory_space<hbm>>
    %dma_wait3A_192 = tpu.memref_squeeze %dma_wait3A_191 : memref<1x128xi32, #tpu.memory_space<hbm>> -> memref<128xi32, #tpu.memory_space<hbm>>
    %dma_wait3A_193 = arith.constant 0 : i32
    %dma_wait3A_194 = tpu.memref_slice %arg3[%dma_wait3A_189, %dma_wait3A_193] : memref<2568x128xi32, #tpu.memory_space<hbm>> -> memref<1x128xi32, #tpu.memory_space<hbm>>
    %dma_wait3A_195 = tpu.memref_squeeze %dma_wait3A_194 : memref<1x128xi32, #tpu.memory_space<hbm>> -> memref<128xi32, #tpu.memory_space<hbm>>
    tpu.wait_dma2 semaphore(%arg16 : memref<!tpu.dma_semaphore, #tpu.memory_space<semaphore_mem>>) src(%dma_wait3A_195 : memref<128xi32, #tpu.memory_space<hbm>>) dst(%arg9 : memref<128xi32, #tpu.memory_space<vmem>>)
    %dma_wait3A_196 = arith.constant 0 : i32
    %dma_wait3A_197 = arith.constant 0 : i32
    %dma_wait3A_198 = tpu.memref_slice %arg3[%dma_wait3A_196, %dma_wait3A_197] : memref<2568x128xi32, #tpu.memory_space<hbm>> -> memref<1x128xi32, #tpu.memory_space<hbm>>
    %dma_wait3A_199 = tpu.memref_squeeze %dma_wait3A_198 : memref<1x128xi32, #tpu.memory_space<hbm>> -> memref<128xi32, #tpu.memory_space<hbm>>
    %dma_wait3A_200 = arith.constant 0 : i32
    %dma_wait3A_201 = tpu.memref_slice %arg3[%dma_wait3A_196, %dma_wait3A_200] : memref<2568x128xi32, #tpu.memory_space<hbm>> -> memref<1x128xi32, #tpu.memory_space<hbm>>
    %dma_wait3A_202 = tpu.memref_squeeze %dma_wait3A_201 : memref<1x128xi32, #tpu.memory_space<hbm>> -> memref<128xi32, #tpu.memory_space<hbm>>
    tpu.wait_dma2 semaphore(%arg17 : memref<!tpu.dma_semaphore, #tpu.memory_space<semaphore_mem>>) src(%dma_wait3A_202 : memref<128xi32, #tpu.memory_space<hbm>>) dst(%arg10 : memref<128xi32, #tpu.memory_space<vmem>>)
    %barrier3A_203 = arith.constant 0 : index
    tpu.barrier barrier_id(%barrier3A_203)
    "tpu.region"() ({
      %run_scoped3A = tpu.sem_alloc : memref<!tpu.dma_semaphore, #tpu.memory_space<semaphore_mem>>
      %dma_start3A_204 = arith.constant 0 : i32
      %dma_start3A_205 = tpu.memref_slice %arg6[%arg0, %mul3A_2, %dma_start3A_204] : memref<2x10240x128xf32, #tpu.memory_space<hbm>> -> memref<1x640x128xf32, #tpu.memory_space<hbm>>
      %dma_start3A_206 = tpu.memref_squeeze %dma_start3A_205 : memref<1x640x128xf32, #tpu.memory_space<hbm>> -> memref<640x128xf32, #tpu.memory_space<hbm>>
      %dma_start3A_207 = arith.constant 0 : i32
      %dma_start3A_208 = tpu.memref_slice %arg14[%mul3A_2, %dma_start3A_207] : memref<10240x128xf32, #tpu.memory_space<vmem_shared>> -> memref<640x128xf32, #tpu.memory_space<vmem_shared>>
      tpu.enqueue_dma source(%dma_start3A_208 : memref<640x128xf32, #tpu.memory_space<vmem_shared>>) target(%dma_start3A_206 : memref<640x128xf32, #tpu.memory_space<hbm>>) target_semaphore(%run_scoped3A : memref<!tpu.dma_semaphore, #tpu.memory_space<semaphore_mem>>)
      %dma_wait3A_209 = arith.constant 0 : i32
      %dma_wait3A_210 = tpu.memref_slice %arg6[%arg0, %mul3A_2, %dma_wait3A_209] : memref<2x10240x128xf32, #tpu.memory_space<hbm>> -> memref<1x640x128xf32, #tpu.memory_space<hbm>>
      %dma_wait3A_211 = tpu.memref_squeeze %dma_wait3A_210 : memref<1x640x128xf32, #tpu.memory_space<hbm>> -> memref<640x128xf32, #tpu.memory_space<hbm>>
      %dma_wait3A_212 = arith.constant 0 : i32
      %dma_wait3A_213 = tpu.memref_slice %arg14[%mul3A_2, %dma_wait3A_212] : memref<10240x128xf32, #tpu.memory_space<vmem_shared>> -> memref<640x128xf32, #tpu.memory_space<vmem_shared>>
      tpu.wait_dma2 semaphore(%run_scoped3A : memref<!tpu.dma_semaphore, #tpu.memory_space<semaphore_mem>>) src(%dma_wait3A_213 : memref<640x128xf32, #tpu.memory_space<vmem_shared>>) dst(%dma_wait3A_211 : memref<640x128xf32, #tpu.memory_space<hbm>>)
      tpu.yield
    }) : () -> ()
    return
  }
}

#map = affine_map<(d0, d1) -> (0, 0)>
#map1 = affine_map<(d0, d1) -> (0, 0, 0)>
module attributes {stable_mosaic.version = 14 : i64} {
  func.func @agg(%arg0: i32, %arg1: i32, %arg2: memref<10240x128xf32, #tpu.memory_space<hbm>>, %arg3: memref<2568x128xi32, #tpu.memory_space<hbm>>, %arg4: memref<2560x128xi32, #tpu.memory_space<hbm>>, %arg5: memref<10240x128xf32, #tpu.memory_space<hbm>>, %arg6: memref<2x10240x128xf32, #tpu.memory_space<hbm>>, %arg7: memref<80x128xi32, #tpu.memory_space<vmem>>, %arg8: memref<128xi32, #tpu.memory_space<vmem>>, %arg9: memref<128xi32, #tpu.memory_space<vmem>>, %arg10: memref<128xi32, #tpu.memory_space<vmem>>, %arg11: memref<128xi32, #tpu.memory_space<vmem>>, %arg12: memref<128x128xf32, #tpu.memory_space<vmem>>, %arg13: memref<128x128xf32, #tpu.memory_space<vmem>>, %arg14: memref<10240x128xf32, #tpu.memory_space<vmem_shared>>, %arg15: memref<!tpu.dma_semaphore, #tpu.memory_space<semaphore_mem>>, %arg16: memref<!tpu.dma_semaphore, #tpu.memory_space<semaphore_mem>>, %arg17: memref<!tpu.dma_semaphore, #tpu.memory_space<semaphore_mem>>, %arg18: memref<!tpu.dma_semaphore, #tpu.memory_space<semaphore_mem>>, %arg19: memref<!tpu.dma_semaphore, #tpu.memory_space<semaphore_mem>>, %arg20: memref<!tpu.dma_semaphore, #tpu.memory_space<semaphore_mem>>, %arg21: memref<!tpu.dma_semaphore, #tpu.memory_space<semaphore_mem>>, %arg22: memref<!tpu.dma_semaphore, #tpu.memory_space<semaphore_mem>>) attributes {dimension_semantics = [#tpu.dimension_semantics<core_parallel>, #tpu.dimension_semantics<subcore_parallel>], iteration_bounds = array<i64: 2, 16>, scalar_prefetch = 0 : i64, scratch_operands = 16 : i64, tpu.core_type = #tpu.core_type<sc_vector_subcore>, window_params = [{transform_indices = #map}, {transform_indices = #map}, {transform_indices = #map}, {transform_indices = #map}, {transform_indices = #map1}]} {
    %mul3A = arith.constant 2 : i32
    %mul3A_0 = arith.muli %arg1, %mul3A : i32
    %add3A = arith.addi %mul3A_0, %arg0 : i32
    %mul3A_1 = arith.constant 640 : i32
    %mul3A_2 = arith.muli %arg1, %mul3A_1 : i32
    "tpu.region"() ({
      %run_scoped3A = tpu.sem_alloc : memref<!tpu.dma_semaphore, #tpu.memory_space<semaphore_mem>>
      %dma_start3A_204 = arith.constant 0 : i32
      %dma_start3A_205 = tpu.memref_slice %arg14[%mul3A_2, %dma_start3A_204] : memref<10240x128xf32, #tpu.memory_space<vmem_shared>> -> memref<640x128xf32, #tpu.memory_space<vmem_shared>>
      %dma_start3A_206 = arith.constant 0 : i32
      %dma_start3A_207 = tpu.memref_slice %arg5[%mul3A_2, %dma_start3A_206] : memref<10240x128xf32, #tpu.memory_space<hbm>> -> memref<640x128xf32, #tpu.memory_space<hbm>>
      tpu.enqueue_dma source(%dma_start3A_207 : memref<640x128xf32, #tpu.memory_space<hbm>>) target(%dma_start3A_205 : memref<640x128xf32, #tpu.memory_space<vmem_shared>>) target_semaphore(%run_scoped3A : memref<!tpu.dma_semaphore, #tpu.memory_space<semaphore_mem>>)
      %dma_wait3A_208 = arith.constant 0 : i32
      %dma_wait3A_209 = tpu.memref_slice %arg14[%mul3A_2, %dma_wait3A_208] : memref<10240x128xf32, #tpu.memory_space<vmem_shared>> -> memref<640x128xf32, #tpu.memory_space<vmem_shared>>
      %dma_wait3A_210 = arith.constant 0 : i32
      %dma_wait3A_211 = tpu.memref_slice %arg5[%mul3A_2, %dma_wait3A_210] : memref<10240x128xf32, #tpu.memory_space<hbm>> -> memref<640x128xf32, #tpu.memory_space<hbm>>
      tpu.wait_dma2 semaphore(%run_scoped3A : memref<!tpu.dma_semaphore, #tpu.memory_space<semaphore_mem>>) src(%dma_wait3A_211 : memref<640x128xf32, #tpu.memory_space<hbm>>) dst(%dma_wait3A_209 : memref<640x128xf32, #tpu.memory_space<vmem_shared>>)
      tpu.yield
    }) : () -> ()
    %mul3A_3 = arith.constant 80 : i32
    %mul3A_4 = arith.muli %add3A, %mul3A_3 : i32
    "tpu.region"() ({
      %run_scoped3A = tpu.sem_alloc : memref<!tpu.dma_semaphore, #tpu.memory_space<semaphore_mem>>
      %dma_start3A_204 = arith.constant 0 : i32
      %dma_start3A_205 = tpu.memref_slice %arg4[%mul3A_4, %dma_start3A_204] : memref<2560x128xi32, #tpu.memory_space<hbm>> -> memref<80x128xi32, #tpu.memory_space<hbm>>
      %dma_start3A_206 = arith.constant 0 : i32
      %dma_start3A_207 = tpu.memref_slice %arg4[%mul3A_4, %dma_start3A_206] : memref<2560x128xi32, #tpu.memory_space<hbm>> -> memref<80x128xi32, #tpu.memory_space<hbm>>
      tpu.enqueue_dma source(%dma_start3A_207 : memref<80x128xi32, #tpu.memory_space<hbm>>) target(%arg7 : memref<80x128xi32, #tpu.memory_space<vmem>>) target_semaphore(%run_scoped3A : memref<!tpu.dma_semaphore, #tpu.memory_space<semaphore_mem>>)
      %dma_wait3A_208 = arith.constant 0 : i32
      %dma_wait3A_209 = tpu.memref_slice %arg4[%mul3A_4, %dma_wait3A_208] : memref<2560x128xi32, #tpu.memory_space<hbm>> -> memref<80x128xi32, #tpu.memory_space<hbm>>
      %dma_wait3A_210 = arith.constant 0 : i32
      %dma_wait3A_211 = tpu.memref_slice %arg4[%mul3A_4, %dma_wait3A_210] : memref<2560x128xi32, #tpu.memory_space<hbm>> -> memref<80x128xi32, #tpu.memory_space<hbm>>
      tpu.wait_dma2 semaphore(%run_scoped3A : memref<!tpu.dma_semaphore, #tpu.memory_space<semaphore_mem>>) src(%dma_wait3A_211 : memref<80x128xi32, #tpu.memory_space<hbm>>) dst(%arg7 : memref<80x128xi32, #tpu.memory_space<vmem>>)
      tpu.yield
    }) : () -> ()
    %barrier3A = arith.constant 0 : index
    tpu.barrier barrier_id(%barrier3A)
    %mul3A_5 = arith.constant 80 : i32
    %mul3A_6 = arith.muli %add3A, %mul3A_5 : i32
    %add3A_7 = arith.constant 0 : i32
    %add3A_8 = arith.addi %mul3A_6, %add3A_7 : i32
    %dma_start3A = arith.constant 0 : i32
    %dma_start3A_9 = tpu.memref_slice %arg3[%add3A_8, %dma_start3A] : memref<2568x128xi32, #tpu.memory_space<hbm>> -> memref<1x128xi32, #tpu.memory_space<hbm>>
    %dma_start3A_10 = tpu.memref_squeeze %dma_start3A_9 : memref<1x128xi32, #tpu.memory_space<hbm>> -> memref<128xi32, #tpu.memory_space<hbm>>
    %dma_start3A_11 = arith.constant 0 : i32
    %dma_start3A_12 = tpu.memref_slice %arg3[%add3A_8, %dma_start3A_11] : memref<2568x128xi32, #tpu.memory_space<hbm>> -> memref<1x128xi32, #tpu.memory_space<hbm>>
    %dma_start3A_13 = tpu.memref_squeeze %dma_start3A_12 : memref<1x128xi32, #tpu.memory_space<hbm>> -> memref<128xi32, #tpu.memory_space<hbm>>
    tpu.enqueue_dma source(%dma_start3A_13 : memref<128xi32, #tpu.memory_space<hbm>>) target(%arg8 : memref<128xi32, #tpu.memory_space<vmem>>) target_semaphore(%arg15 : memref<!tpu.dma_semaphore, #tpu.memory_space<semaphore_mem>>)
    %mul3A_14 = arith.constant 80 : i32
    %mul3A_15 = arith.muli %add3A, %mul3A_14 : i32
    %add3A_16 = arith.constant 1 : i32
    %add3A_17 = arith.addi %mul3A_15, %add3A_16 : i32
    %dma_start3A_18 = arith.constant 0 : i32
    %dma_start3A_19 = tpu.memref_slice %arg3[%add3A_17, %dma_start3A_18] : memref<2568x128xi32, #tpu.memory_space<hbm>> -> memref<1x128xi32, #tpu.memory_space<hbm>>
    %dma_start3A_20 = tpu.memref_squeeze %dma_start3A_19 : memref<1x128xi32, #tpu.memory_space<hbm>> -> memref<128xi32, #tpu.memory_space<hbm>>
    %dma_start3A_21 = arith.constant 0 : i32
    %dma_start3A_22 = tpu.memref_slice %arg3[%add3A_17, %dma_start3A_21] : memref<2568x128xi32, #tpu.memory_space<hbm>> -> memref<1x128xi32, #tpu.memory_space<hbm>>
    %dma_start3A_23 = tpu.memref_squeeze %dma_start3A_22 : memref<1x128xi32, #tpu.memory_space<hbm>> -> memref<128xi32, #tpu.memory_space<hbm>>
    tpu.enqueue_dma source(%dma_start3A_23 : memref<128xi32, #tpu.memory_space<hbm>>) target(%arg9 : memref<128xi32, #tpu.memory_space<vmem>>) target_semaphore(%arg16 : memref<!tpu.dma_semaphore, #tpu.memory_space<semaphore_mem>>)
    %mul3A_24 = arith.constant 80 : i32
    %mul3A_25 = arith.muli %add3A, %mul3A_24 : i32
    %add3A_26 = arith.constant 2 : i32
    %add3A_27 = arith.addi %mul3A_25, %add3A_26 : i32
    %dma_start3A_28 = arith.constant 0 : i32
    %dma_start3A_29 = tpu.memref_slice %arg3[%add3A_27, %dma_start3A_28] : memref<2568x128xi32, #tpu.memory_space<hbm>> -> memref<1x128xi32, #tpu.memory_space<hbm>>
    %dma_start3A_30 = tpu.memref_squeeze %dma_start3A_29 : memref<1x128xi32, #tpu.memory_space<hbm>> -> memref<128xi32, #tpu.memory_space<hbm>>
    %dma_start3A_31 = arith.constant 0 : i32
    %dma_start3A_32 = tpu.memref_slice %arg3[%add3A_27, %dma_start3A_31] : memref<2568x128xi32, #tpu.memory_space<hbm>> -> memref<1x128xi32, #tpu.memory_space<hbm>>
    %dma_start3A_33 = tpu.memref_squeeze %dma_start3A_32 : memref<1x128xi32, #tpu.memory_space<hbm>> -> memref<128xi32, #tpu.memory_space<hbm>>
    tpu.enqueue_dma source(%dma_start3A_33 : memref<128xi32, #tpu.memory_space<hbm>>) target(%arg10 : memref<128xi32, #tpu.memory_space<vmem>>) target_semaphore(%arg17 : memref<!tpu.dma_semaphore, #tpu.memory_space<semaphore_mem>>)
    %mul3A_34 = arith.constant 80 : i32
    %mul3A_35 = arith.muli %add3A, %mul3A_34 : i32
    %add3A_36 = arith.constant 3 : i32
    %add3A_37 = arith.addi %mul3A_35, %add3A_36 : i32
    %dma_start3A_38 = arith.constant 0 : i32
    %dma_start3A_39 = tpu.memref_slice %arg3[%add3A_37, %dma_start3A_38] : memref<2568x128xi32, #tpu.memory_space<hbm>> -> memref<1x128xi32, #tpu.memory_space<hbm>>
    %dma_start3A_40 = tpu.memref_squeeze %dma_start3A_39 : memref<1x128xi32, #tpu.memory_space<hbm>> -> memref<128xi32, #tpu.memory_space<hbm>>
    %dma_start3A_41 = arith.constant 0 : i32
    %dma_start3A_42 = tpu.memref_slice %arg3[%add3A_37, %dma_start3A_41] : memref<2568x128xi32, #tpu.memory_space<hbm>> -> memref<1x128xi32, #tpu.memory_space<hbm>>
    %dma_start3A_43 = tpu.memref_squeeze %dma_start3A_42 : memref<1x128xi32, #tpu.memory_space<hbm>> -> memref<128xi32, #tpu.memory_space<hbm>>
    tpu.enqueue_dma source(%dma_start3A_43 : memref<128xi32, #tpu.memory_space<hbm>>) target(%arg11 : memref<128xi32, #tpu.memory_space<vmem>>) target_semaphore(%arg18 : memref<!tpu.dma_semaphore, #tpu.memory_space<semaphore_mem>>)
    %dma_wait3A = arith.constant 0 : i32
    %dma_wait3A_44 = arith.constant 0 : i32
    %dma_wait3A_45 = tpu.memref_slice %arg3[%dma_wait3A, %dma_wait3A_44] : memref<2568x128xi32, #tpu.memory_space<hbm>> -> memref<1x128xi32, #tpu.memory_space<hbm>>
    %dma_wait3A_46 = tpu.memref_squeeze %dma_wait3A_45 : memref<1x128xi32, #tpu.memory_space<hbm>> -> memref<128xi32, #tpu.memory_space<hbm>>
    %dma_wait3A_47 = arith.constant 0 : i32
    %dma_wait3A_48 = tpu.memref_slice %arg3[%dma_wait3A, %dma_wait3A_47] : memref<2568x128xi32, #tpu.memory_space<hbm>> -> memref<1x128xi32, #tpu.memory_space<hbm>>
    %dma_wait3A_49 = tpu.memref_squeeze %dma_wait3A_48 : memref<1x128xi32, #tpu.memory_space<hbm>> -> memref<128xi32, #tpu.memory_space<hbm>>
    tpu.wait_dma2 semaphore(%arg15 : memref<!tpu.dma_semaphore, #tpu.memory_space<semaphore_mem>>) src(%dma_wait3A_49 : memref<128xi32, #tpu.memory_space<hbm>>) dst(%arg8 : memref<128xi32, #tpu.memory_space<vmem>>)
    %dma_start3A_50 = arith.constant 0 : i32
    %dma_start3A_51 = arith.constant 0 : i32
    %dma_start3A_52 = tpu.memref_slice %arg2[%dma_start3A_50, %dma_start3A_51] : memref<10240x128xf32, #tpu.memory_space<hbm>> -> memref<10240x128xf32, #tpu.memory_space<hbm>>
    tpu.enqueue_indirect_dma source(%dma_start3A_52 : memref<10240x128xf32, #tpu.memory_space<hbm>>) target(%arg12 : memref<128x128xf32, #tpu.memory_space<vmem>>) offsets(%arg8 : memref<128xi32, #tpu.memory_space<vmem>>) semaphore(%arg19 : memref<!tpu.dma_semaphore, #tpu.memory_space<semaphore_mem>>)
    %dma_wait3A_53 = arith.constant 0 : i32
    %dma_wait3A_54 = arith.constant 0 : i32
    %dma_wait3A_55 = tpu.memref_slice %arg3[%dma_wait3A_53, %dma_wait3A_54] : memref<2568x128xi32, #tpu.memory_space<hbm>> -> memref<1x128xi32, #tpu.memory_space<hbm>>
    %dma_wait3A_56 = tpu.memref_squeeze %dma_wait3A_55 : memref<1x128xi32, #tpu.memory_space<hbm>> -> memref<128xi32, #tpu.memory_space<hbm>>
    %dma_wait3A_57 = arith.constant 0 : i32
    %dma_wait3A_58 = tpu.memref_slice %arg3[%dma_wait3A_53, %dma_wait3A_57] : memref<2568x128xi32, #tpu.memory_space<hbm>> -> memref<1x128xi32, #tpu.memory_space<hbm>>
    %dma_wait3A_59 = tpu.memref_squeeze %dma_wait3A_58 : memref<1x128xi32, #tpu.memory_space<hbm>> -> memref<128xi32, #tpu.memory_space<hbm>>
    tpu.wait_dma2 semaphore(%arg16 : memref<!tpu.dma_semaphore, #tpu.memory_space<semaphore_mem>>) src(%dma_wait3A_59 : memref<128xi32, #tpu.memory_space<hbm>>) dst(%arg9 : memref<128xi32, #tpu.memory_space<vmem>>)
    %dma_start3A_60 = arith.constant 0 : i32
    %dma_start3A_61 = arith.constant 0 : i32
    %dma_start3A_62 = tpu.memref_slice %arg2[%dma_start3A_60, %dma_start3A_61] : memref<10240x128xf32, #tpu.memory_space<hbm>> -> memref<10240x128xf32, #tpu.memory_space<hbm>>
    tpu.enqueue_indirect_dma source(%dma_start3A_62 : memref<10240x128xf32, #tpu.memory_space<hbm>>) target(%arg13 : memref<128x128xf32, #tpu.memory_space<vmem>>) offsets(%arg9 : memref<128xi32, #tpu.memory_space<vmem>>) semaphore(%arg20 : memref<!tpu.dma_semaphore, #tpu.memory_space<semaphore_mem>>)
    %dma_wait3A_63 = arith.constant 0 : i32
    %dma_wait3A_64 = arith.constant 0 : i32
    %dma_wait3A_65 = tpu.memref_slice %arg2[%dma_wait3A_63, %dma_wait3A_64] : memref<10240x128xf32, #tpu.memory_space<hbm>> -> memref<10240x128xf32, #tpu.memory_space<hbm>>
    tpu.wait_indirect_dma semaphore(%arg19 : memref<!tpu.dma_semaphore, #tpu.memory_space<semaphore_mem>>) src(%dma_wait3A_65 : memref<10240x128xf32, #tpu.memory_space<hbm>>) dst(%arg12 : memref<128x128xf32, #tpu.memory_space<vmem>>)
    %mul3A_66 = arith.constant 80 : i32
    %mul3A_67 = arith.muli %add3A, %mul3A_66 : i32
    %add3A_68 = arith.constant 4 : i32
    %add3A_69 = arith.addi %mul3A_67, %add3A_68 : i32
    %dma_start3A_70 = arith.constant 0 : i32
    %dma_start3A_71 = tpu.memref_slice %arg3[%add3A_69, %dma_start3A_70] : memref<2568x128xi32, #tpu.memory_space<hbm>> -> memref<1x128xi32, #tpu.memory_space<hbm>>
    %dma_start3A_72 = tpu.memref_squeeze %dma_start3A_71 : memref<1x128xi32, #tpu.memory_space<hbm>> -> memref<128xi32, #tpu.memory_space<hbm>>
    %dma_start3A_73 = arith.constant 0 : i32
    %dma_start3A_74 = tpu.memref_slice %arg3[%add3A_69, %dma_start3A_73] : memref<2568x128xi32, #tpu.memory_space<hbm>> -> memref<1x128xi32, #tpu.memory_space<hbm>>
    %dma_start3A_75 = tpu.memref_squeeze %dma_start3A_74 : memref<1x128xi32, #tpu.memory_space<hbm>> -> memref<128xi32, #tpu.memory_space<hbm>>
    tpu.enqueue_dma source(%dma_start3A_75 : memref<128xi32, #tpu.memory_space<hbm>>) target(%arg8 : memref<128xi32, #tpu.memory_space<vmem>>) target_semaphore(%arg15 : memref<!tpu.dma_semaphore, #tpu.memory_space<semaphore_mem>>)
    %dma_start3A_76 = arith.constant 0 : i32
    %dma_start3A_77 = arith.constant 0 : i32
    %dma_start3A_78 = tpu.memref_slice %arg7[%dma_start3A_76, %dma_start3A_77] : memref<80x128xi32, #tpu.memory_space<vmem>> -> memref<1x128xi32, #tpu.memory_space<vmem>>
    %dma_start3A_79 = tpu.memref_squeeze %dma_start3A_78 : memref<1x128xi32, #tpu.memory_space<vmem>> -> memref<128xi32, #tpu.memory_space<vmem>>
    %dma_start3A_80 = arith.constant 0 : i32
    %dma_start3A_81 = arith.constant 0 : i32
    %dma_start3A_82 = tpu.memref_slice %arg14[%dma_start3A_80, %dma_start3A_81] : memref<10240x128xf32, #tpu.memory_space<vmem_shared>> -> memref<10240x128xf32, #tpu.memory_space<vmem_shared>>
    tpu.enqueue_indirect_dma source(%arg12 : memref<128x128xf32, #tpu.memory_space<vmem>>) target(%dma_start3A_82 : memref<10240x128xf32, #tpu.memory_space<vmem_shared>>) offsets(%dma_start3A_79 : memref<128xi32, #tpu.memory_space<vmem>>) semaphore(%arg21 : memref<!tpu.dma_semaphore, #tpu.memory_space<semaphore_mem>>) {add = true}
    %dma_wait3A_83 = arith.constant 0 : i32
    %dma_wait3A_84 = arith.constant 0 : i32
    %dma_wait3A_85 = tpu.memref_slice %arg3[%dma_wait3A_83, %dma_wait3A_84] : memref<2568x128xi32, #tpu.memory_space<hbm>> -> memref<1x128xi32, #tpu.memory_space<hbm>>
    %dma_wait3A_86 = tpu.memref_squeeze %dma_wait3A_85 : memref<1x128xi32, #tpu.memory_space<hbm>> -> memref<128xi32, #tpu.memory_space<hbm>>
    %dma_wait3A_87 = arith.constant 0 : i32
    %dma_wait3A_88 = tpu.memref_slice %arg3[%dma_wait3A_83, %dma_wait3A_87] : memref<2568x128xi32, #tpu.memory_space<hbm>> -> memref<1x128xi32, #tpu.memory_space<hbm>>
    %dma_wait3A_89 = tpu.memref_squeeze %dma_wait3A_88 : memref<1x128xi32, #tpu.memory_space<hbm>> -> memref<128xi32, #tpu.memory_space<hbm>>
    tpu.wait_dma2 semaphore(%arg17 : memref<!tpu.dma_semaphore, #tpu.memory_space<semaphore_mem>>) src(%dma_wait3A_89 : memref<128xi32, #tpu.memory_space<hbm>>) dst(%arg10 : memref<128xi32, #tpu.memory_space<vmem>>)
    %dma_wait3A_90 = arith.constant 0 : i32
    %dma_wait3A_91 = arith.constant 0 : i32
    %dma_wait3A_92 = tpu.memref_slice %arg14[%dma_wait3A_90, %dma_wait3A_91] : memref<10240x128xf32, #tpu.memory_space<vmem_shared>> -> memref<128x128xf32, #tpu.memory_space<vmem_shared>>
    %dma_wait3A_93 = arith.constant 0 : i32
    %dma_wait3A_94 = arith.constant 0 : i32
    %dma_wait3A_95 = tpu.memref_slice %arg14[%dma_wait3A_93, %dma_wait3A_94] : memref<10240x128xf32, #tpu.memory_space<vmem_shared>> -> memref<128x128xf32, #tpu.memory_space<vmem_shared>>
    tpu.wait_dma2 semaphore(%arg21 : memref<!tpu.dma_semaphore, #tpu.memory_space<semaphore_mem>>) src(%arg12 : memref<128x128xf32, #tpu.memory_space<vmem>>) dst(%dma_wait3A_95 : memref<128x128xf32, #tpu.memory_space<vmem_shared>>)
    %dma_start3A_96 = arith.constant 0 : i32
    %dma_start3A_97 = arith.constant 0 : i32
    %dma_start3A_98 = tpu.memref_slice %arg2[%dma_start3A_96, %dma_start3A_97] : memref<10240x128xf32, #tpu.memory_space<hbm>> -> memref<10240x128xf32, #tpu.memory_space<hbm>>
    tpu.enqueue_indirect_dma source(%dma_start3A_98 : memref<10240x128xf32, #tpu.memory_space<hbm>>) target(%arg12 : memref<128x128xf32, #tpu.memory_space<vmem>>) offsets(%arg10 : memref<128xi32, #tpu.memory_space<vmem>>) semaphore(%arg19 : memref<!tpu.dma_semaphore, #tpu.memory_space<semaphore_mem>>)
    %dma_wait3A_99 = arith.constant 0 : i32
    %dma_wait3A_100 = arith.constant 0 : i32
    %dma_wait3A_101 = tpu.memref_slice %arg2[%dma_wait3A_99, %dma_wait3A_100] : memref<10240x128xf32, #tpu.memory_space<hbm>> -> memref<10240x128xf32, #tpu.memory_space<hbm>>
    tpu.wait_indirect_dma semaphore(%arg20 : memref<!tpu.dma_semaphore, #tpu.memory_space<semaphore_mem>>) src(%dma_wait3A_101 : memref<10240x128xf32, #tpu.memory_space<hbm>>) dst(%arg13 : memref<128x128xf32, #tpu.memory_space<vmem>>)
    %mul3A_102 = arith.constant 80 : i32
    %mul3A_103 = arith.muli %add3A, %mul3A_102 : i32
    %add3A_104 = arith.constant 5 : i32
    %add3A_105 = arith.addi %mul3A_103, %add3A_104 : i32
    %dma_start3A_106 = arith.constant 0 : i32
    %dma_start3A_107 = tpu.memref_slice %arg3[%add3A_105, %dma_start3A_106] : memref<2568x128xi32, #tpu.memory_space<hbm>> -> memref<1x128xi32, #tpu.memory_space<hbm>>
    %dma_start3A_108 = tpu.memref_squeeze %dma_start3A_107 : memref<1x128xi32, #tpu.memory_space<hbm>> -> memref<128xi32, #tpu.memory_space<hbm>>
    %dma_start3A_109 = arith.constant 0 : i32
    %dma_start3A_110 = tpu.memref_slice %arg3[%add3A_105, %dma_start3A_109] : memref<2568x128xi32, #tpu.memory_space<hbm>> -> memref<1x128xi32, #tpu.memory_space<hbm>>
    %dma_start3A_111 = tpu.memref_squeeze %dma_start3A_110 : memref<1x128xi32, #tpu.memory_space<hbm>> -> memref<128xi32, #tpu.memory_space<hbm>>
    tpu.enqueue_dma source(%dma_start3A_111 : memref<128xi32, #tpu.memory_space<hbm>>) target(%arg9 : memref<128xi32, #tpu.memory_space<vmem>>) target_semaphore(%arg16 : memref<!tpu.dma_semaphore, #tpu.memory_space<semaphore_mem>>)
    %dma_start3A_112 = arith.constant 1 : i32
    %dma_start3A_113 = arith.constant 0 : i32
    %dma_start3A_114 = tpu.memref_slice %arg7[%dma_start3A_112, %dma_start3A_113] : memref<80x128xi32, #tpu.memory_space<vmem>> -> memref<1x128xi32, #tpu.memory_space<vmem>>
    %dma_start3A_115 = tpu.memref_squeeze %dma_start3A_114 : memref<1x128xi32, #tpu.memory_space<vmem>> -> memref<128xi32, #tpu.memory_space<vmem>>
    %dma_start3A_116 = arith.constant 0 : i32
    %dma_start3A_117 = arith.constant 0 : i32
    %dma_start3A_118 = tpu.memref_slice %arg14[%dma_start3A_116, %dma_start3A_117] : memref<10240x128xf32, #tpu.memory_space<vmem_shared>> -> memref<10240x128xf32, #tpu.memory_space<vmem_shared>>
    tpu.enqueue_indirect_dma source(%arg13 : memref<128x128xf32, #tpu.memory_space<vmem>>) target(%dma_start3A_118 : memref<10240x128xf32, #tpu.memory_space<vmem_shared>>) offsets(%dma_start3A_115 : memref<128xi32, #tpu.memory_space<vmem>>) semaphore(%arg22 : memref<!tpu.dma_semaphore, #tpu.memory_space<semaphore_mem>>) {add = true}
    %dma_wait3A_119 = arith.constant 0 : i32
    %dma_wait3A_120 = arith.constant 0 : i32
    %dma_wait3A_121 = tpu.memref_slice %arg3[%dma_wait3A_119, %dma_wait3A_120] : memref<2568x128xi32, #tpu.memory_space<hbm>> -> memref<1x128xi32, #tpu.memory_space<hbm>>
    %dma_wait3A_122 = tpu.memref_squeeze %dma_wait3A_121 : memref<1x128xi32, #tpu.memory_space<hbm>> -> memref<128xi32, #tpu.memory_space<hbm>>
    %dma_wait3A_123 = arith.constant 0 : i32
    %dma_wait3A_124 = tpu.memref_slice %arg3[%dma_wait3A_119, %dma_wait3A_123] : memref<2568x128xi32, #tpu.memory_space<hbm>> -> memref<1x128xi32, #tpu.memory_space<hbm>>
    %dma_wait3A_125 = tpu.memref_squeeze %dma_wait3A_124 : memref<1x128xi32, #tpu.memory_space<hbm>> -> memref<128xi32, #tpu.memory_space<hbm>>
    tpu.wait_dma2 semaphore(%arg18 : memref<!tpu.dma_semaphore, #tpu.memory_space<semaphore_mem>>) src(%dma_wait3A_125 : memref<128xi32, #tpu.memory_space<hbm>>) dst(%arg11 : memref<128xi32, #tpu.memory_space<vmem>>)
    %dma_wait3A_126 = arith.constant 0 : i32
    %dma_wait3A_127 = arith.constant 0 : i32
    %dma_wait3A_128 = tpu.memref_slice %arg14[%dma_wait3A_126, %dma_wait3A_127] : memref<10240x128xf32, #tpu.memory_space<vmem_shared>> -> memref<128x128xf32, #tpu.memory_space<vmem_shared>>
    %dma_wait3A_129 = arith.constant 0 : i32
    %dma_wait3A_130 = arith.constant 0 : i32
    %dma_wait3A_131 = tpu.memref_slice %arg14[%dma_wait3A_129, %dma_wait3A_130] : memref<10240x128xf32, #tpu.memory_space<vmem_shared>> -> memref<128x128xf32, #tpu.memory_space<vmem_shared>>
    tpu.wait_dma2 semaphore(%arg22 : memref<!tpu.dma_semaphore, #tpu.memory_space<semaphore_mem>>) src(%arg13 : memref<128x128xf32, #tpu.memory_space<vmem>>) dst(%dma_wait3A_131 : memref<128x128xf32, #tpu.memory_space<vmem_shared>>)
    %dma_start3A_132 = arith.constant 0 : i32
    %dma_start3A_133 = arith.constant 0 : i32
    %dma_start3A_134 = tpu.memref_slice %arg2[%dma_start3A_132, %dma_start3A_133] : memref<10240x128xf32, #tpu.memory_space<hbm>> -> memref<10240x128xf32, #tpu.memory_space<hbm>>
    tpu.enqueue_indirect_dma source(%dma_start3A_134 : memref<10240x128xf32, #tpu.memory_space<hbm>>) target(%arg13 : memref<128x128xf32, #tpu.memory_space<vmem>>) offsets(%arg11 : memref<128xi32, #tpu.memory_space<vmem>>) semaphore(%arg20 : memref<!tpu.dma_semaphore, #tpu.memory_space<semaphore_mem>>)
    %dma_wait3A_135 = arith.constant 0 : i32
    %dma_wait3A_136 = arith.constant 0 : i32
    %dma_wait3A_137 = tpu.memref_slice %arg2[%dma_wait3A_135, %dma_wait3A_136] : memref<10240x128xf32, #tpu.memory_space<hbm>> -> memref<10240x128xf32, #tpu.memory_space<hbm>>
    tpu.wait_indirect_dma semaphore(%arg19 : memref<!tpu.dma_semaphore, #tpu.memory_space<semaphore_mem>>) src(%dma_wait3A_137 : memref<10240x128xf32, #tpu.memory_space<hbm>>) dst(%arg12 : memref<128x128xf32, #tpu.memory_space<vmem>>)
    %mul3A_138 = arith.constant 80 : i32
    %mul3A_139 = arith.muli %add3A, %mul3A_138 : i32
    %add3A_140 = arith.constant 6 : i32
    %add3A_141 = arith.addi %mul3A_139, %add3A_140 : i32
    %dma_start3A_142 = arith.constant 0 : i32
    %dma_start3A_143 = tpu.memref_slice %arg3[%add3A_141, %dma_start3A_142] : memref<2568x128xi32, #tpu.memory_space<hbm>> -> memref<1x128xi32, #tpu.memory_space<hbm>>
    %dma_start3A_144 = tpu.memref_squeeze %dma_start3A_143 : memref<1x128xi32, #tpu.memory_space<hbm>> -> memref<128xi32, #tpu.memory_space<hbm>>
    %dma_start3A_145 = arith.constant 0 : i32
    %dma_start3A_146 = tpu.memref_slice %arg3[%add3A_141, %dma_start3A_145] : memref<2568x128xi32, #tpu.memory_space<hbm>> -> memref<1x128xi32, #tpu.memory_space<hbm>>
    %dma_start3A_147 = tpu.memref_squeeze %dma_start3A_146 : memref<1x128xi32, #tpu.memory_space<hbm>> -> memref<128xi32, #tpu.memory_space<hbm>>
    tpu.enqueue_dma source(%dma_start3A_147 : memref<128xi32, #tpu.memory_space<hbm>>) target(%arg10 : memref<128xi32, #tpu.memory_space<vmem>>) target_semaphore(%arg17 : memref<!tpu.dma_semaphore, #tpu.memory_space<semaphore_mem>>)
    %dma_start3A_148 = arith.constant 2 : i32
    %dma_start3A_149 = arith.constant 0 : i32
    %dma_start3A_150 = tpu.memref_slice %arg7[%dma_start3A_148, %dma_start3A_149] : memref<80x128xi32, #tpu.memory_space<vmem>> -> memref<1x128xi32, #tpu.memory_space<vmem>>
    %dma_start3A_151 = tpu.memref_squeeze %dma_start3A_150 : memref<1x128xi32, #tpu.memory_space<vmem>> -> memref<128xi32, #tpu.memory_space<vmem>>
    %dma_start3A_152 = arith.constant 0 : i32
    %dma_start3A_153 = arith.constant 0 : i32
    %dma_start3A_154 = tpu.memref_slice %arg14[%dma_start3A_152, %dma_start3A_153] : memref<10240x128xf32, #tpu.memory_space<vmem_shared>> -> memref<10240x128xf32, #tpu.memory_space<vmem_shared>>
    tpu.enqueue_indirect_dma source(%arg12 : memref<128x128xf32, #tpu.memory_space<vmem>>) target(%dma_start3A_154 : memref<10240x128xf32, #tpu.memory_space<vmem_shared>>) offsets(%dma_start3A_151 : memref<128xi32, #tpu.memory_space<vmem>>) semaphore(%arg21 : memref<!tpu.dma_semaphore, #tpu.memory_space<semaphore_mem>>) {add = true}
    %scan3A = arith.constant 0 : i32
    %scan3A_155 = arith.constant 1 : i32
    %scan3A_156 = arith.constant 19 : i32
    %scan3A_157 = arith.addi %scan3A_155, %scan3A_156 : i32
    %scan3A_158 = arith.constant 1 : i32
    scf.for %scan3A_204 = %scan3A_155 to %scan3A_157 step %scan3A_158  : i32 {
      %mul3A_205 = arith.constant 4 : i32
      %mul3A_206 = arith.muli %scan3A_204, %mul3A_205 : i32
      %add3A_207 = arith.constant 0 : i32
      %add3A_208 = arith.addi %mul3A_206, %add3A_207 : i32
      %dma_wait3A_209 = arith.constant 0 : i32
      %dma_wait3A_210 = arith.constant 0 : i32
      %dma_wait3A_211 = tpu.memref_slice %arg3[%dma_wait3A_209, %dma_wait3A_210] : memref<2568x128xi32, #tpu.memory_space<hbm>> -> memref<1x128xi32, #tpu.memory_space<hbm>>
      %dma_wait3A_212 = tpu.memref_squeeze %dma_wait3A_211 : memref<1x128xi32, #tpu.memory_space<hbm>> -> memref<128xi32, #tpu.memory_space<hbm>>
      %dma_wait3A_213 = arith.constant 0 : i32
      %dma_wait3A_214 = tpu.memref_slice %arg3[%dma_wait3A_209, %dma_wait3A_213] : memref<2568x128xi32, #tpu.memory_space<hbm>> -> memref<1x128xi32, #tpu.memory_space<hbm>>
      %dma_wait3A_215 = tpu.memref_squeeze %dma_wait3A_214 : memref<1x128xi32, #tpu.memory_space<hbm>> -> memref<128xi32, #tpu.memory_space<hbm>>
      tpu.wait_dma2 semaphore(%arg15 : memref<!tpu.dma_semaphore, #tpu.memory_space<semaphore_mem>>) src(%dma_wait3A_215 : memref<128xi32, #tpu.memory_space<hbm>>) dst(%arg8 : memref<128xi32, #tpu.memory_space<vmem>>)
      %dma_wait3A_216 = arith.constant 0 : i32
      %dma_wait3A_217 = arith.constant 0 : i32
      %dma_wait3A_218 = tpu.memref_slice %arg14[%dma_wait3A_216, %dma_wait3A_217] : memref<10240x128xf32, #tpu.memory_space<vmem_shared>> -> memref<128x128xf32, #tpu.memory_space<vmem_shared>>
      %dma_wait3A_219 = arith.constant 0 : i32
      %dma_wait3A_220 = arith.constant 0 : i32
      %dma_wait3A_221 = tpu.memref_slice %arg14[%dma_wait3A_219, %dma_wait3A_220] : memref<10240x128xf32, #tpu.memory_space<vmem_shared>> -> memref<128x128xf32, #tpu.memory_space<vmem_shared>>
      tpu.wait_dma2 semaphore(%arg21 : memref<!tpu.dma_semaphore, #tpu.memory_space<semaphore_mem>>) src(%arg12 : memref<128x128xf32, #tpu.memory_space<vmem>>) dst(%dma_wait3A_221 : memref<128x128xf32, #tpu.memory_space<vmem_shared>>)
      %dma_start3A_222 = arith.constant 0 : i32
      %dma_start3A_223 = arith.constant 0 : i32
      %dma_start3A_224 = tpu.memref_slice %arg2[%dma_start3A_222, %dma_start3A_223] : memref<10240x128xf32, #tpu.memory_space<hbm>> -> memref<10240x128xf32, #tpu.memory_space<hbm>>
      tpu.enqueue_indirect_dma source(%dma_start3A_224 : memref<10240x128xf32, #tpu.memory_space<hbm>>) target(%arg12 : memref<128x128xf32, #tpu.memory_space<vmem>>) offsets(%arg8 : memref<128xi32, #tpu.memory_space<vmem>>) semaphore(%arg19 : memref<!tpu.dma_semaphore, #tpu.memory_space<semaphore_mem>>)
      %dma_wait3A_225 = arith.constant 0 : i32
      %dma_wait3A_226 = arith.constant 0 : i32
      %dma_wait3A_227 = tpu.memref_slice %arg2[%dma_wait3A_225, %dma_wait3A_226] : memref<10240x128xf32, #tpu.memory_space<hbm>> -> memref<10240x128xf32, #tpu.memory_space<hbm>>
      tpu.wait_indirect_dma semaphore(%arg20 : memref<!tpu.dma_semaphore, #tpu.memory_space<semaphore_mem>>) src(%dma_wait3A_227 : memref<10240x128xf32, #tpu.memory_space<hbm>>) dst(%arg13 : memref<128x128xf32, #tpu.memory_space<vmem>>)
      %sub3A = arith.constant 1 : i32
      %sub3A_228 = arith.subi %add3A_208, %sub3A : i32
      %add3A_229 = arith.constant 4 : i32
      %add3A_230 = arith.addi %sub3A_228, %add3A_229 : i32
      %mul3A_231 = arith.constant 80 : i32
      %mul3A_232 = arith.muli %add3A, %mul3A_231 : i32
      %add3A_233 = arith.addi %mul3A_232, %add3A_230 : i32
      %dma_start3A_234 = arith.constant 0 : i32
      %dma_start3A_235 = tpu.memref_slice %arg3[%add3A_233, %dma_start3A_234] : memref<2568x128xi32, #tpu.memory_space<hbm>> -> memref<1x128xi32, #tpu.memory_space<hbm>>
      %dma_start3A_236 = tpu.memref_squeeze %dma_start3A_235 : memref<1x128xi32, #tpu.memory_space<hbm>> -> memref<128xi32, #tpu.memory_space<hbm>>
      %dma_start3A_237 = arith.constant 0 : i32
      %dma_start3A_238 = tpu.memref_slice %arg3[%add3A_233, %dma_start3A_237] : memref<2568x128xi32, #tpu.memory_space<hbm>> -> memref<1x128xi32, #tpu.memory_space<hbm>>
      %dma_start3A_239 = tpu.memref_squeeze %dma_start3A_238 : memref<1x128xi32, #tpu.memory_space<hbm>> -> memref<128xi32, #tpu.memory_space<hbm>>
      tpu.enqueue_dma source(%dma_start3A_239 : memref<128xi32, #tpu.memory_space<hbm>>) target(%arg11 : memref<128xi32, #tpu.memory_space<vmem>>) target_semaphore(%arg18 : memref<!tpu.dma_semaphore, #tpu.memory_space<semaphore_mem>>)
      %sub3A_240 = arith.constant 1 : i32
      %sub3A_241 = arith.subi %add3A_208, %sub3A_240 : i32
      %dma_start3A_242 = arith.constant 0 : i32
      %dma_start3A_243 = tpu.memref_slice %arg7[%sub3A_241, %dma_start3A_242] : memref<80x128xi32, #tpu.memory_space<vmem>> -> memref<1x128xi32, #tpu.memory_space<vmem>>
      %dma_start3A_244 = tpu.memref_squeeze %dma_start3A_243 : memref<1x128xi32, #tpu.memory_space<vmem>> -> memref<128xi32, #tpu.memory_space<vmem>>
      %dma_start3A_245 = arith.constant 0 : i32
      %dma_start3A_246 = arith.constant 0 : i32
      %dma_start3A_247 = tpu.memref_slice %arg14[%dma_start3A_245, %dma_start3A_246] : memref<10240x128xf32, #tpu.memory_space<vmem_shared>> -> memref<10240x128xf32, #tpu.memory_space<vmem_shared>>
      tpu.enqueue_indirect_dma source(%arg13 : memref<128x128xf32, #tpu.memory_space<vmem>>) target(%dma_start3A_247 : memref<10240x128xf32, #tpu.memory_space<vmem_shared>>) offsets(%dma_start3A_244 : memref<128xi32, #tpu.memory_space<vmem>>) semaphore(%arg22 : memref<!tpu.dma_semaphore, #tpu.memory_space<semaphore_mem>>) {add = true}
      %add3A_248 = arith.constant 1 : i32
      %add3A_249 = arith.addi %mul3A_206, %add3A_248 : i32
      %dma_wait3A_250 = arith.constant 0 : i32
      %dma_wait3A_251 = arith.constant 0 : i32
      %dma_wait3A_252 = tpu.memref_slice %arg3[%dma_wait3A_250, %dma_wait3A_251] : memref<2568x128xi32, #tpu.memory_space<hbm>> -> memref<1x128xi32, #tpu.memory_space<hbm>>
      %dma_wait3A_253 = tpu.memref_squeeze %dma_wait3A_252 : memref<1x128xi32, #tpu.memory_space<hbm>> -> memref<128xi32, #tpu.memory_space<hbm>>
      %dma_wait3A_254 = arith.constant 0 : i32
      %dma_wait3A_255 = tpu.memref_slice %arg3[%dma_wait3A_250, %dma_wait3A_254] : memref<2568x128xi32, #tpu.memory_space<hbm>> -> memref<1x128xi32, #tpu.memory_space<hbm>>
      %dma_wait3A_256 = tpu.memref_squeeze %dma_wait3A_255 : memref<1x128xi32, #tpu.memory_space<hbm>> -> memref<128xi32, #tpu.memory_space<hbm>>
      tpu.wait_dma2 semaphore(%arg16 : memref<!tpu.dma_semaphore, #tpu.memory_space<semaphore_mem>>) src(%dma_wait3A_256 : memref<128xi32, #tpu.memory_space<hbm>>) dst(%arg9 : memref<128xi32, #tpu.memory_space<vmem>>)
      %dma_wait3A_257 = arith.constant 0 : i32
      %dma_wait3A_258 = arith.constant 0 : i32
      %dma_wait3A_259 = tpu.memref_slice %arg14[%dma_wait3A_257, %dma_wait3A_258] : memref<10240x128xf32, #tpu.memory_space<vmem_shared>> -> memref<128x128xf32, #tpu.memory_space<vmem_shared>>
      %dma_wait3A_260 = arith.constant 0 : i32
      %dma_wait3A_261 = arith.constant 0 : i32
      %dma_wait3A_262 = tpu.memref_slice %arg14[%dma_wait3A_260, %dma_wait3A_261] : memref<10240x128xf32, #tpu.memory_space<vmem_shared>> -> memref<128x128xf32, #tpu.memory_space<vmem_shared>>
      tpu.wait_dma2 semaphore(%arg22 : memref<!tpu.dma_semaphore, #tpu.memory_space<semaphore_mem>>) src(%arg13 : memref<128x128xf32, #tpu.memory_space<vmem>>) dst(%dma_wait3A_262 : memref<128x128xf32, #tpu.memory_space<vmem_shared>>)
      %dma_start3A_263 = arith.constant 0 : i32
      %dma_start3A_264 = arith.constant 0 : i32
      %dma_start3A_265 = tpu.memref_slice %arg2[%dma_start3A_263, %dma_start3A_264] : memref<10240x128xf32, #tpu.memory_space<hbm>> -> memref<10240x128xf32, #tpu.memory_space<hbm>>
      tpu.enqueue_indirect_dma source(%dma_start3A_265 : memref<10240x128xf32, #tpu.memory_space<hbm>>) target(%arg13 : memref<128x128xf32, #tpu.memory_space<vmem>>) offsets(%arg9 : memref<128xi32, #tpu.memory_space<vmem>>) semaphore(%arg20 : memref<!tpu.dma_semaphore, #tpu.memory_space<semaphore_mem>>)
      %dma_wait3A_266 = arith.constant 0 : i32
      %dma_wait3A_267 = arith.constant 0 : i32
      %dma_wait3A_268 = tpu.memref_slice %arg2[%dma_wait3A_266, %dma_wait3A_267] : memref<10240x128xf32, #tpu.memory_space<hbm>> -> memref<10240x128xf32, #tpu.memory_space<hbm>>
      tpu.wait_indirect_dma semaphore(%arg19 : memref<!tpu.dma_semaphore, #tpu.memory_space<semaphore_mem>>) src(%dma_wait3A_268 : memref<10240x128xf32, #tpu.memory_space<hbm>>) dst(%arg12 : memref<128x128xf32, #tpu.memory_space<vmem>>)
      %sub3A_269 = arith.constant 1 : i32
      %sub3A_270 = arith.subi %add3A_249, %sub3A_269 : i32
      %add3A_271 = arith.constant 4 : i32
      %add3A_272 = arith.addi %sub3A_270, %add3A_271 : i32
      %mul3A_273 = arith.constant 80 : i32
      %mul3A_274 = arith.muli %add3A, %mul3A_273 : i32
      %add3A_275 = arith.addi %mul3A_274, %add3A_272 : i32
      %dma_start3A_276 = arith.constant 0 : i32
      %dma_start3A_277 = tpu.memref_slice %arg3[%add3A_275, %dma_start3A_276] : memref<2568x128xi32, #tpu.memory_space<hbm>> -> memref<1x128xi32, #tpu.memory_space<hbm>>
      %dma_start3A_278 = tpu.memref_squeeze %dma_start3A_277 : memref<1x128xi32, #tpu.memory_space<hbm>> -> memref<128xi32, #tpu.memory_space<hbm>>
      %dma_start3A_279 = arith.constant 0 : i32
      %dma_start3A_280 = tpu.memref_slice %arg3[%add3A_275, %dma_start3A_279] : memref<2568x128xi32, #tpu.memory_space<hbm>> -> memref<1x128xi32, #tpu.memory_space<hbm>>
      %dma_start3A_281 = tpu.memref_squeeze %dma_start3A_280 : memref<1x128xi32, #tpu.memory_space<hbm>> -> memref<128xi32, #tpu.memory_space<hbm>>
      tpu.enqueue_dma source(%dma_start3A_281 : memref<128xi32, #tpu.memory_space<hbm>>) target(%arg8 : memref<128xi32, #tpu.memory_space<vmem>>) target_semaphore(%arg15 : memref<!tpu.dma_semaphore, #tpu.memory_space<semaphore_mem>>)
      %sub3A_282 = arith.constant 1 : i32
      %sub3A_283 = arith.subi %add3A_249, %sub3A_282 : i32
      %dma_start3A_284 = arith.constant 0 : i32
      %dma_start3A_285 = tpu.memref_slice %arg7[%sub3A_283, %dma_start3A_284] : memref<80x128xi32, #tpu.memory_space<vmem>> -> memref<1x128xi32, #tpu.memory_space<vmem>>
      %dma_start3A_286 = tpu.memref_squeeze %dma_start3A_285 : memref<1x128xi32, #tpu.memory_space<vmem>> -> memref<128xi32, #tpu.memory_space<vmem>>
      %dma_start3A_287 = arith.constant 0 : i32
      %dma_start3A_288 = arith.constant 0 : i32
      %dma_start3A_289 = tpu.memref_slice %arg14[%dma_start3A_287, %dma_start3A_288] : memref<10240x128xf32, #tpu.memory_space<vmem_shared>> -> memref<10240x128xf32, #tpu.memory_space<vmem_shared>>
      tpu.enqueue_indirect_dma source(%arg12 : memref<128x128xf32, #tpu.memory_space<vmem>>) target(%dma_start3A_289 : memref<10240x128xf32, #tpu.memory_space<vmem_shared>>) offsets(%dma_start3A_286 : memref<128xi32, #tpu.memory_space<vmem>>) semaphore(%arg21 : memref<!tpu.dma_semaphore, #tpu.memory_space<semaphore_mem>>) {add = true}
      %add3A_290 = arith.constant 2 : i32
      %add3A_291 = arith.addi %mul3A_206, %add3A_290 : i32
      %dma_wait3A_292 = arith.constant 0 : i32
      %dma_wait3A_293 = arith.constant 0 : i32
      %dma_wait3A_294 = tpu.memref_slice %arg3[%dma_wait3A_292, %dma_wait3A_293] : memref<2568x128xi32, #tpu.memory_space<hbm>> -> memref<1x128xi32, #tpu.memory_space<hbm>>
      %dma_wait3A_295 = tpu.memref_squeeze %dma_wait3A_294 : memref<1x128xi32, #tpu.memory_space<hbm>> -> memref<128xi32, #tpu.memory_space<hbm>>
      %dma_wait3A_296 = arith.constant 0 : i32
      %dma_wait3A_297 = tpu.memref_slice %arg3[%dma_wait3A_292, %dma_wait3A_296] : memref<2568x128xi32, #tpu.memory_space<hbm>> -> memref<1x128xi32, #tpu.memory_space<hbm>>
      %dma_wait3A_298 = tpu.memref_squeeze %dma_wait3A_297 : memref<1x128xi32, #tpu.memory_space<hbm>> -> memref<128xi32, #tpu.memory_space<hbm>>
      tpu.wait_dma2 semaphore(%arg17 : memref<!tpu.dma_semaphore, #tpu.memory_space<semaphore_mem>>) src(%dma_wait3A_298 : memref<128xi32, #tpu.memory_space<hbm>>) dst(%arg10 : memref<128xi32, #tpu.memory_space<vmem>>)
      %dma_wait3A_299 = arith.constant 0 : i32
      %dma_wait3A_300 = arith.constant 0 : i32
      %dma_wait3A_301 = tpu.memref_slice %arg14[%dma_wait3A_299, %dma_wait3A_300] : memref<10240x128xf32, #tpu.memory_space<vmem_shared>> -> memref<128x128xf32, #tpu.memory_space<vmem_shared>>
      %dma_wait3A_302 = arith.constant 0 : i32
      %dma_wait3A_303 = arith.constant 0 : i32
      %dma_wait3A_304 = tpu.memref_slice %arg14[%dma_wait3A_302, %dma_wait3A_303] : memref<10240x128xf32, #tpu.memory_space<vmem_shared>> -> memref<128x128xf32, #tpu.memory_space<vmem_shared>>
      tpu.wait_dma2 semaphore(%arg21 : memref<!tpu.dma_semaphore, #tpu.memory_space<semaphore_mem>>) src(%arg12 : memref<128x128xf32, #tpu.memory_space<vmem>>) dst(%dma_wait3A_304 : memref<128x128xf32, #tpu.memory_space<vmem_shared>>)
      %dma_start3A_305 = arith.constant 0 : i32
      %dma_start3A_306 = arith.constant 0 : i32
      %dma_start3A_307 = tpu.memref_slice %arg2[%dma_start3A_305, %dma_start3A_306] : memref<10240x128xf32, #tpu.memory_space<hbm>> -> memref<10240x128xf32, #tpu.memory_space<hbm>>
      tpu.enqueue_indirect_dma source(%dma_start3A_307 : memref<10240x128xf32, #tpu.memory_space<hbm>>) target(%arg12 : memref<128x128xf32, #tpu.memory_space<vmem>>) offsets(%arg10 : memref<128xi32, #tpu.memory_space<vmem>>) semaphore(%arg19 : memref<!tpu.dma_semaphore, #tpu.memory_space<semaphore_mem>>)
      %dma_wait3A_308 = arith.constant 0 : i32
      %dma_wait3A_309 = arith.constant 0 : i32
      %dma_wait3A_310 = tpu.memref_slice %arg2[%dma_wait3A_308, %dma_wait3A_309] : memref<10240x128xf32, #tpu.memory_space<hbm>> -> memref<10240x128xf32, #tpu.memory_space<hbm>>
      tpu.wait_indirect_dma semaphore(%arg20 : memref<!tpu.dma_semaphore, #tpu.memory_space<semaphore_mem>>) src(%dma_wait3A_310 : memref<10240x128xf32, #tpu.memory_space<hbm>>) dst(%arg13 : memref<128x128xf32, #tpu.memory_space<vmem>>)
      %sub3A_311 = arith.constant 1 : i32
      %sub3A_312 = arith.subi %add3A_291, %sub3A_311 : i32
      %add3A_313 = arith.constant 4 : i32
      %add3A_314 = arith.addi %sub3A_312, %add3A_313 : i32
      %mul3A_315 = arith.constant 80 : i32
      %mul3A_316 = arith.muli %add3A, %mul3A_315 : i32
      %add3A_317 = arith.addi %mul3A_316, %add3A_314 : i32
      %dma_start3A_318 = arith.constant 0 : i32
      %dma_start3A_319 = tpu.memref_slice %arg3[%add3A_317, %dma_start3A_318] : memref<2568x128xi32, #tpu.memory_space<hbm>> -> memref<1x128xi32, #tpu.memory_space<hbm>>
      %dma_start3A_320 = tpu.memref_squeeze %dma_start3A_319 : memref<1x128xi32, #tpu.memory_space<hbm>> -> memref<128xi32, #tpu.memory_space<hbm>>
      %dma_start3A_321 = arith.constant 0 : i32
      %dma_start3A_322 = tpu.memref_slice %arg3[%add3A_317, %dma_start3A_321] : memref<2568x128xi32, #tpu.memory_space<hbm>> -> memref<1x128xi32, #tpu.memory_space<hbm>>
      %dma_start3A_323 = tpu.memref_squeeze %dma_start3A_322 : memref<1x128xi32, #tpu.memory_space<hbm>> -> memref<128xi32, #tpu.memory_space<hbm>>
      tpu.enqueue_dma source(%dma_start3A_323 : memref<128xi32, #tpu.memory_space<hbm>>) target(%arg9 : memref<128xi32, #tpu.memory_space<vmem>>) target_semaphore(%arg16 : memref<!tpu.dma_semaphore, #tpu.memory_space<semaphore_mem>>)
      %sub3A_324 = arith.constant 1 : i32
      %sub3A_325 = arith.subi %add3A_291, %sub3A_324 : i32
      %dma_start3A_326 = arith.constant 0 : i32
      %dma_start3A_327 = tpu.memref_slice %arg7[%sub3A_325, %dma_start3A_326] : memref<80x128xi32, #tpu.memory_space<vmem>> -> memref<1x128xi32, #tpu.memory_space<vmem>>
      %dma_start3A_328 = tpu.memref_squeeze %dma_start3A_327 : memref<1x128xi32, #tpu.memory_space<vmem>> -> memref<128xi32, #tpu.memory_space<vmem>>
      %dma_start3A_329 = arith.constant 0 : i32
      %dma_start3A_330 = arith.constant 0 : i32
      %dma_start3A_331 = tpu.memref_slice %arg14[%dma_start3A_329, %dma_start3A_330] : memref<10240x128xf32, #tpu.memory_space<vmem_shared>> -> memref<10240x128xf32, #tpu.memory_space<vmem_shared>>
      tpu.enqueue_indirect_dma source(%arg13 : memref<128x128xf32, #tpu.memory_space<vmem>>) target(%dma_start3A_331 : memref<10240x128xf32, #tpu.memory_space<vmem_shared>>) offsets(%dma_start3A_328 : memref<128xi32, #tpu.memory_space<vmem>>) semaphore(%arg22 : memref<!tpu.dma_semaphore, #tpu.memory_space<semaphore_mem>>) {add = true}
      %add3A_332 = arith.constant 3 : i32
      %add3A_333 = arith.addi %mul3A_206, %add3A_332 : i32
      %dma_wait3A_334 = arith.constant 0 : i32
      %dma_wait3A_335 = arith.constant 0 : i32
      %dma_wait3A_336 = tpu.memref_slice %arg3[%dma_wait3A_334, %dma_wait3A_335] : memref<2568x128xi32, #tpu.memory_space<hbm>> -> memref<1x128xi32, #tpu.memory_space<hbm>>
      %dma_wait3A_337 = tpu.memref_squeeze %dma_wait3A_336 : memref<1x128xi32, #tpu.memory_space<hbm>> -> memref<128xi32, #tpu.memory_space<hbm>>
      %dma_wait3A_338 = arith.constant 0 : i32
      %dma_wait3A_339 = tpu.memref_slice %arg3[%dma_wait3A_334, %dma_wait3A_338] : memref<2568x128xi32, #tpu.memory_space<hbm>> -> memref<1x128xi32, #tpu.memory_space<hbm>>
      %dma_wait3A_340 = tpu.memref_squeeze %dma_wait3A_339 : memref<1x128xi32, #tpu.memory_space<hbm>> -> memref<128xi32, #tpu.memory_space<hbm>>
      tpu.wait_dma2 semaphore(%arg18 : memref<!tpu.dma_semaphore, #tpu.memory_space<semaphore_mem>>) src(%dma_wait3A_340 : memref<128xi32, #tpu.memory_space<hbm>>) dst(%arg11 : memref<128xi32, #tpu.memory_space<vmem>>)
      %dma_wait3A_341 = arith.constant 0 : i32
      %dma_wait3A_342 = arith.constant 0 : i32
      %dma_wait3A_343 = tpu.memref_slice %arg14[%dma_wait3A_341, %dma_wait3A_342] : memref<10240x128xf32, #tpu.memory_space<vmem_shared>> -> memref<128x128xf32, #tpu.memory_space<vmem_shared>>
      %dma_wait3A_344 = arith.constant 0 : i32
      %dma_wait3A_345 = arith.constant 0 : i32
      %dma_wait3A_346 = tpu.memref_slice %arg14[%dma_wait3A_344, %dma_wait3A_345] : memref<10240x128xf32, #tpu.memory_space<vmem_shared>> -> memref<128x128xf32, #tpu.memory_space<vmem_shared>>
      tpu.wait_dma2 semaphore(%arg22 : memref<!tpu.dma_semaphore, #tpu.memory_space<semaphore_mem>>) src(%arg13 : memref<128x128xf32, #tpu.memory_space<vmem>>) dst(%dma_wait3A_346 : memref<128x128xf32, #tpu.memory_space<vmem_shared>>)
      %dma_start3A_347 = arith.constant 0 : i32
      %dma_start3A_348 = arith.constant 0 : i32
      %dma_start3A_349 = tpu.memref_slice %arg2[%dma_start3A_347, %dma_start3A_348] : memref<10240x128xf32, #tpu.memory_space<hbm>> -> memref<10240x128xf32, #tpu.memory_space<hbm>>
      tpu.enqueue_indirect_dma source(%dma_start3A_349 : memref<10240x128xf32, #tpu.memory_space<hbm>>) target(%arg13 : memref<128x128xf32, #tpu.memory_space<vmem>>) offsets(%arg11 : memref<128xi32, #tpu.memory_space<vmem>>) semaphore(%arg20 : memref<!tpu.dma_semaphore, #tpu.memory_space<semaphore_mem>>)
      %dma_wait3A_350 = arith.constant 0 : i32
      %dma_wait3A_351 = arith.constant 0 : i32
      %dma_wait3A_352 = tpu.memref_slice %arg2[%dma_wait3A_350, %dma_wait3A_351] : memref<10240x128xf32, #tpu.memory_space<hbm>> -> memref<10240x128xf32, #tpu.memory_space<hbm>>
      tpu.wait_indirect_dma semaphore(%arg19 : memref<!tpu.dma_semaphore, #tpu.memory_space<semaphore_mem>>) src(%dma_wait3A_352 : memref<10240x128xf32, #tpu.memory_space<hbm>>) dst(%arg12 : memref<128x128xf32, #tpu.memory_space<vmem>>)
      %sub3A_353 = arith.constant 1 : i32
      %sub3A_354 = arith.subi %add3A_333, %sub3A_353 : i32
      %add3A_355 = arith.constant 4 : i32
      %add3A_356 = arith.addi %sub3A_354, %add3A_355 : i32
      %mul3A_357 = arith.constant 80 : i32
      %mul3A_358 = arith.muli %add3A, %mul3A_357 : i32
      %add3A_359 = arith.addi %mul3A_358, %add3A_356 : i32
      %dma_start3A_360 = arith.constant 0 : i32
      %dma_start3A_361 = tpu.memref_slice %arg3[%add3A_359, %dma_start3A_360] : memref<2568x128xi32, #tpu.memory_space<hbm>> -> memref<1x128xi32, #tpu.memory_space<hbm>>
      %dma_start3A_362 = tpu.memref_squeeze %dma_start3A_361 : memref<1x128xi32, #tpu.memory_space<hbm>> -> memref<128xi32, #tpu.memory_space<hbm>>
      %dma_start3A_363 = arith.constant 0 : i32
      %dma_start3A_364 = tpu.memref_slice %arg3[%add3A_359, %dma_start3A_363] : memref<2568x128xi32, #tpu.memory_space<hbm>> -> memref<1x128xi32, #tpu.memory_space<hbm>>
      %dma_start3A_365 = tpu.memref_squeeze %dma_start3A_364 : memref<1x128xi32, #tpu.memory_space<hbm>> -> memref<128xi32, #tpu.memory_space<hbm>>
      tpu.enqueue_dma source(%dma_start3A_365 : memref<128xi32, #tpu.memory_space<hbm>>) target(%arg10 : memref<128xi32, #tpu.memory_space<vmem>>) target_semaphore(%arg17 : memref<!tpu.dma_semaphore, #tpu.memory_space<semaphore_mem>>)
      %sub3A_366 = arith.constant 1 : i32
      %sub3A_367 = arith.subi %add3A_333, %sub3A_366 : i32
      %dma_start3A_368 = arith.constant 0 : i32
      %dma_start3A_369 = tpu.memref_slice %arg7[%sub3A_367, %dma_start3A_368] : memref<80x128xi32, #tpu.memory_space<vmem>> -> memref<1x128xi32, #tpu.memory_space<vmem>>
      %dma_start3A_370 = tpu.memref_squeeze %dma_start3A_369 : memref<1x128xi32, #tpu.memory_space<vmem>> -> memref<128xi32, #tpu.memory_space<vmem>>
      %dma_start3A_371 = arith.constant 0 : i32
      %dma_start3A_372 = arith.constant 0 : i32
      %dma_start3A_373 = tpu.memref_slice %arg14[%dma_start3A_371, %dma_start3A_372] : memref<10240x128xf32, #tpu.memory_space<vmem_shared>> -> memref<10240x128xf32, #tpu.memory_space<vmem_shared>>
      tpu.enqueue_indirect_dma source(%arg12 : memref<128x128xf32, #tpu.memory_space<vmem>>) target(%dma_start3A_373 : memref<10240x128xf32, #tpu.memory_space<vmem_shared>>) offsets(%dma_start3A_370 : memref<128xi32, #tpu.memory_space<vmem>>) semaphore(%arg21 : memref<!tpu.dma_semaphore, #tpu.memory_space<semaphore_mem>>) {add = true}
    }
    %scan3A_159 = arith.constant 19 : i32
    %dma_wait3A_160 = arith.constant 0 : i32
    %dma_wait3A_161 = arith.constant 0 : i32
    %dma_wait3A_162 = tpu.memref_slice %arg2[%dma_wait3A_160, %dma_wait3A_161] : memref<10240x128xf32, #tpu.memory_space<hbm>> -> memref<10240x128xf32, #tpu.memory_space<hbm>>
    tpu.wait_indirect_dma semaphore(%arg20 : memref<!tpu.dma_semaphore, #tpu.memory_space<semaphore_mem>>) src(%dma_wait3A_162 : memref<10240x128xf32, #tpu.memory_space<hbm>>) dst(%arg13 : memref<128x128xf32, #tpu.memory_space<vmem>>)
    %dma_start3A_163 = arith.constant 79 : i32
    %dma_start3A_164 = arith.constant 0 : i32
    %dma_start3A_165 = tpu.memref_slice %arg7[%dma_start3A_163, %dma_start3A_164] : memref<80x128xi32, #tpu.memory_space<vmem>> -> memref<1x128xi32, #tpu.memory_space<vmem>>
    %dma_start3A_166 = tpu.memref_squeeze %dma_start3A_165 : memref<1x128xi32, #tpu.memory_space<vmem>> -> memref<128xi32, #tpu.memory_space<vmem>>
    %dma_start3A_167 = arith.constant 0 : i32
    %dma_start3A_168 = arith.constant 0 : i32
    %dma_start3A_169 = tpu.memref_slice %arg14[%dma_start3A_167, %dma_start3A_168] : memref<10240x128xf32, #tpu.memory_space<vmem_shared>> -> memref<10240x128xf32, #tpu.memory_space<vmem_shared>>
    tpu.enqueue_indirect_dma source(%arg13 : memref<128x128xf32, #tpu.memory_space<vmem>>) target(%dma_start3A_169 : memref<10240x128xf32, #tpu.memory_space<vmem_shared>>) offsets(%dma_start3A_166 : memref<128xi32, #tpu.memory_space<vmem>>) semaphore(%arg22 : memref<!tpu.dma_semaphore, #tpu.memory_space<semaphore_mem>>) {add = true}
    %dma_wait3A_170 = arith.constant 0 : i32
    %dma_wait3A_171 = arith.constant 0 : i32
    %dma_wait3A_172 = tpu.memref_slice %arg14[%dma_wait3A_170, %dma_wait3A_171] : memref<10240x128xf32, #tpu.memory_space<vmem_shared>> -> memref<128x128xf32, #tpu.memory_space<vmem_shared>>
    %dma_wait3A_173 = arith.constant 0 : i32
    %dma_wait3A_174 = arith.constant 0 : i32
    %dma_wait3A_175 = tpu.memref_slice %arg14[%dma_wait3A_173, %dma_wait3A_174] : memref<10240x128xf32, #tpu.memory_space<vmem_shared>> -> memref<128x128xf32, #tpu.memory_space<vmem_shared>>
    tpu.wait_dma2 semaphore(%arg21 : memref<!tpu.dma_semaphore, #tpu.memory_space<semaphore_mem>>) src(%arg12 : memref<128x128xf32, #tpu.memory_space<vmem>>) dst(%dma_wait3A_175 : memref<128x128xf32, #tpu.memory_space<vmem_shared>>)
    %dma_wait3A_176 = arith.constant 0 : i32
    %dma_wait3A_177 = arith.constant 0 : i32
    %dma_wait3A_178 = tpu.memref_slice %arg14[%dma_wait3A_176, %dma_wait3A_177] : memref<10240x128xf32, #tpu.memory_space<vmem_shared>> -> memref<128x128xf32, #tpu.memory_space<vmem_shared>>
    %dma_wait3A_179 = arith.constant 0 : i32
    %dma_wait3A_180 = arith.constant 0 : i32
    %dma_wait3A_181 = tpu.memref_slice %arg14[%dma_wait3A_179, %dma_wait3A_180] : memref<10240x128xf32, #tpu.memory_space<vmem_shared>> -> memref<128x128xf32, #tpu.memory_space<vmem_shared>>
    tpu.wait_dma2 semaphore(%arg22 : memref<!tpu.dma_semaphore, #tpu.memory_space<semaphore_mem>>) src(%arg13 : memref<128x128xf32, #tpu.memory_space<vmem>>) dst(%dma_wait3A_181 : memref<128x128xf32, #tpu.memory_space<vmem_shared>>)
    %dma_wait3A_182 = arith.constant 0 : i32
    %dma_wait3A_183 = arith.constant 0 : i32
    %dma_wait3A_184 = tpu.memref_slice %arg3[%dma_wait3A_182, %dma_wait3A_183] : memref<2568x128xi32, #tpu.memory_space<hbm>> -> memref<1x128xi32, #tpu.memory_space<hbm>>
    %dma_wait3A_185 = tpu.memref_squeeze %dma_wait3A_184 : memref<1x128xi32, #tpu.memory_space<hbm>> -> memref<128xi32, #tpu.memory_space<hbm>>
    %dma_wait3A_186 = arith.constant 0 : i32
    %dma_wait3A_187 = tpu.memref_slice %arg3[%dma_wait3A_182, %dma_wait3A_186] : memref<2568x128xi32, #tpu.memory_space<hbm>> -> memref<1x128xi32, #tpu.memory_space<hbm>>
    %dma_wait3A_188 = tpu.memref_squeeze %dma_wait3A_187 : memref<1x128xi32, #tpu.memory_space<hbm>> -> memref<128xi32, #tpu.memory_space<hbm>>
    tpu.wait_dma2 semaphore(%arg15 : memref<!tpu.dma_semaphore, #tpu.memory_space<semaphore_mem>>) src(%dma_wait3A_188 : memref<128xi32, #tpu.memory_space<hbm>>) dst(%arg8 : memref<128xi32, #tpu.memory_space<vmem>>)
    %dma_wait3A_189 = arith.constant 0 : i32
    %dma_wait3A_190 = arith.constant 0 : i32
    %dma_wait3A_191 = tpu.memref_slice %arg3[%dma_wait3A_189, %dma_wait3A_190] : memref<2568x128xi32, #tpu.memory_space<hbm>> -> memref<1x128xi32, #tpu.memory_space<hbm>>
    %dma_wait3A_192 = tpu.memref_squeeze %dma_wait3A_191 : memref<1x128xi32, #tpu.memory_space<hbm>> -> memref<128xi32, #tpu.memory_space<hbm>>
    %dma_wait3A_193 = arith.constant 0 : i32
    %dma_wait3A_194 = tpu.memref_slice %arg3[%dma_wait3A_189, %dma_wait3A_193] : memref<2568x128xi32, #tpu.memory_space<hbm>> -> memref<1x128xi32, #tpu.memory_space<hbm>>
    %dma_wait3A_195 = tpu.memref_squeeze %dma_wait3A_194 : memref<1x128xi32, #tpu.memory_space<hbm>> -> memref<128xi32, #tpu.memory_space<hbm>>
    tpu.wait_dma2 semaphore(%arg16 : memref<!tpu.dma_semaphore, #tpu.memory_space<semaphore_mem>>) src(%dma_wait3A_195 : memref<128xi32, #tpu.memory_space<hbm>>) dst(%arg9 : memref<128xi32, #tpu.memory_space<vmem>>)
    %dma_wait3A_196 = arith.constant 0 : i32
    %dma_wait3A_197 = arith.constant 0 : i32
    %dma_wait3A_198 = tpu.memref_slice %arg3[%dma_wait3A_196, %dma_wait3A_197] : memref<2568x128xi32, #tpu.memory_space<hbm>> -> memref<1x128xi32, #tpu.memory_space<hbm>>
    %dma_wait3A_199 = tpu.memref_squeeze %dma_wait3A_198 : memref<1x128xi32, #tpu.memory_space<hbm>> -> memref<128xi32, #tpu.memory_space<hbm>>
    %dma_wait3A_200 = arith.constant 0 : i32
    %dma_wait3A_201 = tpu.memref_slice %arg3[%dma_wait3A_196, %dma_wait3A_200] : memref<2568x128xi32, #tpu.memory_space<hbm>> -> memref<1x128xi32, #tpu.memory_space<hbm>>
    %dma_wait3A_202 = tpu.memref_squeeze %dma_wait3A_201 : memref<1x128xi32, #tpu.memory_space<hbm>> -> memref<128xi32, #tpu.memory_space<hbm>>
    tpu.wait_dma2 semaphore(%arg17 : memref<!tpu.dma_semaphore, #tpu.memory_space<semaphore_mem>>) src(%dma_wait3A_202 : memref<128xi32, #tpu.memory_space<hbm>>) dst(%arg10 : memref<128xi32, #tpu.memory_space<vmem>>)
    %barrier3A_203 = arith.constant 0 : index
    tpu.barrier barrier_id(%barrier3A_203)
    "tpu.region"() ({
      %run_scoped3A = tpu.sem_alloc : memref<!tpu.dma_semaphore, #tpu.memory_space<semaphore_mem>>
      %dma_start3A_204 = arith.constant 0 : i32
      %dma_start3A_205 = tpu.memref_slice %arg6[%arg0, %mul3A_2, %dma_start3A_204] : memref<2x10240x128xf32, #tpu.memory_space<hbm>> -> memref<1x640x128xf32, #tpu.memory_space<hbm>>
      %dma_start3A_206 = tpu.memref_squeeze %dma_start3A_205 : memref<1x640x128xf32, #tpu.memory_space<hbm>> -> memref<640x128xf32, #tpu.memory_space<hbm>>
      %dma_start3A_207 = arith.constant 0 : i32
      %dma_start3A_208 = tpu.memref_slice %arg14[%mul3A_2, %dma_start3A_207] : memref<10240x128xf32, #tpu.memory_space<vmem_shared>> -> memref<640x128xf32, #tpu.memory_space<vmem_shared>>
      tpu.enqueue_dma source(%dma_start3A_208 : memref<640x128xf32, #tpu.memory_space<vmem_shared>>) target(%dma_start3A_206 : memref<640x128xf32, #tpu.memory_space<hbm>>) target_semaphore(%run_scoped3A : memref<!tpu.dma_semaphore, #tpu.memory_space<semaphore_mem>>)
      %dma_wait3A_209 = arith.constant 0 : i32
      %dma_wait3A_210 = tpu.memref_slice %arg6[%arg0, %mul3A_2, %dma_wait3A_209] : memref<2x10240x128xf32, #tpu.memory_space<hbm>> -> memref<1x640x128xf32, #tpu.memory_space<hbm>>
      %dma_wait3A_211 = tpu.memref_squeeze %dma_wait3A_210 : memref<1x640x128xf32, #tpu.memory_space<hbm>> -> memref<640x128xf32, #tpu.memory_space<hbm>>
      %dma_wait3A_212 = arith.constant 0 : i32
      %dma_wait3A_213 = tpu.memref_slice %arg14[%mul3A_2, %dma_wait3A_212] : memref<10240x128xf32, #tpu.memory_space<vmem_shared>> -> memref<640x128xf32, #tpu.memory_space<vmem_shared>>
      tpu.wait_dma2 semaphore(%run_scoped3A : memref<!tpu.dma_semaphore, #tpu.memory_space<semaphore_mem>>) src(%dma_wait3A_213 : memref<640x128xf32, #tpu.memory_space<vmem_shared>>) dst(%dma_wait3A_211 : memref<640x128xf32, #tpu.memory_space<hbm>>)
      tpu.yield
    }) : () -> ()
    return
  }
}

#map = affine_map<(d0, d1) -> (0, 0)>
#map1 = affine_map<(d0, d1) -> (0, 0, 0)>
module attributes {stable_mosaic.version = 14 : i64} {
  func.func @agg(%arg0: i32, %arg1: i32, %arg2: memref<10240x128xf32, #tpu.memory_space<hbm>>, %arg3: memref<2568x128xi32, #tpu.memory_space<hbm>>, %arg4: memref<2560x128xi32, #tpu.memory_space<hbm>>, %arg5: memref<10240x128xf32, #tpu.memory_space<hbm>>, %arg6: memref<2x10240x128xf32, #tpu.memory_space<hbm>>, %arg7: memref<80x128xi32, #tpu.memory_space<vmem>>, %arg8: memref<128xi32, #tpu.memory_space<vmem>>, %arg9: memref<128xi32, #tpu.memory_space<vmem>>, %arg10: memref<128xi32, #tpu.memory_space<vmem>>, %arg11: memref<128xi32, #tpu.memory_space<vmem>>, %arg12: memref<128x128xf32, #tpu.memory_space<vmem>>, %arg13: memref<128x128xf32, #tpu.memory_space<vmem>>, %arg14: memref<10240x128xf32, #tpu.memory_space<vmem_shared>>, %arg15: memref<!tpu.dma_semaphore, #tpu.memory_space<semaphore_mem>>, %arg16: memref<!tpu.dma_semaphore, #tpu.memory_space<semaphore_mem>>, %arg17: memref<!tpu.dma_semaphore, #tpu.memory_space<semaphore_mem>>, %arg18: memref<!tpu.dma_semaphore, #tpu.memory_space<semaphore_mem>>, %arg19: memref<!tpu.dma_semaphore, #tpu.memory_space<semaphore_mem>>, %arg20: memref<!tpu.dma_semaphore, #tpu.memory_space<semaphore_mem>>, %arg21: memref<!tpu.dma_semaphore, #tpu.memory_space<semaphore_mem>>, %arg22: memref<!tpu.dma_semaphore, #tpu.memory_space<semaphore_mem>>) attributes {dimension_semantics = [#tpu.dimension_semantics<core_parallel>, #tpu.dimension_semantics<subcore_parallel>], iteration_bounds = array<i64: 2, 16>, scalar_prefetch = 0 : i64, scratch_operands = 16 : i64, tpu.core_type = #tpu.core_type<sc_vector_subcore>, window_params = [{transform_indices = #map}, {transform_indices = #map}, {transform_indices = #map}, {transform_indices = #map}, {transform_indices = #map1}]} {
    %mul3A = arith.constant 2 : i32
    %mul3A_0 = arith.muli %arg1, %mul3A : i32
    %add3A = arith.addi %mul3A_0, %arg0 : i32
    %mul3A_1 = arith.constant 640 : i32
    %mul3A_2 = arith.muli %arg1, %mul3A_1 : i32
    "tpu.region"() ({
      %run_scoped3A = tpu.sem_alloc : memref<!tpu.dma_semaphore, #tpu.memory_space<semaphore_mem>>
      %dma_start3A_204 = arith.constant 0 : i32
      %dma_start3A_205 = tpu.memref_slice %arg14[%mul3A_2, %dma_start3A_204] : memref<10240x128xf32, #tpu.memory_space<vmem_shared>> -> memref<640x128xf32, #tpu.memory_space<vmem_shared>>
      %dma_start3A_206 = arith.constant 0 : i32
      %dma_start3A_207 = tpu.memref_slice %arg5[%mul3A_2, %dma_start3A_206] : memref<10240x128xf32, #tpu.memory_space<hbm>> -> memref<640x128xf32, #tpu.memory_space<hbm>>
      tpu.enqueue_dma source(%dma_start3A_207 : memref<640x128xf32, #tpu.memory_space<hbm>>) target(%dma_start3A_205 : memref<640x128xf32, #tpu.memory_space<vmem_shared>>) target_semaphore(%run_scoped3A : memref<!tpu.dma_semaphore, #tpu.memory_space<semaphore_mem>>)
      %dma_wait3A_208 = arith.constant 0 : i32
      %dma_wait3A_209 = tpu.memref_slice %arg14[%mul3A_2, %dma_wait3A_208] : memref<10240x128xf32, #tpu.memory_space<vmem_shared>> -> memref<640x128xf32, #tpu.memory_space<vmem_shared>>
      %dma_wait3A_210 = arith.constant 0 : i32
      %dma_wait3A_211 = tpu.memref_slice %arg5[%mul3A_2, %dma_wait3A_210] : memref<10240x128xf32, #tpu.memory_space<hbm>> -> memref<640x128xf32, #tpu.memory_space<hbm>>
      tpu.wait_dma2 semaphore(%run_scoped3A : memref<!tpu.dma_semaphore, #tpu.memory_space<semaphore_mem>>) src(%dma_wait3A_211 : memref<640x128xf32, #tpu.memory_space<hbm>>) dst(%dma_wait3A_209 : memref<640x128xf32, #tpu.memory_space<vmem_shared>>)
      tpu.yield
    }) : () -> ()
    %mul3A_3 = arith.constant 80 : i32
    %mul3A_4 = arith.muli %add3A, %mul3A_3 : i32
    "tpu.region"() ({
      %run_scoped3A = tpu.sem_alloc : memref<!tpu.dma_semaphore, #tpu.memory_space<semaphore_mem>>
      %dma_start3A_204 = arith.constant 0 : i32
      %dma_start3A_205 = tpu.memref_slice %arg4[%mul3A_4, %dma_start3A_204] : memref<2560x128xi32, #tpu.memory_space<hbm>> -> memref<80x128xi32, #tpu.memory_space<hbm>>
      %dma_start3A_206 = arith.constant 0 : i32
      %dma_start3A_207 = tpu.memref_slice %arg4[%mul3A_4, %dma_start3A_206] : memref<2560x128xi32, #tpu.memory_space<hbm>> -> memref<80x128xi32, #tpu.memory_space<hbm>>
      tpu.enqueue_dma source(%dma_start3A_207 : memref<80x128xi32, #tpu.memory_space<hbm>>) target(%arg7 : memref<80x128xi32, #tpu.memory_space<vmem>>) target_semaphore(%run_scoped3A : memref<!tpu.dma_semaphore, #tpu.memory_space<semaphore_mem>>)
      %dma_wait3A_208 = arith.constant 0 : i32
      %dma_wait3A_209 = tpu.memref_slice %arg4[%mul3A_4, %dma_wait3A_208] : memref<2560x128xi32, #tpu.memory_space<hbm>> -> memref<80x128xi32, #tpu.memory_space<hbm>>
      %dma_wait3A_210 = arith.constant 0 : i32
      %dma_wait3A_211 = tpu.memref_slice %arg4[%mul3A_4, %dma_wait3A_210] : memref<2560x128xi32, #tpu.memory_space<hbm>> -> memref<80x128xi32, #tpu.memory_space<hbm>>
      tpu.wait_dma2 semaphore(%run_scoped3A : memref<!tpu.dma_semaphore, #tpu.memory_space<semaphore_mem>>) src(%dma_wait3A_211 : memref<80x128xi32, #tpu.memory_space<hbm>>) dst(%arg7 : memref<80x128xi32, #tpu.memory_space<vmem>>)
      tpu.yield
    }) : () -> ()
    %barrier3A = arith.constant 0 : index
    tpu.barrier barrier_id(%barrier3A)
    %mul3A_5 = arith.constant 80 : i32
    %mul3A_6 = arith.muli %add3A, %mul3A_5 : i32
    %add3A_7 = arith.constant 0 : i32
    %add3A_8 = arith.addi %mul3A_6, %add3A_7 : i32
    %dma_start3A = arith.constant 0 : i32
    %dma_start3A_9 = tpu.memref_slice %arg3[%add3A_8, %dma_start3A] : memref<2568x128xi32, #tpu.memory_space<hbm>> -> memref<1x128xi32, #tpu.memory_space<hbm>>
    %dma_start3A_10 = tpu.memref_squeeze %dma_start3A_9 : memref<1x128xi32, #tpu.memory_space<hbm>> -> memref<128xi32, #tpu.memory_space<hbm>>
    %dma_start3A_11 = arith.constant 0 : i32
    %dma_start3A_12 = tpu.memref_slice %arg3[%add3A_8, %dma_start3A_11] : memref<2568x128xi32, #tpu.memory_space<hbm>> -> memref<1x128xi32, #tpu.memory_space<hbm>>
    %dma_start3A_13 = tpu.memref_squeeze %dma_start3A_12 : memref<1x128xi32, #tpu.memory_space<hbm>> -> memref<128xi32, #tpu.memory_space<hbm>>
    tpu.enqueue_dma source(%dma_start3A_13 : memref<128xi32, #tpu.memory_space<hbm>>) target(%arg8 : memref<128xi32, #tpu.memory_space<vmem>>) target_semaphore(%arg15 : memref<!tpu.dma_semaphore, #tpu.memory_space<semaphore_mem>>)
    %mul3A_14 = arith.constant 80 : i32
    %mul3A_15 = arith.muli %add3A, %mul3A_14 : i32
    %add3A_16 = arith.constant 1 : i32
    %add3A_17 = arith.addi %mul3A_15, %add3A_16 : i32
    %dma_start3A_18 = arith.constant 0 : i32
    %dma_start3A_19 = tpu.memref_slice %arg3[%add3A_17, %dma_start3A_18] : memref<2568x128xi32, #tpu.memory_space<hbm>> -> memref<1x128xi32, #tpu.memory_space<hbm>>
    %dma_start3A_20 = tpu.memref_squeeze %dma_start3A_19 : memref<1x128xi32, #tpu.memory_space<hbm>> -> memref<128xi32, #tpu.memory_space<hbm>>
    %dma_start3A_21 = arith.constant 0 : i32
    %dma_start3A_22 = tpu.memref_slice %arg3[%add3A_17, %dma_start3A_21] : memref<2568x128xi32, #tpu.memory_space<hbm>> -> memref<1x128xi32, #tpu.memory_space<hbm>>
    %dma_start3A_23 = tpu.memref_squeeze %dma_start3A_22 : memref<1x128xi32, #tpu.memory_space<hbm>> -> memref<128xi32, #tpu.memory_space<hbm>>
    tpu.enqueue_dma source(%dma_start3A_23 : memref<128xi32, #tpu.memory_space<hbm>>) target(%arg9 : memref<128xi32, #tpu.memory_space<vmem>>) target_semaphore(%arg16 : memref<!tpu.dma_semaphore, #tpu.memory_space<semaphore_mem>>)
    %mul3A_24 = arith.constant 80 : i32
    %mul3A_25 = arith.muli %add3A, %mul3A_24 : i32
    %add3A_26 = arith.constant 2 : i32
    %add3A_27 = arith.addi %mul3A_25, %add3A_26 : i32
    %dma_start3A_28 = arith.constant 0 : i32
    %dma_start3A_29 = tpu.memref_slice %arg3[%add3A_27, %dma_start3A_28] : memref<2568x128xi32, #tpu.memory_space<hbm>> -> memref<1x128xi32, #tpu.memory_space<hbm>>
    %dma_start3A_30 = tpu.memref_squeeze %dma_start3A_29 : memref<1x128xi32, #tpu.memory_space<hbm>> -> memref<128xi32, #tpu.memory_space<hbm>>
    %dma_start3A_31 = arith.constant 0 : i32
    %dma_start3A_32 = tpu.memref_slice %arg3[%add3A_27, %dma_start3A_31] : memref<2568x128xi32, #tpu.memory_space<hbm>> -> memref<1x128xi32, #tpu.memory_space<hbm>>
    %dma_start3A_33 = tpu.memref_squeeze %dma_start3A_32 : memref<1x128xi32, #tpu.memory_space<hbm>> -> memref<128xi32, #tpu.memory_space<hbm>>
    tpu.enqueue_dma source(%dma_start3A_33 : memref<128xi32, #tpu.memory_space<hbm>>) target(%arg10 : memref<128xi32, #tpu.memory_space<vmem>>) target_semaphore(%arg17 : memref<!tpu.dma_semaphore, #tpu.memory_space<semaphore_mem>>)
    %mul3A_34 = arith.constant 80 : i32
    %mul3A_35 = arith.muli %add3A, %mul3A_34 : i32
    %add3A_36 = arith.constant 3 : i32
    %add3A_37 = arith.addi %mul3A_35, %add3A_36 : i32
    %dma_start3A_38 = arith.constant 0 : i32
    %dma_start3A_39 = tpu.memref_slice %arg3[%add3A_37, %dma_start3A_38] : memref<2568x128xi32, #tpu.memory_space<hbm>> -> memref<1x128xi32, #tpu.memory_space<hbm>>
    %dma_start3A_40 = tpu.memref_squeeze %dma_start3A_39 : memref<1x128xi32, #tpu.memory_space<hbm>> -> memref<128xi32, #tpu.memory_space<hbm>>
    %dma_start3A_41 = arith.constant 0 : i32
    %dma_start3A_42 = tpu.memref_slice %arg3[%add3A_37, %dma_start3A_41] : memref<2568x128xi32, #tpu.memory_space<hbm>> -> memref<1x128xi32, #tpu.memory_space<hbm>>
    %dma_start3A_43 = tpu.memref_squeeze %dma_start3A_42 : memref<1x128xi32, #tpu.memory_space<hbm>> -> memref<128xi32, #tpu.memory_space<hbm>>
    tpu.enqueue_dma source(%dma_start3A_43 : memref<128xi32, #tpu.memory_space<hbm>>) target(%arg11 : memref<128xi32, #tpu.memory_space<vmem>>) target_semaphore(%arg18 : memref<!tpu.dma_semaphore, #tpu.memory_space<semaphore_mem>>)
    %dma_wait3A = arith.constant 0 : i32
    %dma_wait3A_44 = arith.constant 0 : i32
    %dma_wait3A_45 = tpu.memref_slice %arg3[%dma_wait3A, %dma_wait3A_44] : memref<2568x128xi32, #tpu.memory_space<hbm>> -> memref<1x128xi32, #tpu.memory_space<hbm>>
    %dma_wait3A_46 = tpu.memref_squeeze %dma_wait3A_45 : memref<1x128xi32, #tpu.memory_space<hbm>> -> memref<128xi32, #tpu.memory_space<hbm>>
    %dma_wait3A_47 = arith.constant 0 : i32
    %dma_wait3A_48 = tpu.memref_slice %arg3[%dma_wait3A, %dma_wait3A_47] : memref<2568x128xi32, #tpu.memory_space<hbm>> -> memref<1x128xi32, #tpu.memory_space<hbm>>
    %dma_wait3A_49 = tpu.memref_squeeze %dma_wait3A_48 : memref<1x128xi32, #tpu.memory_space<hbm>> -> memref<128xi32, #tpu.memory_space<hbm>>
    tpu.wait_dma2 semaphore(%arg15 : memref<!tpu.dma_semaphore, #tpu.memory_space<semaphore_mem>>) src(%dma_wait3A_49 : memref<128xi32, #tpu.memory_space<hbm>>) dst(%arg8 : memref<128xi32, #tpu.memory_space<vmem>>)
    %dma_start3A_50 = arith.constant 0 : i32
    %dma_start3A_51 = arith.constant 0 : i32
    %dma_start3A_52 = tpu.memref_slice %arg2[%dma_start3A_50, %dma_start3A_51] : memref<10240x128xf32, #tpu.memory_space<hbm>> -> memref<10240x128xf32, #tpu.memory_space<hbm>>
    tpu.enqueue_indirect_dma source(%dma_start3A_52 : memref<10240x128xf32, #tpu.memory_space<hbm>>) target(%arg12 : memref<128x128xf32, #tpu.memory_space<vmem>>) offsets(%arg8 : memref<128xi32, #tpu.memory_space<vmem>>) semaphore(%arg19 : memref<!tpu.dma_semaphore, #tpu.memory_space<semaphore_mem>>)
    %dma_wait3A_53 = arith.constant 0 : i32
    %dma_wait3A_54 = arith.constant 0 : i32
    %dma_wait3A_55 = tpu.memref_slice %arg3[%dma_wait3A_53, %dma_wait3A_54] : memref<2568x128xi32, #tpu.memory_space<hbm>> -> memref<1x128xi32, #tpu.memory_space<hbm>>
    %dma_wait3A_56 = tpu.memref_squeeze %dma_wait3A_55 : memref<1x128xi32, #tpu.memory_space<hbm>> -> memref<128xi32, #tpu.memory_space<hbm>>
    %dma_wait3A_57 = arith.constant 0 : i32
    %dma_wait3A_58 = tpu.memref_slice %arg3[%dma_wait3A_53, %dma_wait3A_57] : memref<2568x128xi32, #tpu.memory_space<hbm>> -> memref<1x128xi32, #tpu.memory_space<hbm>>
    %dma_wait3A_59 = tpu.memref_squeeze %dma_wait3A_58 : memref<1x128xi32, #tpu.memory_space<hbm>> -> memref<128xi32, #tpu.memory_space<hbm>>
    tpu.wait_dma2 semaphore(%arg16 : memref<!tpu.dma_semaphore, #tpu.memory_space<semaphore_mem>>) src(%dma_wait3A_59 : memref<128xi32, #tpu.memory_space<hbm>>) dst(%arg9 : memref<128xi32, #tpu.memory_space<vmem>>)
    %dma_start3A_60 = arith.constant 0 : i32
    %dma_start3A_61 = arith.constant 0 : i32
    %dma_start3A_62 = tpu.memref_slice %arg2[%dma_start3A_60, %dma_start3A_61] : memref<10240x128xf32, #tpu.memory_space<hbm>> -> memref<10240x128xf32, #tpu.memory_space<hbm>>
    tpu.enqueue_indirect_dma source(%dma_start3A_62 : memref<10240x128xf32, #tpu.memory_space<hbm>>) target(%arg13 : memref<128x128xf32, #tpu.memory_space<vmem>>) offsets(%arg9 : memref<128xi32, #tpu.memory_space<vmem>>) semaphore(%arg20 : memref<!tpu.dma_semaphore, #tpu.memory_space<semaphore_mem>>)
    %dma_wait3A_63 = arith.constant 0 : i32
    %dma_wait3A_64 = arith.constant 0 : i32
    %dma_wait3A_65 = tpu.memref_slice %arg2[%dma_wait3A_63, %dma_wait3A_64] : memref<10240x128xf32, #tpu.memory_space<hbm>> -> memref<10240x128xf32, #tpu.memory_space<hbm>>
    tpu.wait_indirect_dma semaphore(%arg19 : memref<!tpu.dma_semaphore, #tpu.memory_space<semaphore_mem>>) src(%dma_wait3A_65 : memref<10240x128xf32, #tpu.memory_space<hbm>>) dst(%arg12 : memref<128x128xf32, #tpu.memory_space<vmem>>)
    %mul3A_66 = arith.constant 80 : i32
    %mul3A_67 = arith.muli %add3A, %mul3A_66 : i32
    %add3A_68 = arith.constant 4 : i32
    %add3A_69 = arith.addi %mul3A_67, %add3A_68 : i32
    %dma_start3A_70 = arith.constant 0 : i32
    %dma_start3A_71 = tpu.memref_slice %arg3[%add3A_69, %dma_start3A_70] : memref<2568x128xi32, #tpu.memory_space<hbm>> -> memref<1x128xi32, #tpu.memory_space<hbm>>
    %dma_start3A_72 = tpu.memref_squeeze %dma_start3A_71 : memref<1x128xi32, #tpu.memory_space<hbm>> -> memref<128xi32, #tpu.memory_space<hbm>>
    %dma_start3A_73 = arith.constant 0 : i32
    %dma_start3A_74 = tpu.memref_slice %arg3[%add3A_69, %dma_start3A_73] : memref<2568x128xi32, #tpu.memory_space<hbm>> -> memref<1x128xi32, #tpu.memory_space<hbm>>
    %dma_start3A_75 = tpu.memref_squeeze %dma_start3A_74 : memref<1x128xi32, #tpu.memory_space<hbm>> -> memref<128xi32, #tpu.memory_space<hbm>>
    tpu.enqueue_dma source(%dma_start3A_75 : memref<128xi32, #tpu.memory_space<hbm>>) target(%arg8 : memref<128xi32, #tpu.memory_space<vmem>>) target_semaphore(%arg15 : memref<!tpu.dma_semaphore, #tpu.memory_space<semaphore_mem>>)
    %dma_start3A_76 = arith.constant 0 : i32
    %dma_start3A_77 = arith.constant 0 : i32
    %dma_start3A_78 = tpu.memref_slice %arg7[%dma_start3A_76, %dma_start3A_77] : memref<80x128xi32, #tpu.memory_space<vmem>> -> memref<1x128xi32, #tpu.memory_space<vmem>>
    %dma_start3A_79 = tpu.memref_squeeze %dma_start3A_78 : memref<1x128xi32, #tpu.memory_space<vmem>> -> memref<128xi32, #tpu.memory_space<vmem>>
    %dma_start3A_80 = arith.constant 0 : i32
    %dma_start3A_81 = arith.constant 0 : i32
    %dma_start3A_82 = tpu.memref_slice %arg14[%dma_start3A_80, %dma_start3A_81] : memref<10240x128xf32, #tpu.memory_space<vmem_shared>> -> memref<10240x128xf32, #tpu.memory_space<vmem_shared>>
    tpu.enqueue_indirect_dma source(%arg12 : memref<128x128xf32, #tpu.memory_space<vmem>>) target(%dma_start3A_82 : memref<10240x128xf32, #tpu.memory_space<vmem_shared>>) offsets(%dma_start3A_79 : memref<128xi32, #tpu.memory_space<vmem>>) semaphore(%arg21 : memref<!tpu.dma_semaphore, #tpu.memory_space<semaphore_mem>>) {add = true}
    %dma_wait3A_83 = arith.constant 0 : i32
    %dma_wait3A_84 = arith.constant 0 : i32
    %dma_wait3A_85 = tpu.memref_slice %arg3[%dma_wait3A_83, %dma_wait3A_84] : memref<2568x128xi32, #tpu.memory_space<hbm>> -> memref<1x128xi32, #tpu.memory_space<hbm>>
    %dma_wait3A_86 = tpu.memref_squeeze %dma_wait3A_85 : memref<1x128xi32, #tpu.memory_space<hbm>> -> memref<128xi32, #tpu.memory_space<hbm>>
    %dma_wait3A_87 = arith.constant 0 : i32
    %dma_wait3A_88 = tpu.memref_slice %arg3[%dma_wait3A_83, %dma_wait3A_87] : memref<2568x128xi32, #tpu.memory_space<hbm>> -> memref<1x128xi32, #tpu.memory_space<hbm>>
    %dma_wait3A_89 = tpu.memref_squeeze %dma_wait3A_88 : memref<1x128xi32, #tpu.memory_space<hbm>> -> memref<128xi32, #tpu.memory_space<hbm>>
    tpu.wait_dma2 semaphore(%arg17 : memref<!tpu.dma_semaphore, #tpu.memory_space<semaphore_mem>>) src(%dma_wait3A_89 : memref<128xi32, #tpu.memory_space<hbm>>) dst(%arg10 : memref<128xi32, #tpu.memory_space<vmem>>)
    %dma_wait3A_90 = arith.constant 0 : i32
    %dma_wait3A_91 = arith.constant 0 : i32
    %dma_wait3A_92 = tpu.memref_slice %arg14[%dma_wait3A_90, %dma_wait3A_91] : memref<10240x128xf32, #tpu.memory_space<vmem_shared>> -> memref<128x128xf32, #tpu.memory_space<vmem_shared>>
    %dma_wait3A_93 = arith.constant 0 : i32
    %dma_wait3A_94 = arith.constant 0 : i32
    %dma_wait3A_95 = tpu.memref_slice %arg14[%dma_wait3A_93, %dma_wait3A_94] : memref<10240x128xf32, #tpu.memory_space<vmem_shared>> -> memref<128x128xf32, #tpu.memory_space<vmem_shared>>
    tpu.wait_dma2 semaphore(%arg21 : memref<!tpu.dma_semaphore, #tpu.memory_space<semaphore_mem>>) src(%arg12 : memref<128x128xf32, #tpu.memory_space<vmem>>) dst(%dma_wait3A_95 : memref<128x128xf32, #tpu.memory_space<vmem_shared>>)
    %dma_start3A_96 = arith.constant 0 : i32
    %dma_start3A_97 = arith.constant 0 : i32
    %dma_start3A_98 = tpu.memref_slice %arg2[%dma_start3A_96, %dma_start3A_97] : memref<10240x128xf32, #tpu.memory_space<hbm>> -> memref<10240x128xf32, #tpu.memory_space<hbm>>
    tpu.enqueue_indirect_dma source(%dma_start3A_98 : memref<10240x128xf32, #tpu.memory_space<hbm>>) target(%arg12 : memref<128x128xf32, #tpu.memory_space<vmem>>) offsets(%arg10 : memref<128xi32, #tpu.memory_space<vmem>>) semaphore(%arg19 : memref<!tpu.dma_semaphore, #tpu.memory_space<semaphore_mem>>)
    %dma_wait3A_99 = arith.constant 0 : i32
    %dma_wait3A_100 = arith.constant 0 : i32
    %dma_wait3A_101 = tpu.memref_slice %arg2[%dma_wait3A_99, %dma_wait3A_100] : memref<10240x128xf32, #tpu.memory_space<hbm>> -> memref<10240x128xf32, #tpu.memory_space<hbm>>
    tpu.wait_indirect_dma semaphore(%arg20 : memref<!tpu.dma_semaphore, #tpu.memory_space<semaphore_mem>>) src(%dma_wait3A_101 : memref<10240x128xf32, #tpu.memory_space<hbm>>) dst(%arg13 : memref<128x128xf32, #tpu.memory_space<vmem>>)
    %mul3A_102 = arith.constant 80 : i32
    %mul3A_103 = arith.muli %add3A, %mul3A_102 : i32
    %add3A_104 = arith.constant 5 : i32
    %add3A_105 = arith.addi %mul3A_103, %add3A_104 : i32
    %dma_start3A_106 = arith.constant 0 : i32
    %dma_start3A_107 = tpu.memref_slice %arg3[%add3A_105, %dma_start3A_106] : memref<2568x128xi32, #tpu.memory_space<hbm>> -> memref<1x128xi32, #tpu.memory_space<hbm>>
    %dma_start3A_108 = tpu.memref_squeeze %dma_start3A_107 : memref<1x128xi32, #tpu.memory_space<hbm>> -> memref<128xi32, #tpu.memory_space<hbm>>
    %dma_start3A_109 = arith.constant 0 : i32
    %dma_start3A_110 = tpu.memref_slice %arg3[%add3A_105, %dma_start3A_109] : memref<2568x128xi32, #tpu.memory_space<hbm>> -> memref<1x128xi32, #tpu.memory_space<hbm>>
    %dma_start3A_111 = tpu.memref_squeeze %dma_start3A_110 : memref<1x128xi32, #tpu.memory_space<hbm>> -> memref<128xi32, #tpu.memory_space<hbm>>
    tpu.enqueue_dma source(%dma_start3A_111 : memref<128xi32, #tpu.memory_space<hbm>>) target(%arg9 : memref<128xi32, #tpu.memory_space<vmem>>) target_semaphore(%arg16 : memref<!tpu.dma_semaphore, #tpu.memory_space<semaphore_mem>>)
    %dma_start3A_112 = arith.constant 1 : i32
    %dma_start3A_113 = arith.constant 0 : i32
    %dma_start3A_114 = tpu.memref_slice %arg7[%dma_start3A_112, %dma_start3A_113] : memref<80x128xi32, #tpu.memory_space<vmem>> -> memref<1x128xi32, #tpu.memory_space<vmem>>
    %dma_start3A_115 = tpu.memref_squeeze %dma_start3A_114 : memref<1x128xi32, #tpu.memory_space<vmem>> -> memref<128xi32, #tpu.memory_space<vmem>>
    %dma_start3A_116 = arith.constant 0 : i32
    %dma_start3A_117 = arith.constant 0 : i32
    %dma_start3A_118 = tpu.memref_slice %arg14[%dma_start3A_116, %dma_start3A_117] : memref<10240x128xf32, #tpu.memory_space<vmem_shared>> -> memref<10240x128xf32, #tpu.memory_space<vmem_shared>>
    tpu.enqueue_indirect_dma source(%arg13 : memref<128x128xf32, #tpu.memory_space<vmem>>) target(%dma_start3A_118 : memref<10240x128xf32, #tpu.memory_space<vmem_shared>>) offsets(%dma_start3A_115 : memref<128xi32, #tpu.memory_space<vmem>>) semaphore(%arg22 : memref<!tpu.dma_semaphore, #tpu.memory_space<semaphore_mem>>) {add = true}
    %dma_wait3A_119 = arith.constant 0 : i32
    %dma_wait3A_120 = arith.constant 0 : i32
    %dma_wait3A_121 = tpu.memref_slice %arg3[%dma_wait3A_119, %dma_wait3A_120] : memref<2568x128xi32, #tpu.memory_space<hbm>> -> memref<1x128xi32, #tpu.memory_space<hbm>>
    %dma_wait3A_122 = tpu.memref_squeeze %dma_wait3A_121 : memref<1x128xi32, #tpu.memory_space<hbm>> -> memref<128xi32, #tpu.memory_space<hbm>>
    %dma_wait3A_123 = arith.constant 0 : i32
    %dma_wait3A_124 = tpu.memref_slice %arg3[%dma_wait3A_119, %dma_wait3A_123] : memref<2568x128xi32, #tpu.memory_space<hbm>> -> memref<1x128xi32, #tpu.memory_space<hbm>>
    %dma_wait3A_125 = tpu.memref_squeeze %dma_wait3A_124 : memref<1x128xi32, #tpu.memory_space<hbm>> -> memref<128xi32, #tpu.memory_space<hbm>>
    tpu.wait_dma2 semaphore(%arg18 : memref<!tpu.dma_semaphore, #tpu.memory_space<semaphore_mem>>) src(%dma_wait3A_125 : memref<128xi32, #tpu.memory_space<hbm>>) dst(%arg11 : memref<128xi32, #tpu.memory_space<vmem>>)
    %dma_wait3A_126 = arith.constant 0 : i32
    %dma_wait3A_127 = arith.constant 0 : i32
    %dma_wait3A_128 = tpu.memref_slice %arg14[%dma_wait3A_126, %dma_wait3A_127] : memref<10240x128xf32, #tpu.memory_space<vmem_shared>> -> memref<128x128xf32, #tpu.memory_space<vmem_shared>>
    %dma_wait3A_129 = arith.constant 0 : i32
    %dma_wait3A_130 = arith.constant 0 : i32
    %dma_wait3A_131 = tpu.memref_slice %arg14[%dma_wait3A_129, %dma_wait3A_130] : memref<10240x128xf32, #tpu.memory_space<vmem_shared>> -> memref<128x128xf32, #tpu.memory_space<vmem_shared>>
    tpu.wait_dma2 semaphore(%arg22 : memref<!tpu.dma_semaphore, #tpu.memory_space<semaphore_mem>>) src(%arg13 : memref<128x128xf32, #tpu.memory_space<vmem>>) dst(%dma_wait3A_131 : memref<128x128xf32, #tpu.memory_space<vmem_shared>>)
    %dma_start3A_132 = arith.constant 0 : i32
    %dma_start3A_133 = arith.constant 0 : i32
    %dma_start3A_134 = tpu.memref_slice %arg2[%dma_start3A_132, %dma_start3A_133] : memref<10240x128xf32, #tpu.memory_space<hbm>> -> memref<10240x128xf32, #tpu.memory_space<hbm>>
    tpu.enqueue_indirect_dma source(%dma_start3A_134 : memref<10240x128xf32, #tpu.memory_space<hbm>>) target(%arg13 : memref<128x128xf32, #tpu.memory_space<vmem>>) offsets(%arg11 : memref<128xi32, #tpu.memory_space<vmem>>) semaphore(%arg20 : memref<!tpu.dma_semaphore, #tpu.memory_space<semaphore_mem>>)
    %dma_wait3A_135 = arith.constant 0 : i32
    %dma_wait3A_136 = arith.constant 0 : i32
    %dma_wait3A_137 = tpu.memref_slice %arg2[%dma_wait3A_135, %dma_wait3A_136] : memref<10240x128xf32, #tpu.memory_space<hbm>> -> memref<10240x128xf32, #tpu.memory_space<hbm>>
    tpu.wait_indirect_dma semaphore(%arg19 : memref<!tpu.dma_semaphore, #tpu.memory_space<semaphore_mem>>) src(%dma_wait3A_137 : memref<10240x128xf32, #tpu.memory_space<hbm>>) dst(%arg12 : memref<128x128xf32, #tpu.memory_space<vmem>>)
    %mul3A_138 = arith.constant 80 : i32
    %mul3A_139 = arith.muli %add3A, %mul3A_138 : i32
    %add3A_140 = arith.constant 6 : i32
    %add3A_141 = arith.addi %mul3A_139, %add3A_140 : i32
    %dma_start3A_142 = arith.constant 0 : i32
    %dma_start3A_143 = tpu.memref_slice %arg3[%add3A_141, %dma_start3A_142] : memref<2568x128xi32, #tpu.memory_space<hbm>> -> memref<1x128xi32, #tpu.memory_space<hbm>>
    %dma_start3A_144 = tpu.memref_squeeze %dma_start3A_143 : memref<1x128xi32, #tpu.memory_space<hbm>> -> memref<128xi32, #tpu.memory_space<hbm>>
    %dma_start3A_145 = arith.constant 0 : i32
    %dma_start3A_146 = tpu.memref_slice %arg3[%add3A_141, %dma_start3A_145] : memref<2568x128xi32, #tpu.memory_space<hbm>> -> memref<1x128xi32, #tpu.memory_space<hbm>>
    %dma_start3A_147 = tpu.memref_squeeze %dma_start3A_146 : memref<1x128xi32, #tpu.memory_space<hbm>> -> memref<128xi32, #tpu.memory_space<hbm>>
    tpu.enqueue_dma source(%dma_start3A_147 : memref<128xi32, #tpu.memory_space<hbm>>) target(%arg10 : memref<128xi32, #tpu.memory_space<vmem>>) target_semaphore(%arg17 : memref<!tpu.dma_semaphore, #tpu.memory_space<semaphore_mem>>)
    %dma_start3A_148 = arith.constant 2 : i32
    %dma_start3A_149 = arith.constant 0 : i32
    %dma_start3A_150 = tpu.memref_slice %arg7[%dma_start3A_148, %dma_start3A_149] : memref<80x128xi32, #tpu.memory_space<vmem>> -> memref<1x128xi32, #tpu.memory_space<vmem>>
    %dma_start3A_151 = tpu.memref_squeeze %dma_start3A_150 : memref<1x128xi32, #tpu.memory_space<vmem>> -> memref<128xi32, #tpu.memory_space<vmem>>
    %dma_start3A_152 = arith.constant 0 : i32
    %dma_start3A_153 = arith.constant 0 : i32
    %dma_start3A_154 = tpu.memref_slice %arg14[%dma_start3A_152, %dma_start3A_153] : memref<10240x128xf32, #tpu.memory_space<vmem_shared>> -> memref<10240x128xf32, #tpu.memory_space<vmem_shared>>
    tpu.enqueue_indirect_dma source(%arg12 : memref<128x128xf32, #tpu.memory_space<vmem>>) target(%dma_start3A_154 : memref<10240x128xf32, #tpu.memory_space<vmem_shared>>) offsets(%dma_start3A_151 : memref<128xi32, #tpu.memory_space<vmem>>) semaphore(%arg21 : memref<!tpu.dma_semaphore, #tpu.memory_space<semaphore_mem>>) {add = true}
    %scan3A = arith.constant 0 : i32
    %scan3A_155 = arith.constant 1 : i32
    %scan3A_156 = arith.constant 19 : i32
    %scan3A_157 = arith.addi %scan3A_155, %scan3A_156 : i32
    %scan3A_158 = arith.constant 1 : i32
    scf.for %scan3A_204 = %scan3A_155 to %scan3A_157 step %scan3A_158  : i32 {
      %mul3A_205 = arith.constant 4 : i32
      %mul3A_206 = arith.muli %scan3A_204, %mul3A_205 : i32
      %add3A_207 = arith.constant 0 : i32
      %add3A_208 = arith.addi %mul3A_206, %add3A_207 : i32
      %dma_wait3A_209 = arith.constant 0 : i32
      %dma_wait3A_210 = arith.constant 0 : i32
      %dma_wait3A_211 = tpu.memref_slice %arg3[%dma_wait3A_209, %dma_wait3A_210] : memref<2568x128xi32, #tpu.memory_space<hbm>> -> memref<1x128xi32, #tpu.memory_space<hbm>>
      %dma_wait3A_212 = tpu.memref_squeeze %dma_wait3A_211 : memref<1x128xi32, #tpu.memory_space<hbm>> -> memref<128xi32, #tpu.memory_space<hbm>>
      %dma_wait3A_213 = arith.constant 0 : i32
      %dma_wait3A_214 = tpu.memref_slice %arg3[%dma_wait3A_209, %dma_wait3A_213] : memref<2568x128xi32, #tpu.memory_space<hbm>> -> memref<1x128xi32, #tpu.memory_space<hbm>>
      %dma_wait3A_215 = tpu.memref_squeeze %dma_wait3A_214 : memref<1x128xi32, #tpu.memory_space<hbm>> -> memref<128xi32, #tpu.memory_space<hbm>>
      tpu.wait_dma2 semaphore(%arg15 : memref<!tpu.dma_semaphore, #tpu.memory_space<semaphore_mem>>) src(%dma_wait3A_215 : memref<128xi32, #tpu.memory_space<hbm>>) dst(%arg8 : memref<128xi32, #tpu.memory_space<vmem>>)
      %dma_wait3A_216 = arith.constant 0 : i32
      %dma_wait3A_217 = arith.constant 0 : i32
      %dma_wait3A_218 = tpu.memref_slice %arg14[%dma_wait3A_216, %dma_wait3A_217] : memref<10240x128xf32, #tpu.memory_space<vmem_shared>> -> memref<128x128xf32, #tpu.memory_space<vmem_shared>>
      %dma_wait3A_219 = arith.constant 0 : i32
      %dma_wait3A_220 = arith.constant 0 : i32
      %dma_wait3A_221 = tpu.memref_slice %arg14[%dma_wait3A_219, %dma_wait3A_220] : memref<10240x128xf32, #tpu.memory_space<vmem_shared>> -> memref<128x128xf32, #tpu.memory_space<vmem_shared>>
      tpu.wait_dma2 semaphore(%arg21 : memref<!tpu.dma_semaphore, #tpu.memory_space<semaphore_mem>>) src(%arg12 : memref<128x128xf32, #tpu.memory_space<vmem>>) dst(%dma_wait3A_221 : memref<128x128xf32, #tpu.memory_space<vmem_shared>>)
      %dma_start3A_222 = arith.constant 0 : i32
      %dma_start3A_223 = arith.constant 0 : i32
      %dma_start3A_224 = tpu.memref_slice %arg2[%dma_start3A_222, %dma_start3A_223] : memref<10240x128xf32, #tpu.memory_space<hbm>> -> memref<10240x128xf32, #tpu.memory_space<hbm>>
      tpu.enqueue_indirect_dma source(%dma_start3A_224 : memref<10240x128xf32, #tpu.memory_space<hbm>>) target(%arg12 : memref<128x128xf32, #tpu.memory_space<vmem>>) offsets(%arg8 : memref<128xi32, #tpu.memory_space<vmem>>) semaphore(%arg19 : memref<!tpu.dma_semaphore, #tpu.memory_space<semaphore_mem>>)
      %dma_wait3A_225 = arith.constant 0 : i32
      %dma_wait3A_226 = arith.constant 0 : i32
      %dma_wait3A_227 = tpu.memref_slice %arg2[%dma_wait3A_225, %dma_wait3A_226] : memref<10240x128xf32, #tpu.memory_space<hbm>> -> memref<10240x128xf32, #tpu.memory_space<hbm>>
      tpu.wait_indirect_dma semaphore(%arg20 : memref<!tpu.dma_semaphore, #tpu.memory_space<semaphore_mem>>) src(%dma_wait3A_227 : memref<10240x128xf32, #tpu.memory_space<hbm>>) dst(%arg13 : memref<128x128xf32, #tpu.memory_space<vmem>>)
      %sub3A = arith.constant 1 : i32
      %sub3A_228 = arith.subi %add3A_208, %sub3A : i32
      %add3A_229 = arith.constant 4 : i32
      %add3A_230 = arith.addi %sub3A_228, %add3A_229 : i32
      %mul3A_231 = arith.constant 80 : i32
      %mul3A_232 = arith.muli %add3A, %mul3A_231 : i32
      %add3A_233 = arith.addi %mul3A_232, %add3A_230 : i32
      %dma_start3A_234 = arith.constant 0 : i32
      %dma_start3A_235 = tpu.memref_slice %arg3[%add3A_233, %dma_start3A_234] : memref<2568x128xi32, #tpu.memory_space<hbm>> -> memref<1x128xi32, #tpu.memory_space<hbm>>
      %dma_start3A_236 = tpu.memref_squeeze %dma_start3A_235 : memref<1x128xi32, #tpu.memory_space<hbm>> -> memref<128xi32, #tpu.memory_space<hbm>>
      %dma_start3A_237 = arith.constant 0 : i32
      %dma_start3A_238 = tpu.memref_slice %arg3[%add3A_233, %dma_start3A_237] : memref<2568x128xi32, #tpu.memory_space<hbm>> -> memref<1x128xi32, #tpu.memory_space<hbm>>
      %dma_start3A_239 = tpu.memref_squeeze %dma_start3A_238 : memref<1x128xi32, #tpu.memory_space<hbm>> -> memref<128xi32, #tpu.memory_space<hbm>>
      tpu.enqueue_dma source(%dma_start3A_239 : memref<128xi32, #tpu.memory_space<hbm>>) target(%arg11 : memref<128xi32, #tpu.memory_space<vmem>>) target_semaphore(%arg18 : memref<!tpu.dma_semaphore, #tpu.memory_space<semaphore_mem>>)
      %sub3A_240 = arith.constant 1 : i32
      %sub3A_241 = arith.subi %add3A_208, %sub3A_240 : i32
      %dma_start3A_242 = arith.constant 0 : i32
      %dma_start3A_243 = tpu.memref_slice %arg7[%sub3A_241, %dma_start3A_242] : memref<80x128xi32, #tpu.memory_space<vmem>> -> memref<1x128xi32, #tpu.memory_space<vmem>>
      %dma_start3A_244 = tpu.memref_squeeze %dma_start3A_243 : memref<1x128xi32, #tpu.memory_space<vmem>> -> memref<128xi32, #tpu.memory_space<vmem>>
      %dma_start3A_245 = arith.constant 0 : i32
      %dma_start3A_246 = arith.constant 0 : i32
      %dma_start3A_247 = tpu.memref_slice %arg14[%dma_start3A_245, %dma_start3A_246] : memref<10240x128xf32, #tpu.memory_space<vmem_shared>> -> memref<10240x128xf32, #tpu.memory_space<vmem_shared>>
      tpu.enqueue_indirect_dma source(%arg13 : memref<128x128xf32, #tpu.memory_space<vmem>>) target(%dma_start3A_247 : memref<10240x128xf32, #tpu.memory_space<vmem_shared>>) offsets(%dma_start3A_244 : memref<128xi32, #tpu.memory_space<vmem>>) semaphore(%arg22 : memref<!tpu.dma_semaphore, #tpu.memory_space<semaphore_mem>>) {add = true}
      %add3A_248 = arith.constant 1 : i32
      %add3A_249 = arith.addi %mul3A_206, %add3A_248 : i32
      %dma_wait3A_250 = arith.constant 0 : i32
      %dma_wait3A_251 = arith.constant 0 : i32
      %dma_wait3A_252 = tpu.memref_slice %arg3[%dma_wait3A_250, %dma_wait3A_251] : memref<2568x128xi32, #tpu.memory_space<hbm>> -> memref<1x128xi32, #tpu.memory_space<hbm>>
      %dma_wait3A_253 = tpu.memref_squeeze %dma_wait3A_252 : memref<1x128xi32, #tpu.memory_space<hbm>> -> memref<128xi32, #tpu.memory_space<hbm>>
      %dma_wait3A_254 = arith.constant 0 : i32
      %dma_wait3A_255 = tpu.memref_slice %arg3[%dma_wait3A_250, %dma_wait3A_254] : memref<2568x128xi32, #tpu.memory_space<hbm>> -> memref<1x128xi32, #tpu.memory_space<hbm>>
      %dma_wait3A_256 = tpu.memref_squeeze %dma_wait3A_255 : memref<1x128xi32, #tpu.memory_space<hbm>> -> memref<128xi32, #tpu.memory_space<hbm>>
      tpu.wait_dma2 semaphore(%arg16 : memref<!tpu.dma_semaphore, #tpu.memory_space<semaphore_mem>>) src(%dma_wait3A_256 : memref<128xi32, #tpu.memory_space<hbm>>) dst(%arg9 : memref<128xi32, #tpu.memory_space<vmem>>)
      %dma_wait3A_257 = arith.constant 0 : i32
      %dma_wait3A_258 = arith.constant 0 : i32
      %dma_wait3A_259 = tpu.memref_slice %arg14[%dma_wait3A_257, %dma_wait3A_258] : memref<10240x128xf32, #tpu.memory_space<vmem_shared>> -> memref<128x128xf32, #tpu.memory_space<vmem_shared>>
      %dma_wait3A_260 = arith.constant 0 : i32
      %dma_wait3A_261 = arith.constant 0 : i32
      %dma_wait3A_262 = tpu.memref_slice %arg14[%dma_wait3A_260, %dma_wait3A_261] : memref<10240x128xf32, #tpu.memory_space<vmem_shared>> -> memref<128x128xf32, #tpu.memory_space<vmem_shared>>
      tpu.wait_dma2 semaphore(%arg22 : memref<!tpu.dma_semaphore, #tpu.memory_space<semaphore_mem>>) src(%arg13 : memref<128x128xf32, #tpu.memory_space<vmem>>) dst(%dma_wait3A_262 : memref<128x128xf32, #tpu.memory_space<vmem_shared>>)
      %dma_start3A_263 = arith.constant 0 : i32
      %dma_start3A_264 = arith.constant 0 : i32
      %dma_start3A_265 = tpu.memref_slice %arg2[%dma_start3A_263, %dma_start3A_264] : memref<10240x128xf32, #tpu.memory_space<hbm>> -> memref<10240x128xf32, #tpu.memory_space<hbm>>
      tpu.enqueue_indirect_dma source(%dma_start3A_265 : memref<10240x128xf32, #tpu.memory_space<hbm>>) target(%arg13 : memref<128x128xf32, #tpu.memory_space<vmem>>) offsets(%arg9 : memref<128xi32, #tpu.memory_space<vmem>>) semaphore(%arg20 : memref<!tpu.dma_semaphore, #tpu.memory_space<semaphore_mem>>)
      %dma_wait3A_266 = arith.constant 0 : i32
      %dma_wait3A_267 = arith.constant 0 : i32
      %dma_wait3A_268 = tpu.memref_slice %arg2[%dma_wait3A_266, %dma_wait3A_267] : memref<10240x128xf32, #tpu.memory_space<hbm>> -> memref<10240x128xf32, #tpu.memory_space<hbm>>
      tpu.wait_indirect_dma semaphore(%arg19 : memref<!tpu.dma_semaphore, #tpu.memory_space<semaphore_mem>>) src(%dma_wait3A_268 : memref<10240x128xf32, #tpu.memory_space<hbm>>) dst(%arg12 : memref<128x128xf32, #tpu.memory_space<vmem>>)
      %sub3A_269 = arith.constant 1 : i32
      %sub3A_270 = arith.subi %add3A_249, %sub3A_269 : i32
      %add3A_271 = arith.constant 4 : i32
      %add3A_272 = arith.addi %sub3A_270, %add3A_271 : i32
      %mul3A_273 = arith.constant 80 : i32
      %mul3A_274 = arith.muli %add3A, %mul3A_273 : i32
      %add3A_275 = arith.addi %mul3A_274, %add3A_272 : i32
      %dma_start3A_276 = arith.constant 0 : i32
      %dma_start3A_277 = tpu.memref_slice %arg3[%add3A_275, %dma_start3A_276] : memref<2568x128xi32, #tpu.memory_space<hbm>> -> memref<1x128xi32, #tpu.memory_space<hbm>>
      %dma_start3A_278 = tpu.memref_squeeze %dma_start3A_277 : memref<1x128xi32, #tpu.memory_space<hbm>> -> memref<128xi32, #tpu.memory_space<hbm>>
      %dma_start3A_279 = arith.constant 0 : i32
      %dma_start3A_280 = tpu.memref_slice %arg3[%add3A_275, %dma_start3A_279] : memref<2568x128xi32, #tpu.memory_space<hbm>> -> memref<1x128xi32, #tpu.memory_space<hbm>>
      %dma_start3A_281 = tpu.memref_squeeze %dma_start3A_280 : memref<1x128xi32, #tpu.memory_space<hbm>> -> memref<128xi32, #tpu.memory_space<hbm>>
      tpu.enqueue_dma source(%dma_start3A_281 : memref<128xi32, #tpu.memory_space<hbm>>) target(%arg8 : memref<128xi32, #tpu.memory_space<vmem>>) target_semaphore(%arg15 : memref<!tpu.dma_semaphore, #tpu.memory_space<semaphore_mem>>)
      %sub3A_282 = arith.constant 1 : i32
      %sub3A_283 = arith.subi %add3A_249, %sub3A_282 : i32
      %dma_start3A_284 = arith.constant 0 : i32
      %dma_start3A_285 = tpu.memref_slice %arg7[%sub3A_283, %dma_start3A_284] : memref<80x128xi32, #tpu.memory_space<vmem>> -> memref<1x128xi32, #tpu.memory_space<vmem>>
      %dma_start3A_286 = tpu.memref_squeeze %dma_start3A_285 : memref<1x128xi32, #tpu.memory_space<vmem>> -> memref<128xi32, #tpu.memory_space<vmem>>
      %dma_start3A_287 = arith.constant 0 : i32
      %dma_start3A_288 = arith.constant 0 : i32
      %dma_start3A_289 = tpu.memref_slice %arg14[%dma_start3A_287, %dma_start3A_288] : memref<10240x128xf32, #tpu.memory_space<vmem_shared>> -> memref<10240x128xf32, #tpu.memory_space<vmem_shared>>
      tpu.enqueue_indirect_dma source(%arg12 : memref<128x128xf32, #tpu.memory_space<vmem>>) target(%dma_start3A_289 : memref<10240x128xf32, #tpu.memory_space<vmem_shared>>) offsets(%dma_start3A_286 : memref<128xi32, #tpu.memory_space<vmem>>) semaphore(%arg21 : memref<!tpu.dma_semaphore, #tpu.memory_space<semaphore_mem>>) {add = true}
      %add3A_290 = arith.constant 2 : i32
      %add3A_291 = arith.addi %mul3A_206, %add3A_290 : i32
      %dma_wait3A_292 = arith.constant 0 : i32
      %dma_wait3A_293 = arith.constant 0 : i32
      %dma_wait3A_294 = tpu.memref_slice %arg3[%dma_wait3A_292, %dma_wait3A_293] : memref<2568x128xi32, #tpu.memory_space<hbm>> -> memref<1x128xi32, #tpu.memory_space<hbm>>
      %dma_wait3A_295 = tpu.memref_squeeze %dma_wait3A_294 : memref<1x128xi32, #tpu.memory_space<hbm>> -> memref<128xi32, #tpu.memory_space<hbm>>
      %dma_wait3A_296 = arith.constant 0 : i32
      %dma_wait3A_297 = tpu.memref_slice %arg3[%dma_wait3A_292, %dma_wait3A_296] : memref<2568x128xi32, #tpu.memory_space<hbm>> -> memref<1x128xi32, #tpu.memory_space<hbm>>
      %dma_wait3A_298 = tpu.memref_squeeze %dma_wait3A_297 : memref<1x128xi32, #tpu.memory_space<hbm>> -> memref<128xi32, #tpu.memory_space<hbm>>
      tpu.wait_dma2 semaphore(%arg17 : memref<!tpu.dma_semaphore, #tpu.memory_space<semaphore_mem>>) src(%dma_wait3A_298 : memref<128xi32, #tpu.memory_space<hbm>>) dst(%arg10 : memref<128xi32, #tpu.memory_space<vmem>>)
      %dma_wait3A_299 = arith.constant 0 : i32
      %dma_wait3A_300 = arith.constant 0 : i32
      %dma_wait3A_301 = tpu.memref_slice %arg14[%dma_wait3A_299, %dma_wait3A_300] : memref<10240x128xf32, #tpu.memory_space<vmem_shared>> -> memref<128x128xf32, #tpu.memory_space<vmem_shared>>
      %dma_wait3A_302 = arith.constant 0 : i32
      %dma_wait3A_303 = arith.constant 0 : i32
      %dma_wait3A_304 = tpu.memref_slice %arg14[%dma_wait3A_302, %dma_wait3A_303] : memref<10240x128xf32, #tpu.memory_space<vmem_shared>> -> memref<128x128xf32, #tpu.memory_space<vmem_shared>>
      tpu.wait_dma2 semaphore(%arg21 : memref<!tpu.dma_semaphore, #tpu.memory_space<semaphore_mem>>) src(%arg12 : memref<128x128xf32, #tpu.memory_space<vmem>>) dst(%dma_wait3A_304 : memref<128x128xf32, #tpu.memory_space<vmem_shared>>)
      %dma_start3A_305 = arith.constant 0 : i32
      %dma_start3A_306 = arith.constant 0 : i32
      %dma_start3A_307 = tpu.memref_slice %arg2[%dma_start3A_305, %dma_start3A_306] : memref<10240x128xf32, #tpu.memory_space<hbm>> -> memref<10240x128xf32, #tpu.memory_space<hbm>>
      tpu.enqueue_indirect_dma source(%dma_start3A_307 : memref<10240x128xf32, #tpu.memory_space<hbm>>) target(%arg12 : memref<128x128xf32, #tpu.memory_space<vmem>>) offsets(%arg10 : memref<128xi32, #tpu.memory_space<vmem>>) semaphore(%arg19 : memref<!tpu.dma_semaphore, #tpu.memory_space<semaphore_mem>>)
      %dma_wait3A_308 = arith.constant 0 : i32
      %dma_wait3A_309 = arith.constant 0 : i32
      %dma_wait3A_310 = tpu.memref_slice %arg2[%dma_wait3A_308, %dma_wait3A_309] : memref<10240x128xf32, #tpu.memory_space<hbm>> -> memref<10240x128xf32, #tpu.memory_space<hbm>>
      tpu.wait_indirect_dma semaphore(%arg20 : memref<!tpu.dma_semaphore, #tpu.memory_space<semaphore_mem>>) src(%dma_wait3A_310 : memref<10240x128xf32, #tpu.memory_space<hbm>>) dst(%arg13 : memref<128x128xf32, #tpu.memory_space<vmem>>)
      %sub3A_311 = arith.constant 1 : i32
      %sub3A_312 = arith.subi %add3A_291, %sub3A_311 : i32
      %add3A_313 = arith.constant 4 : i32
      %add3A_314 = arith.addi %sub3A_312, %add3A_313 : i32
      %mul3A_315 = arith.constant 80 : i32
      %mul3A_316 = arith.muli %add3A, %mul3A_315 : i32
      %add3A_317 = arith.addi %mul3A_316, %add3A_314 : i32
      %dma_start3A_318 = arith.constant 0 : i32
      %dma_start3A_319 = tpu.memref_slice %arg3[%add3A_317, %dma_start3A_318] : memref<2568x128xi32, #tpu.memory_space<hbm>> -> memref<1x128xi32, #tpu.memory_space<hbm>>
      %dma_start3A_320 = tpu.memref_squeeze %dma_start3A_319 : memref<1x128xi32, #tpu.memory_space<hbm>> -> memref<128xi32, #tpu.memory_space<hbm>>
      %dma_start3A_321 = arith.constant 0 : i32
      %dma_start3A_322 = tpu.memref_slice %arg3[%add3A_317, %dma_start3A_321] : memref<2568x128xi32, #tpu.memory_space<hbm>> -> memref<1x128xi32, #tpu.memory_space<hbm>>
      %dma_start3A_323 = tpu.memref_squeeze %dma_start3A_322 : memref<1x128xi32, #tpu.memory_space<hbm>> -> memref<128xi32, #tpu.memory_space<hbm>>
      tpu.enqueue_dma source(%dma_start3A_323 : memref<128xi32, #tpu.memory_space<hbm>>) target(%arg9 : memref<128xi32, #tpu.memory_space<vmem>>) target_semaphore(%arg16 : memref<!tpu.dma_semaphore, #tpu.memory_space<semaphore_mem>>)
      %sub3A_324 = arith.constant 1 : i32
      %sub3A_325 = arith.subi %add3A_291, %sub3A_324 : i32
      %dma_start3A_326 = arith.constant 0 : i32
      %dma_start3A_327 = tpu.memref_slice %arg7[%sub3A_325, %dma_start3A_326] : memref<80x128xi32, #tpu.memory_space<vmem>> -> memref<1x128xi32, #tpu.memory_space<vmem>>
      %dma_start3A_328 = tpu.memref_squeeze %dma_start3A_327 : memref<1x128xi32, #tpu.memory_space<vmem>> -> memref<128xi32, #tpu.memory_space<vmem>>
      %dma_start3A_329 = arith.constant 0 : i32
      %dma_start3A_330 = arith.constant 0 : i32
      %dma_start3A_331 = tpu.memref_slice %arg14[%dma_start3A_329, %dma_start3A_330] : memref<10240x128xf32, #tpu.memory_space<vmem_shared>> -> memref<10240x128xf32, #tpu.memory_space<vmem_shared>>
      tpu.enqueue_indirect_dma source(%arg13 : memref<128x128xf32, #tpu.memory_space<vmem>>) target(%dma_start3A_331 : memref<10240x128xf32, #tpu.memory_space<vmem_shared>>) offsets(%dma_start3A_328 : memref<128xi32, #tpu.memory_space<vmem>>) semaphore(%arg22 : memref<!tpu.dma_semaphore, #tpu.memory_space<semaphore_mem>>) {add = true}
      %add3A_332 = arith.constant 3 : i32
      %add3A_333 = arith.addi %mul3A_206, %add3A_332 : i32
      %dma_wait3A_334 = arith.constant 0 : i32
      %dma_wait3A_335 = arith.constant 0 : i32
      %dma_wait3A_336 = tpu.memref_slice %arg3[%dma_wait3A_334, %dma_wait3A_335] : memref<2568x128xi32, #tpu.memory_space<hbm>> -> memref<1x128xi32, #tpu.memory_space<hbm>>
      %dma_wait3A_337 = tpu.memref_squeeze %dma_wait3A_336 : memref<1x128xi32, #tpu.memory_space<hbm>> -> memref<128xi32, #tpu.memory_space<hbm>>
      %dma_wait3A_338 = arith.constant 0 : i32
      %dma_wait3A_339 = tpu.memref_slice %arg3[%dma_wait3A_334, %dma_wait3A_338] : memref<2568x128xi32, #tpu.memory_space<hbm>> -> memref<1x128xi32, #tpu.memory_space<hbm>>
      %dma_wait3A_340 = tpu.memref_squeeze %dma_wait3A_339 : memref<1x128xi32, #tpu.memory_space<hbm>> -> memref<128xi32, #tpu.memory_space<hbm>>
      tpu.wait_dma2 semaphore(%arg18 : memref<!tpu.dma_semaphore, #tpu.memory_space<semaphore_mem>>) src(%dma_wait3A_340 : memref<128xi32, #tpu.memory_space<hbm>>) dst(%arg11 : memref<128xi32, #tpu.memory_space<vmem>>)
      %dma_wait3A_341 = arith.constant 0 : i32
      %dma_wait3A_342 = arith.constant 0 : i32
      %dma_wait3A_343 = tpu.memref_slice %arg14[%dma_wait3A_341, %dma_wait3A_342] : memref<10240x128xf32, #tpu.memory_space<vmem_shared>> -> memref<128x128xf32, #tpu.memory_space<vmem_shared>>
      %dma_wait3A_344 = arith.constant 0 : i32
      %dma_wait3A_345 = arith.constant 0 : i32
      %dma_wait3A_346 = tpu.memref_slice %arg14[%dma_wait3A_344, %dma_wait3A_345] : memref<10240x128xf32, #tpu.memory_space<vmem_shared>> -> memref<128x128xf32, #tpu.memory_space<vmem_shared>>
      tpu.wait_dma2 semaphore(%arg22 : memref<!tpu.dma_semaphore, #tpu.memory_space<semaphore_mem>>) src(%arg13 : memref<128x128xf32, #tpu.memory_space<vmem>>) dst(%dma_wait3A_346 : memref<128x128xf32, #tpu.memory_space<vmem_shared>>)
      %dma_start3A_347 = arith.constant 0 : i32
      %dma_start3A_348 = arith.constant 0 : i32
      %dma_start3A_349 = tpu.memref_slice %arg2[%dma_start3A_347, %dma_start3A_348] : memref<10240x128xf32, #tpu.memory_space<hbm>> -> memref<10240x128xf32, #tpu.memory_space<hbm>>
      tpu.enqueue_indirect_dma source(%dma_start3A_349 : memref<10240x128xf32, #tpu.memory_space<hbm>>) target(%arg13 : memref<128x128xf32, #tpu.memory_space<vmem>>) offsets(%arg11 : memref<128xi32, #tpu.memory_space<vmem>>) semaphore(%arg20 : memref<!tpu.dma_semaphore, #tpu.memory_space<semaphore_mem>>)
      %dma_wait3A_350 = arith.constant 0 : i32
      %dma_wait3A_351 = arith.constant 0 : i32
      %dma_wait3A_352 = tpu.memref_slice %arg2[%dma_wait3A_350, %dma_wait3A_351] : memref<10240x128xf32, #tpu.memory_space<hbm>> -> memref<10240x128xf32, #tpu.memory_space<hbm>>
      tpu.wait_indirect_dma semaphore(%arg19 : memref<!tpu.dma_semaphore, #tpu.memory_space<semaphore_mem>>) src(%dma_wait3A_352 : memref<10240x128xf32, #tpu.memory_space<hbm>>) dst(%arg12 : memref<128x128xf32, #tpu.memory_space<vmem>>)
      %sub3A_353 = arith.constant 1 : i32
      %sub3A_354 = arith.subi %add3A_333, %sub3A_353 : i32
      %add3A_355 = arith.constant 4 : i32
      %add3A_356 = arith.addi %sub3A_354, %add3A_355 : i32
      %mul3A_357 = arith.constant 80 : i32
      %mul3A_358 = arith.muli %add3A, %mul3A_357 : i32
      %add3A_359 = arith.addi %mul3A_358, %add3A_356 : i32
      %dma_start3A_360 = arith.constant 0 : i32
      %dma_start3A_361 = tpu.memref_slice %arg3[%add3A_359, %dma_start3A_360] : memref<2568x128xi32, #tpu.memory_space<hbm>> -> memref<1x128xi32, #tpu.memory_space<hbm>>
      %dma_start3A_362 = tpu.memref_squeeze %dma_start3A_361 : memref<1x128xi32, #tpu.memory_space<hbm>> -> memref<128xi32, #tpu.memory_space<hbm>>
      %dma_start3A_363 = arith.constant 0 : i32
      %dma_start3A_364 = tpu.memref_slice %arg3[%add3A_359, %dma_start3A_363] : memref<2568x128xi32, #tpu.memory_space<hbm>> -> memref<1x128xi32, #tpu.memory_space<hbm>>
      %dma_start3A_365 = tpu.memref_squeeze %dma_start3A_364 : memref<1x128xi32, #tpu.memory_space<hbm>> -> memref<128xi32, #tpu.memory_space<hbm>>
      tpu.enqueue_dma source(%dma_start3A_365 : memref<128xi32, #tpu.memory_space<hbm>>) target(%arg10 : memref<128xi32, #tpu.memory_space<vmem>>) target_semaphore(%arg17 : memref<!tpu.dma_semaphore, #tpu.memory_space<semaphore_mem>>)
      %sub3A_366 = arith.constant 1 : i32
      %sub3A_367 = arith.subi %add3A_333, %sub3A_366 : i32
      %dma_start3A_368 = arith.constant 0 : i32
      %dma_start3A_369 = tpu.memref_slice %arg7[%sub3A_367, %dma_start3A_368] : memref<80x128xi32, #tpu.memory_space<vmem>> -> memref<1x128xi32, #tpu.memory_space<vmem>>
      %dma_start3A_370 = tpu.memref_squeeze %dma_start3A_369 : memref<1x128xi32, #tpu.memory_space<vmem>> -> memref<128xi32, #tpu.memory_space<vmem>>
      %dma_start3A_371 = arith.constant 0 : i32
      %dma_start3A_372 = arith.constant 0 : i32
      %dma_start3A_373 = tpu.memref_slice %arg14[%dma_start3A_371, %dma_start3A_372] : memref<10240x128xf32, #tpu.memory_space<vmem_shared>> -> memref<10240x128xf32, #tpu.memory_space<vmem_shared>>
      tpu.enqueue_indirect_dma source(%arg12 : memref<128x128xf32, #tpu.memory_space<vmem>>) target(%dma_start3A_373 : memref<10240x128xf32, #tpu.memory_space<vmem_shared>>) offsets(%dma_start3A_370 : memref<128xi32, #tpu.memory_space<vmem>>) semaphore(%arg21 : memref<!tpu.dma_semaphore, #tpu.memory_space<semaphore_mem>>) {add = true}
    }
    %scan3A_159 = arith.constant 19 : i32
    %dma_wait3A_160 = arith.constant 0 : i32
    %dma_wait3A_161 = arith.constant 0 : i32
    %dma_wait3A_162 = tpu.memref_slice %arg2[%dma_wait3A_160, %dma_wait3A_161] : memref<10240x128xf32, #tpu.memory_space<hbm>> -> memref<10240x128xf32, #tpu.memory_space<hbm>>
    tpu.wait_indirect_dma semaphore(%arg20 : memref<!tpu.dma_semaphore, #tpu.memory_space<semaphore_mem>>) src(%dma_wait3A_162 : memref<10240x128xf32, #tpu.memory_space<hbm>>) dst(%arg13 : memref<128x128xf32, #tpu.memory_space<vmem>>)
    %dma_start3A_163 = arith.constant 79 : i32
    %dma_start3A_164 = arith.constant 0 : i32
    %dma_start3A_165 = tpu.memref_slice %arg7[%dma_start3A_163, %dma_start3A_164] : memref<80x128xi32, #tpu.memory_space<vmem>> -> memref<1x128xi32, #tpu.memory_space<vmem>>
    %dma_start3A_166 = tpu.memref_squeeze %dma_start3A_165 : memref<1x128xi32, #tpu.memory_space<vmem>> -> memref<128xi32, #tpu.memory_space<vmem>>
    %dma_start3A_167 = arith.constant 0 : i32
    %dma_start3A_168 = arith.constant 0 : i32
    %dma_start3A_169 = tpu.memref_slice %arg14[%dma_start3A_167, %dma_start3A_168] : memref<10240x128xf32, #tpu.memory_space<vmem_shared>> -> memref<10240x128xf32, #tpu.memory_space<vmem_shared>>
    tpu.enqueue_indirect_dma source(%arg13 : memref<128x128xf32, #tpu.memory_space<vmem>>) target(%dma_start3A_169 : memref<10240x128xf32, #tpu.memory_space<vmem_shared>>) offsets(%dma_start3A_166 : memref<128xi32, #tpu.memory_space<vmem>>) semaphore(%arg22 : memref<!tpu.dma_semaphore, #tpu.memory_space<semaphore_mem>>) {add = true}
    %dma_wait3A_170 = arith.constant 0 : i32
    %dma_wait3A_171 = arith.constant 0 : i32
    %dma_wait3A_172 = tpu.memref_slice %arg14[%dma_wait3A_170, %dma_wait3A_171] : memref<10240x128xf32, #tpu.memory_space<vmem_shared>> -> memref<128x128xf32, #tpu.memory_space<vmem_shared>>
    %dma_wait3A_173 = arith.constant 0 : i32
    %dma_wait3A_174 = arith.constant 0 : i32
    %dma_wait3A_175 = tpu.memref_slice %arg14[%dma_wait3A_173, %dma_wait3A_174] : memref<10240x128xf32, #tpu.memory_space<vmem_shared>> -> memref<128x128xf32, #tpu.memory_space<vmem_shared>>
    tpu.wait_dma2 semaphore(%arg21 : memref<!tpu.dma_semaphore, #tpu.memory_space<semaphore_mem>>) src(%arg12 : memref<128x128xf32, #tpu.memory_space<vmem>>) dst(%dma_wait3A_175 : memref<128x128xf32, #tpu.memory_space<vmem_shared>>)
    %dma_wait3A_176 = arith.constant 0 : i32
    %dma_wait3A_177 = arith.constant 0 : i32
    %dma_wait3A_178 = tpu.memref_slice %arg14[%dma_wait3A_176, %dma_wait3A_177] : memref<10240x128xf32, #tpu.memory_space<vmem_shared>> -> memref<128x128xf32, #tpu.memory_space<vmem_shared>>
    %dma_wait3A_179 = arith.constant 0 : i32
    %dma_wait3A_180 = arith.constant 0 : i32
    %dma_wait3A_181 = tpu.memref_slice %arg14[%dma_wait3A_179, %dma_wait3A_180] : memref<10240x128xf32, #tpu.memory_space<vmem_shared>> -> memref<128x128xf32, #tpu.memory_space<vmem_shared>>
    tpu.wait_dma2 semaphore(%arg22 : memref<!tpu.dma_semaphore, #tpu.memory_space<semaphore_mem>>) src(%arg13 : memref<128x128xf32, #tpu.memory_space<vmem>>) dst(%dma_wait3A_181 : memref<128x128xf32, #tpu.memory_space<vmem_shared>>)
    %dma_wait3A_182 = arith.constant 0 : i32
    %dma_wait3A_183 = arith.constant 0 : i32
    %dma_wait3A_184 = tpu.memref_slice %arg3[%dma_wait3A_182, %dma_wait3A_183] : memref<2568x128xi32, #tpu.memory_space<hbm>> -> memref<1x128xi32, #tpu.memory_space<hbm>>
    %dma_wait3A_185 = tpu.memref_squeeze %dma_wait3A_184 : memref<1x128xi32, #tpu.memory_space<hbm>> -> memref<128xi32, #tpu.memory_space<hbm>>
    %dma_wait3A_186 = arith.constant 0 : i32
    %dma_wait3A_187 = tpu.memref_slice %arg3[%dma_wait3A_182, %dma_wait3A_186] : memref<2568x128xi32, #tpu.memory_space<hbm>> -> memref<1x128xi32, #tpu.memory_space<hbm>>
    %dma_wait3A_188 = tpu.memref_squeeze %dma_wait3A_187 : memref<1x128xi32, #tpu.memory_space<hbm>> -> memref<128xi32, #tpu.memory_space<hbm>>
    tpu.wait_dma2 semaphore(%arg15 : memref<!tpu.dma_semaphore, #tpu.memory_space<semaphore_mem>>) src(%dma_wait3A_188 : memref<128xi32, #tpu.memory_space<hbm>>) dst(%arg8 : memref<128xi32, #tpu.memory_space<vmem>>)
    %dma_wait3A_189 = arith.constant 0 : i32
    %dma_wait3A_190 = arith.constant 0 : i32
    %dma_wait3A_191 = tpu.memref_slice %arg3[%dma_wait3A_189, %dma_wait3A_190] : memref<2568x128xi32, #tpu.memory_space<hbm>> -> memref<1x128xi32, #tpu.memory_space<hbm>>
    %dma_wait3A_192 = tpu.memref_squeeze %dma_wait3A_191 : memref<1x128xi32, #tpu.memory_space<hbm>> -> memref<128xi32, #tpu.memory_space<hbm>>
    %dma_wait3A_193 = arith.constant 0 : i32
    %dma_wait3A_194 = tpu.memref_slice %arg3[%dma_wait3A_189, %dma_wait3A_193] : memref<2568x128xi32, #tpu.memory_space<hbm>> -> memref<1x128xi32, #tpu.memory_space<hbm>>
    %dma_wait3A_195 = tpu.memref_squeeze %dma_wait3A_194 : memref<1x128xi32, #tpu.memory_space<hbm>> -> memref<128xi32, #tpu.memory_space<hbm>>
    tpu.wait_dma2 semaphore(%arg16 : memref<!tpu.dma_semaphore, #tpu.memory_space<semaphore_mem>>) src(%dma_wait3A_195 : memref<128xi32, #tpu.memory_space<hbm>>) dst(%arg9 : memref<128xi32, #tpu.memory_space<vmem>>)
    %dma_wait3A_196 = arith.constant 0 : i32
    %dma_wait3A_197 = arith.constant 0 : i32
    %dma_wait3A_198 = tpu.memref_slice %arg3[%dma_wait3A_196, %dma_wait3A_197] : memref<2568x128xi32, #tpu.memory_space<hbm>> -> memref<1x128xi32, #tpu.memory_space<hbm>>
    %dma_wait3A_199 = tpu.memref_squeeze %dma_wait3A_198 : memref<1x128xi32, #tpu.memory_space<hbm>> -> memref<128xi32, #tpu.memory_space<hbm>>
    %dma_wait3A_200 = arith.constant 0 : i32
    %dma_wait3A_201 = tpu.memref_slice %arg3[%dma_wait3A_196, %dma_wait3A_200] : memref<2568x128xi32, #tpu.memory_space<hbm>> -> memref<1x128xi32, #tpu.memory_space<hbm>>
    %dma_wait3A_202 = tpu.memref_squeeze %dma_wait3A_201 : memref<1x128xi32, #tpu.memory_space<hbm>> -> memref<128xi32, #tpu.memory_space<hbm>>
    tpu.wait_dma2 semaphore(%arg17 : memref<!tpu.dma_semaphore, #tpu.memory_space<semaphore_mem>>) src(%dma_wait3A_202 : memref<128xi32, #tpu.memory_space<hbm>>) dst(%arg10 : memref<128xi32, #tpu.memory_space<vmem>>)
    %barrier3A_203 = arith.constant 0 : index
    tpu.barrier barrier_id(%barrier3A_203)
    "tpu.region"() ({
      %run_scoped3A = tpu.sem_alloc : memref<!tpu.dma_semaphore, #tpu.memory_space<semaphore_mem>>
      %dma_start3A_204 = arith.constant 0 : i32
      %dma_start3A_205 = tpu.memref_slice %arg6[%arg0, %mul3A_2, %dma_start3A_204] : memref<2x10240x128xf32, #tpu.memory_space<hbm>> -> memref<1x640x128xf32, #tpu.memory_space<hbm>>
      %dma_start3A_206 = tpu.memref_squeeze %dma_start3A_205 : memref<1x640x128xf32, #tpu.memory_space<hbm>> -> memref<640x128xf32, #tpu.memory_space<hbm>>
      %dma_start3A_207 = arith.constant 0 : i32
      %dma_start3A_208 = tpu.memref_slice %arg14[%mul3A_2, %dma_start3A_207] : memref<10240x128xf32, #tpu.memory_space<vmem_shared>> -> memref<640x128xf32, #tpu.memory_space<vmem_shared>>
      tpu.enqueue_dma source(%dma_start3A_208 : memref<640x128xf32, #tpu.memory_space<vmem_shared>>) target(%dma_start3A_206 : memref<640x128xf32, #tpu.memory_space<hbm>>) target_semaphore(%run_scoped3A : memref<!tpu.dma_semaphore, #tpu.memory_space<semaphore_mem>>)
      %dma_wait3A_209 = arith.constant 0 : i32
      %dma_wait3A_210 = tpu.memref_slice %arg6[%arg0, %mul3A_2, %dma_wait3A_209] : memref<2x10240x128xf32, #tpu.memory_space<hbm>> -> memref<1x640x128xf32, #tpu.memory_space<hbm>>
      %dma_wait3A_211 = tpu.memref_squeeze %dma_wait3A_210 : memref<1x640x128xf32, #tpu.memory_space<hbm>> -> memref<640x128xf32, #tpu.memory_space<hbm>>
      %dma_wait3A_212 = arith.constant 0 : i32
      %dma_wait3A_213 = tpu.memref_slice %arg14[%mul3A_2, %dma_wait3A_212] : memref<10240x128xf32, #tpu.memory_space<vmem_shared>> -> memref<640x128xf32, #tpu.memory_space<vmem_shared>>
      tpu.wait_dma2 semaphore(%run_scoped3A : memref<!tpu.dma_semaphore, #tpu.memory_space<semaphore_mem>>) src(%dma_wait3A_213 : memref<640x128xf32, #tpu.memory_space<vmem_shared>>) dst(%dma_wait3A_211 : memref<640x128xf32, #tpu.memory_space<hbm>>)
      tpu.yield
    }) : () -> ()
    return
  }
}

module attributes {stable_mosaic.version = 14 : i64} {
  func.func @_tc0_body(%arg0: i32, %arg1: memref<2x16x512xf32, #tpu.memory_space<vmem>>, %arg2: memref<512x128xf32, #tpu.memory_space<vmem>>, %arg3: memref<512x128xf32, #tpu.memory_space<vmem>>, %arg4: memref<512x128xf32, #tpu.memory_space<vmem>>) attributes {dimension_semantics = [#tpu.dimension_semantics<arbitrary>], iteration_bounds = array<i64: 20>, scalar_prefetch = 0 : i64, scratch_operands = 0 : i64, tpu.core_type = #tpu.core_type<tc>, window_params = [{transform_indices = @transform_0, window_bounds = array<i64: 2, 16, 512>}, {transform_indices = @transform_1, window_bounds = array<i64: 512, 128>}, {transform_indices = @transform_2, window_bounds = array<i64: 512, 128>}, {transform_indices = @transform_3, window_bounds = array<i64: 512, 128>}]} {
    %get3A = arith.constant 0 : index
    %get3A_0 = arith.constant 0 : index
    %get3A_1 = arith.constant 0 : index
    %get3A_2 = vector.load %arg1[%get3A, %get3A_0, %get3A_1] : memref<2x16x512xf32, #tpu.memory_space<vmem>>, vector<2x16x512xf32>
    %reduce_sum3A = arith.constant dense<0.000000e+00> : vector<512xf32>
    %reduce_sum3A_3 = vector.multi_reduction <add>, %get3A_2, %reduce_sum3A [0, 1] : vector<2x16x512xf32> to vector<512xf32>
    %broadcast_in_dim3A = vector.shape_cast %reduce_sum3A_3 : vector<512xf32> to vector<512x1xf32>
    %add3A = arith.constant 1.000000e+00 : f32
    %add3A_4 = vector.broadcast %add3A : f32 to vector<512x1xf32>
    %add3A_5 = arith.addf %broadcast_in_dim3A, %add3A_4 : vector<512x1xf32>
    %rsqrt3A = math.rsqrt %add3A_5 : vector<512x1xf32>
    %broadcast_in_dim3A_6 = vector.shape_cast %rsqrt3A : vector<512x1xf32> to vector<512x1xf32>
    %broadcast_in_dim3A_7 = vector.broadcast %broadcast_in_dim3A_6 : vector<512x1xf32> to vector<512x128xf32>
    %swap3A = arith.constant 0 : index
    %swap3A_8 = arith.constant 0 : index
    %swap3A_9 = vector.load %arg3[%swap3A, %swap3A_8] : memref<512x128xf32, #tpu.memory_space<vmem>>, vector<512x128xf32>
    tpu.vector_store %arg3[%swap3A, %swap3A_8], %broadcast_in_dim3A_7 {strides = array<i32>} : memref<512x128xf32, #tpu.memory_space<vmem>>, vector<512x128xf32>,
    %get3A_10 = arith.constant 0 : index
    %get3A_11 = arith.constant 0 : index
    %get3A_12 = vector.load %arg2[%get3A_10, %get3A_11] : memref<512x128xf32, #tpu.memory_space<vmem>>, vector<512x128xf32>
    %mul3A = vector.broadcast %rsqrt3A : vector<512x1xf32> to vector<512x128xf32>
    %mul3A_13 = arith.mulf %mul3A, %get3A_12 : vector<512x128xf32>
    %swap3A_14 = arith.constant 0 : index
    %swap3A_15 = arith.constant 0 : index
    %swap3A_16 = vector.load %arg4[%swap3A_14, %swap3A_15] : memref<512x128xf32, #tpu.memory_space<vmem>>, vector<512x128xf32>
    tpu.vector_store %arg4[%swap3A_14, %swap3A_15], %mul3A_13 {strides = array<i32>} : memref<512x128xf32, #tpu.memory_space<vmem>>, vector<512x128xf32>,
    return
  }
  func.func @transform_0(%arg0: i32) -> (i32, i32, i32) {
    %c0_i32 = arith.constant 0 : i32
    %c0_i32_0 = arith.constant 0 : i32
    %c0_i32_1 = arith.constant 0 : i32
    return %c0_i32, %c0_i32_0, %arg0 : i32, i32, i32
  }
  func.func @transform_1(%arg0: i32) -> (i32, i32) {
    %c0_i32 = arith.constant 0 : i32
    %c0_i32_0 = arith.constant 0 : i32
    return %arg0, %c0_i32 : i32, i32
  }
  func.func @transform_2(%arg0: i32) -> (i32, i32) {
    %c0_i32 = arith.constant 0 : i32
    %c0_i32_0 = arith.constant 0 : i32
    return %arg0, %c0_i32 : i32, i32
  }
  func.func @transform_3(%arg0: i32) -> (i32, i32) {
    %c0_i32 = arith.constant 0 : i32
    %c0_i32_0 = arith.constant 0 : i32
    return %arg0, %c0_i32 : i32, i32
  }
}

module attributes {stable_mosaic.version = 14 : i64} {
  func.func @_tc3_body(%arg0: i32, %arg1: memref<2x512x128xf32, #tpu.memory_space<vmem>>, %arg2: memref<512x128xf32, #tpu.memory_space<vmem>>, %arg3: memref<512x128xf32, #tpu.memory_space<vmem>>, %arg4: memref<128x64xf32, #tpu.memory_space<vmem>>, %arg5: memref<1x64xf32, #tpu.memory_space<vmem>>, %arg6: memref<512x64xf32, #tpu.memory_space<vmem>>) attributes {dimension_semantics = [#tpu.dimension_semantics<arbitrary>], iteration_bounds = array<i64: 20>, scalar_prefetch = 0 : i64, scratch_operands = 0 : i64, tpu.core_type = #tpu.core_type<tc>, window_params = [{transform_indices = @transform_0, window_bounds = array<i64: 2, 512, 128>}, {transform_indices = @transform_1, window_bounds = array<i64: 512, 128>}, {transform_indices = @transform_2, window_bounds = array<i64: 512, 128>}, {pipeline_mode = #tpu.pipeline_mode<synchronous>, transform_indices = @transform_3, window_bounds = array<i64: 128, 64>}, {pipeline_mode = #tpu.pipeline_mode<synchronous>, transform_indices = @transform_4, window_bounds = array<i64: 1, 64>}, {transform_indices = @transform_5, window_bounds = array<i64: 512, 64>}]} {
    %get3A = arith.constant 0 : index
    %get3A_0 = arith.constant 0 : index
    %get3A_1 = arith.constant 0 : index
    %get3A_2 = vector.load %arg1[%get3A, %get3A_0, %get3A_1] : memref<2x512x128xf32, #tpu.memory_space<vmem>>, vector<2x512x128xf32>
    %get3A_3 = arith.constant 0 : index
    %get3A_4 = arith.constant 0 : index
    %get3A_5 = vector.load %arg3[%get3A_3, %get3A_4] : memref<512x128xf32, #tpu.memory_space<vmem>>, vector<512x128xf32>
    %slice3A = vector.extract_strided_slice %get3A_2 {offsets = [0, 0, 0], sizes = [1, 512, 128], strides = [1, 1, 1]} : vector<2x512x128xf32> to vector<1x512x128xf32>
    %squeeze3A = vector.shape_cast %slice3A : vector<1x512x128xf32> to vector<512x128xf32>
    %slice3A_6 = vector.extract_strided_slice %get3A_2 {offsets = [1, 0, 0], sizes = [1, 512, 128], strides = [1, 1, 1]} : vector<2x512x128xf32> to vector<1x512x128xf32>
    %squeeze3A_7 = vector.shape_cast %slice3A_6 : vector<1x512x128xf32> to vector<512x128xf32>
    %add3A = arith.addf %squeeze3A, %squeeze3A_7 : vector<512x128xf32>
    %get3A_8 = arith.constant 0 : index
    %get3A_9 = arith.constant 0 : index
    %get3A_10 = vector.load %arg2[%get3A_8, %get3A_9] : memref<512x128xf32, #tpu.memory_space<vmem>>, vector<512x128xf32>
    %add3A_11 = arith.addf %add3A, %get3A_10 : vector<512x128xf32>
    %mul3A = arith.mulf %get3A_5, %add3A_11 : vector<512x128xf32>
    %get3A_12 = arith.constant 0 : index
    %get3A_13 = arith.constant 0 : index
    %get3A_14 = vector.load %arg4[%get3A_12, %get3A_13] : memref<128x64xf32, #tpu.memory_space<vmem>>, vector<128x64xf32>
    %dot_general3A = arith.constant dense<0.000000e+00> : vector<512x64xf32>
    %dot_general3A_15 = tpu.matmul %mul3A, %get3A_14, %dot_general3A {dimension_numbers = #tpu.dot_dimension_numbers<[1], [0], [0], [1], [0, 0, 1, 1], [], []>, precision = #tpu.contract_precision<fp32>, transpose_lhs_hint = false} : vector<512x128xf32>, vector<128x64xf32>, vector<512x64xf32> -> vector<512x64xf32>
    %get3A_16 = arith.constant 0 : index
    %get3A_17 = arith.constant 0 : index
    %get3A_18 = vector.load %arg5[%get3A_16, %get3A_17] : memref<1x64xf32, #tpu.memory_space<vmem>>, vector<1x64xf32>
    %add3A_19 = vector.broadcast %get3A_18 : vector<1x64xf32> to vector<512x64xf32>
    %add3A_20 = arith.addf %dot_general3A_15, %add3A_19 : vector<512x64xf32>
    %swap3A = arith.constant 0 : index
    %swap3A_21 = arith.constant 0 : index
    %swap3A_22 = vector.load %arg6[%swap3A, %swap3A_21] : memref<512x64xf32, #tpu.memory_space<vmem>>, vector<512x64xf32>
    tpu.vector_store %arg6[%swap3A, %swap3A_21], %add3A_20 {strides = array<i32>} : memref<512x64xf32, #tpu.memory_space<vmem>>, vector<512x64xf32>,
    return
  }
  func.func @transform_0(%arg0: i32) -> (i32, i32, i32) {
    %c0_i32 = arith.constant 0 : i32
    %c0_i32_0 = arith.constant 0 : i32
    %c0_i32_1 = arith.constant 0 : i32
    return %c0_i32, %arg0, %c0_i32_0 : i32, i32, i32
  }
  func.func @transform_1(%arg0: i32) -> (i32, i32) {
    %c0_i32 = arith.constant 0 : i32
    %c0_i32_0 = arith.constant 0 : i32
    return %arg0, %c0_i32 : i32, i32
  }
  func.func @transform_2(%arg0: i32) -> (i32, i32) {
    %c0_i32 = arith.constant 0 : i32
    %c0_i32_0 = arith.constant 0 : i32
    return %arg0, %c0_i32 : i32, i32
  }
  func.func @transform_3(%arg0: i32) -> (i32, i32) {
    %c0_i32 = arith.constant 0 : i32
    %c0_i32_0 = arith.constant 0 : i32
    %c0_i32_1 = arith.constant 0 : i32
    return %c0_i32, %c0_i32_0 : i32, i32
  }
  func.func @transform_4(%arg0: i32) -> (i32, i32) {
    %c0_i32 = arith.constant 0 : i32
    %c0_i32_0 = arith.constant 0 : i32
    %c0_i32_1 = arith.constant 0 : i32
    return %c0_i32, %c0_i32_0 : i32, i32
  }
  func.func @transform_5(%arg0: i32) -> (i32, i32) {
    %c0_i32 = arith.constant 0 : i32
    %c0_i32_0 = arith.constant 0 : i32
    return %arg0, %c0_i32 : i32, i32
  }
}

module attributes {stable_mosaic.version = 14 : i64} {
  func.func @_tc1_body(%arg0: i32, %arg1: memref<2x512x128xf32, #tpu.memory_space<vmem>>, %arg2: memref<512x128xf32, #tpu.memory_space<vmem>>, %arg3: memref<512x128xf32, #tpu.memory_space<vmem>>, %arg4: memref<128x256xf32, #tpu.memory_space<vmem>>, %arg5: memref<1x256xf32, #tpu.memory_space<vmem>>, %arg6: memref<256x128xf32, #tpu.memory_space<vmem>>, %arg7: memref<512x128xf32, #tpu.memory_space<vmem>>) attributes {dimension_semantics = [#tpu.dimension_semantics<arbitrary>], iteration_bounds = array<i64: 20>, scalar_prefetch = 0 : i64, scratch_operands = 0 : i64, tpu.core_type = #tpu.core_type<tc>, window_params = [{transform_indices = @transform_0, window_bounds = array<i64: 2, 512, 128>}, {transform_indices = @transform_1, window_bounds = array<i64: 512, 128>}, {transform_indices = @transform_2, window_bounds = array<i64: 512, 128>}, {pipeline_mode = #tpu.pipeline_mode<synchronous>, transform_indices = @transform_3, window_bounds = array<i64: 128, 256>}, {pipeline_mode = #tpu.pipeline_mode<synchronous>, transform_indices = @transform_4, window_bounds = array<i64: 1, 256>}, {pipeline_mode = #tpu.pipeline_mode<synchronous>, transform_indices = @transform_5, window_bounds = array<i64: 256, 128>}, {transform_indices = @transform_6, window_bounds = array<i64: 512, 128>}]} {
    %get3A = arith.constant 0 : index
    %get3A_0 = arith.constant 0 : index
    %get3A_1 = arith.constant 0 : index
    %get3A_2 = vector.load %arg1[%get3A, %get3A_0, %get3A_1] : memref<2x512x128xf32, #tpu.memory_space<vmem>>, vector<2x512x128xf32>
    %get3A_3 = arith.constant 0 : index
    %get3A_4 = arith.constant 0 : index
    %get3A_5 = vector.load %arg3[%get3A_3, %get3A_4] : memref<512x128xf32, #tpu.memory_space<vmem>>, vector<512x128xf32>
    %slice3A = vector.extract_strided_slice %get3A_2 {offsets = [0, 0, 0], sizes = [1, 512, 128], strides = [1, 1, 1]} : vector<2x512x128xf32> to vector<1x512x128xf32>
    %squeeze3A = vector.shape_cast %slice3A : vector<1x512x128xf32> to vector<512x128xf32>
    %slice3A_6 = vector.extract_strided_slice %get3A_2 {offsets = [1, 0, 0], sizes = [1, 512, 128], strides = [1, 1, 1]} : vector<2x512x128xf32> to vector<1x512x128xf32>
    %squeeze3A_7 = vector.shape_cast %slice3A_6 : vector<1x512x128xf32> to vector<512x128xf32>
    %add3A = arith.addf %squeeze3A, %squeeze3A_7 : vector<512x128xf32>
    %get3A_8 = arith.constant 0 : index
    %get3A_9 = arith.constant 0 : index
    %get3A_10 = vector.load %arg2[%get3A_8, %get3A_9] : memref<512x128xf32, #tpu.memory_space<vmem>>, vector<512x128xf32>
    %add3A_11 = arith.addf %add3A, %get3A_10 : vector<512x128xf32>
    %mul3A = arith.mulf %get3A_5, %add3A_11 : vector<512x128xf32>
    %get3A_12 = arith.constant 0 : index
    %get3A_13 = arith.constant 0 : index
    %get3A_14 = vector.load %arg4[%get3A_12, %get3A_13] : memref<128x256xf32, #tpu.memory_space<vmem>>, vector<128x256xf32>
    %dot_general3A = arith.constant dense<0.000000e+00> : vector<512x256xf32>
    %dot_general3A_15 = tpu.matmul %mul3A, %get3A_14, %dot_general3A {dimension_numbers = #tpu.dot_dimension_numbers<[1], [0], [0], [1], [0, 0, 1, 1], [], []>, precision = #tpu.contract_precision<fp32>, transpose_lhs_hint = false} : vector<512x128xf32>, vector<128x256xf32>, vector<512x256xf32> -> vector<512x256xf32>
    %get3A_16 = arith.constant 0 : index
    %get3A_17 = arith.constant 0 : index
    %get3A_18 = vector.load %arg5[%get3A_16, %get3A_17] : memref<1x256xf32, #tpu.memory_space<vmem>>, vector<1x256xf32>
    %add3A_19 = vector.broadcast %get3A_18 : vector<1x256xf32> to vector<512x256xf32>
    %add3A_20 = arith.addf %dot_general3A_15, %add3A_19 : vector<512x256xf32>
    %max3A = arith.constant 0.000000e+00 : f32
    %max3A_21 = vector.broadcast %max3A : f32 to vector<512x256xf32>
    %max3A_22 = arith.maximumf %add3A_20, %max3A_21 : vector<512x256xf32>
    %get3A_23 = arith.constant 0 : index
    %get3A_24 = arith.constant 0 : index
    %get3A_25 = vector.load %arg3[%get3A_23, %get3A_24] : memref<512x128xf32, #tpu.memory_space<vmem>>, vector<512x128xf32>
    %get3A_26 = arith.constant 0 : index
    %get3A_27 = arith.constant 0 : index
    %get3A_28 = vector.load %arg6[%get3A_26, %get3A_27] : memref<256x128xf32, #tpu.memory_space<vmem>>, vector<256x128xf32>
    %dot_general3A_29 = arith.constant dense<0.000000e+00> : vector<512x128xf32>
    %dot_general3A_30 = tpu.matmul %max3A_22, %get3A_28, %dot_general3A_29 {dimension_numbers = #tpu.dot_dimension_numbers<[1], [0], [0], [1], [0, 0, 1, 1], [], []>, precision = #tpu.contract_precision<fp32>, transpose_lhs_hint = false} : vector<512x256xf32>, vector<256x128xf32>, vector<512x128xf32> -> vector<512x128xf32>
    %mul3A_31 = arith.mulf %get3A_25, %dot_general3A_30 : vector<512x128xf32>
    %swap3A = arith.constant 0 : index
    %swap3A_32 = arith.constant 0 : index
    %swap3A_33 = vector.load %arg7[%swap3A, %swap3A_32] : memref<512x128xf32, #tpu.memory_space<vmem>>, vector<512x128xf32>
    tpu.vector_store %arg7[%swap3A, %swap3A_32], %mul3A_31 {strides = array<i32>} : memref<512x128xf32, #tpu.memory_space<vmem>>, vector<512x128xf32>,
    return
  }
  func.func @transform_0(%arg0: i32) -> (i32, i32, i32) {
    %c0_i32 = arith.constant 0 : i32
    %c0_i32_0 = arith.constant 0 : i32
    %c0_i32_1 = arith.constant 0 : i32
    return %c0_i32, %arg0, %c0_i32_0 : i32, i32, i32
  }
  func.func @transform_1(%arg0: i32) -> (i32, i32) {
    %c0_i32 = arith.constant 0 : i32
    %c0_i32_0 = arith.constant 0 : i32
    return %arg0, %c0_i32 : i32, i32
  }
  func.func @transform_2(%arg0: i32) -> (i32, i32) {
    %c0_i32 = arith.constant 0 : i32
    %c0_i32_0 = arith.constant 0 : i32
    return %arg0, %c0_i32 : i32, i32
  }
  func.func @transform_3(%arg0: i32) -> (i32, i32) {
    %c0_i32 = arith.constant 0 : i32
    %c0_i32_0 = arith.constant 0 : i32
    %c0_i32_1 = arith.constant 0 : i32
    return %c0_i32, %c0_i32_0 : i32, i32
  }
  func.func @transform_4(%arg0: i32) -> (i32, i32) {
    %c0_i32 = arith.constant 0 : i32
    %c0_i32_0 = arith.constant 0 : i32
    %c0_i32_1 = arith.constant 0 : i32
    return %c0_i32, %c0_i32_0 : i32, i32
  }
  func.func @transform_5(%arg0: i32) -> (i32, i32) {
    %c0_i32 = arith.constant 0 : i32
    %c0_i32_0 = arith.constant 0 : i32
    %c0_i32_1 = arith.constant 0 : i32
    return %c0_i32, %c0_i32_0 : i32, i32
  }
  func.func @transform_6(%arg0: i32) -> (i32, i32) {
    %c0_i32 = arith.constant 0 : i32
    %c0_i32_0 = arith.constant 0 : i32
    return %arg0, %c0_i32 : i32, i32
  }
}

module attributes {stable_mosaic.version = 14 : i64} {
  func.func @_tc2_body(%arg0: i32, %arg1: memref<2x512x128xf32, #tpu.memory_space<vmem>>, %arg2: memref<512x128xf32, #tpu.memory_space<vmem>>, %arg3: memref<512x128xf32, #tpu.memory_space<vmem>>, %arg4: memref<1x128xf32, #tpu.memory_space<vmem>>, %arg5: memref<512x128xf32, #tpu.memory_space<vmem>>) attributes {dimension_semantics = [#tpu.dimension_semantics<arbitrary>], iteration_bounds = array<i64: 20>, scalar_prefetch = 0 : i64, scratch_operands = 0 : i64, tpu.core_type = #tpu.core_type<tc>, window_params = [{transform_indices = @transform_0, window_bounds = array<i64: 2, 512, 128>}, {transform_indices = @transform_1, window_bounds = array<i64: 512, 128>}, {transform_indices = @transform_2, window_bounds = array<i64: 512, 128>}, {pipeline_mode = #tpu.pipeline_mode<synchronous>, transform_indices = @transform_3, window_bounds = array<i64: 1, 128>}, {transform_indices = @transform_4, window_bounds = array<i64: 512, 128>}]} {
    %get3A = arith.constant 0 : index
    %get3A_0 = arith.constant 0 : index
    %get3A_1 = arith.constant 0 : index
    %get3A_2 = vector.load %arg1[%get3A, %get3A_0, %get3A_1] : memref<2x512x128xf32, #tpu.memory_space<vmem>>, vector<2x512x128xf32>
    %get3A_3 = arith.constant 0 : index
    %get3A_4 = arith.constant 0 : index
    %get3A_5 = vector.load %arg3[%get3A_3, %get3A_4] : memref<512x128xf32, #tpu.memory_space<vmem>>, vector<512x128xf32>
    %slice3A = vector.extract_strided_slice %get3A_2 {offsets = [0, 0, 0], sizes = [1, 512, 128], strides = [1, 1, 1]} : vector<2x512x128xf32> to vector<1x512x128xf32>
    %squeeze3A = vector.shape_cast %slice3A : vector<1x512x128xf32> to vector<512x128xf32>
    %slice3A_6 = vector.extract_strided_slice %get3A_2 {offsets = [1, 0, 0], sizes = [1, 512, 128], strides = [1, 1, 1]} : vector<2x512x128xf32> to vector<1x512x128xf32>
    %squeeze3A_7 = vector.shape_cast %slice3A_6 : vector<1x512x128xf32> to vector<512x128xf32>
    %add3A = arith.addf %squeeze3A, %squeeze3A_7 : vector<512x128xf32>
    %get3A_8 = arith.constant 0 : index
    %get3A_9 = arith.constant 0 : index
    %get3A_10 = vector.load %arg2[%get3A_8, %get3A_9] : memref<512x128xf32, #tpu.memory_space<vmem>>, vector<512x128xf32>
    %add3A_11 = arith.addf %add3A, %get3A_10 : vector<512x128xf32>
    %mul3A = arith.mulf %get3A_5, %add3A_11 : vector<512x128xf32>
    %get3A_12 = arith.constant 0 : index
    %get3A_13 = arith.constant 0 : index
    %get3A_14 = vector.load %arg4[%get3A_12, %get3A_13] : memref<1x128xf32, #tpu.memory_space<vmem>>, vector<1x128xf32>
    %add3A_15 = vector.broadcast %get3A_14 : vector<1x128xf32> to vector<512x128xf32>
    %add3A_16 = arith.addf %mul3A, %add3A_15 : vector<512x128xf32>
    %max3A = arith.constant 0.000000e+00 : f32
    %max3A_17 = vector.broadcast %max3A : f32 to vector<512x128xf32>
    %max3A_18 = arith.maximumf %add3A_16, %max3A_17 : vector<512x128xf32>
    %mul3A_19 = arith.mulf %get3A_5, %max3A_18 : vector<512x128xf32>
    %swap3A = arith.constant 0 : index
    %swap3A_20 = arith.constant 0 : index
    %swap3A_21 = vector.load %arg5[%swap3A, %swap3A_20] : memref<512x128xf32, #tpu.memory_space<vmem>>, vector<512x128xf32>
    tpu.vector_store %arg5[%swap3A, %swap3A_20], %mul3A_19 {strides = array<i32>} : memref<512x128xf32, #tpu.memory_space<vmem>>, vector<512x128xf32>,
    return
  }
  func.func @transform_0(%arg0: i32) -> (i32, i32, i32) {
    %c0_i32 = arith.constant 0 : i32
    %c0_i32_0 = arith.constant 0 : i32
    %c0_i32_1 = arith.constant 0 : i32
    return %c0_i32, %arg0, %c0_i32_0 : i32, i32, i32
  }
  func.func @transform_1(%arg0: i32) -> (i32, i32) {
    %c0_i32 = arith.constant 0 : i32
    %c0_i32_0 = arith.constant 0 : i32
    return %arg0, %c0_i32 : i32, i32
  }
  func.func @transform_2(%arg0: i32) -> (i32, i32) {
    %c0_i32 = arith.constant 0 : i32
    %c0_i32_0 = arith.constant 0 : i32
    return %arg0, %c0_i32 : i32, i32
  }
  func.func @transform_3(%arg0: i32) -> (i32, i32) {
    %c0_i32 = arith.constant 0 : i32
    %c0_i32_0 = arith.constant 0 : i32
    %c0_i32_1 = arith.constant 0 : i32
    return %c0_i32, %c0_i32_0 : i32, i32
  }
  func.func @transform_4(%arg0: i32) -> (i32, i32) {
    %c0_i32 = arith.constant 0 : i32
    %c0_i32_0 = arith.constant 0 : i32
    return %arg0, %c0_i32 : i32, i32
  }
}

</mosaic_0001>

<sc_bundles>
// kernel: kernel.10.cloned.1.call-start
scs
__scs_entry_jumppad:
0x0: {  	(pc) =	sbr.rel $0x88, $3  }
0x1: {  	(tag) =	ssettag $0x0;
	lr =	simm.s32 $0x1  }
0x2: {  	[smem:$0x3F99] =	sst lr;
	_ =	strace $0xD0000000  }
0x3: {  	_ = 	snop  }
0x4: {  	_ = 	snop  }
0x5: {  	_ = 	snop  }
0x6: {  	_ = 	snop  }
0x7: {  	_ = 	snop  }
__scs_overlays_trampoline_lowered:
0x8: {  	[smem:$0x3FA8] =	sst s0  }
0x9: {  	[smem:$0x3FA9] =	sst s1  }
0xa: {  	[smem:$0x3FAA] =	sst s2  }
0xb: {  	[smem:$0x3FAB] =	sst s3  }
0xc: {  	[smem:$0x3FAC] =	sst s4  }
0xd: {  	[smem:$0x3FAD] =	sst s5  }
0xe: {  	[smem:$0x3FAE] =	sst s6  }
0xf: {  	[smem:$0x3FAF] =	sst s7  }
0x10: {  	[smem:$0x3FB0] =	sst s8  }
0x11: {  	[smem:$0x3FB1] =	sst s9;
	s0 =	simm.s32 @!p0 $0x0  }
0x12: {  	s1 =	sld [smem:$0x3F97];
	s0 =	simm.s32 @p0 $0x1  }
0x13: {  	[smem:$0x3FB2] =	sst s0;
	s0 =	simm.s32 @!p1 $0x0  }
0x14: {  	s2 =	sld [smem:$0x3F96];
	s0 =	simm.s32 @p1 $0x1  }
0x15: {  	[smem:$0x3FB3] =	sst s0;
	s0 =	simm.s32 @!p2 $0x0  }
0x16: {  	s3 =	sld [smem:$0x3FDB];
	s0 =	simm.s32 @p2 $0x1  }
0x17: {  	s4 =	simm.s32 $0x1BF5;
	[smem:$0x3FB5] =	sst s0  }
0x18: {  	s0 =	sld [smem:$0x3F98];
	_ =	swait.ge [sflag:s4], $0x0  }
0x19: {  	s7 =	sld [smem:$0x3F99]  }
0x1a: {  	s8 =	sadd.s32 $0xFFFFE003, lr  }
0x1b: {  	s9 =	sadd.s32 $0xFFFFFEF7, lr;
	s5 =	simm.s32 $0xFFFFFFFF;
	p2 =	slt.u32 s8, $0xFFFFF086  }
0x1c: {  	p1 =	slt.u32 s9, $0xF7A;
	s5 =	simm.s32 @!p2 $0x0  }
0x1d: {  	s5 =	simm.s32 @p1 $0x1;
	p0 =	seq.s32 s7, s2  }
0x1e: {  	s7 =	smul.u32 @!p0 $0xF7A, s2;
	p2 =	seq.s32 @!p0 s5, $0x0  }
0x1f: {  	s9 =	smul.u32 $0xF7A, s1;
	s8 =	simm.s32 @!p0 $0x1BF5;
	p2 =	por !p2, p0  }
0x20: {  	[sflag:s8] =	ssyncset.s32 @!p0 $0xFFFFF086;
	s6 =	sadd.s32 @!p0 s3, s7;
	s7 =	simm.s32 @!p0 $0x108  }
0x21: {  	s3 =	sadd.s32 s3, s9;
	s6 =	sadd.s32 @!p0 $0x88, s6;
	s7 =	simm.s32 @p2 $0x1082  }
0x22: {  	[simem:s7], [sflag:s8] =	dma.local @!p0 [hbm:s6], $0xF7A  }
0x23: {  	s9 =	sor.u32 $0xD0000000, s2;
	s6 =	simm.s32 $0x108;
	_ =	swait.ge @!p0 [sflag:s8], $0x0  }
0x24: {  	s3 =	sadd.s32 $0x88, s3;
	s6 =	simm.s32 @!p1 $0x1082;
	[sflag:s4] =	ssyncset.s32 $0xFFFFF086  }
0x25: {  	[simem:s6], [sflag:s4] =	dma.local [hbm:s3], $0xF7A  }
0x26: {  	[smem:$0x3F99] =	sst s1;
	(tag) =	ssettag s2;
	_ =	strace s9  }
0x27: {  	s1 =	sld [smem:$0x3FA9]  }
0x28: {  	s2 =	sld [smem:$0x3FAA]  }
0x29: {  	s4 =	sld [smem:$0x3FAC]  }
0x2a: {  	p0 =	seq.s32 s5, $0x0;
	s5 =	sld [smem:$0x3FAD]  }
0x2b: {  	s6 =	sld [smem:$0x3FAE]  }
0x2c: {  	s7 =	sld [smem:$0x3FAF]  }
0x2d: {  	s3 =	simm.s32 $0x108;
	s8 =	sld [smem:$0x3FB0]  }
0x2e: {  	s3 =	simm.s32 @!p0 $0x1082;
	s9 =	sld [smem:$0x3FB1]  }
0x2f: {  	lr =	sadd.s32 s0, s3;
	s0 =	sld [smem:$0x3FA8]  }
0x30: {  	s3 =	sld [smem:$0x3FAB]  }
0x31: {  	[smem:$0x3FB4] =	sst s10  }
0x32: {  	s10 =	sld [smem:$0x3FB2];
	_ =	sdelay $0x3  }
0x33: {  	p0 =	seq.s32 s10, $0x1;
	s10 =	sld [smem:$0x3FB4];
	_ =	sdelay $0x3  }
0x34: {  	[smem:$0x3FB4] =	sst s10  }
0x35: {  	s10 =	sld [smem:$0x3FB3];
	_ =	sdelay $0x3  }
0x36: {  	p1 =	seq.s32 s10, $0x1;
	s10 =	sld [smem:$0x3FB4];
	_ =	sdelay $0x3  }
0x37: {  	[smem:$0x3FB4] =	sst s10  }
0x38: {  	s10 =	sld [smem:$0x3FB5]  }
0x39: {  	_ = 	snop;
	(pc) =	sbr.ind lr, $3  }
0x3a: {  	_ = 	snop  }
0x3b: {  	_ = 	snop  }
0x3c: {  	p2 =	seq.s32 s10, $0x1;
	s10 =	sld [smem:$0x3FB4]  }
0x3d: {  	_ =	shalt  }
0x3e: {  	_ =	shalt  }
0x3f: {  	_ =	shalt  }
0x40: {  	_ =	shalt  }
0x41: {  	_ =	shalt  }
0x42: {  	_ =	shalt  }
0x43: {  	_ =	shalt  }
0x44: {  	_ =	shalt  }
0x45: {  	_ =	shalt  }
0x46: {  	_ =	shalt  }
0x47: {  	_ =	shalt  }
0x48: {  	_ =	shalt  }
0x49: {  	_ =	shalt  }
0x4a: {  	_ =	shalt  }
0x4b: {  	_ =	shalt  }
0x4c: {  	_ =	shalt  }
0x4d: {  	_ =	shalt  }
0x4e: {  	_ =	shalt  }
0x4f: {  	_ =	shalt  }
0x50: {  	_ =	shalt  }
0x51: {  	_ =	shalt  }
0x52: {  	_ =	shalt  }
0x53: {  	_ =	shalt  }
0x54: {  	_ =	shalt  }
0x55: {  	_ =	shalt  }
0x56: {  	_ =	shalt  }
0x57: {  	_ =	shalt  }
0x58: {  	_ =	shalt  }
0x59: {  	_ =	shalt  }
0x5a: {  	_ =	shalt  }
0x5b: {  	_ =	shalt  }
0x5c: {  	_ =	shalt  }
0x5d: {  	_ =	shalt  }
0x5e: {  	_ =	shalt  }
0x5f: {  	_ =	shalt  }
0x60: {  	_ =	shalt  }
0x61: {  	_ =	shalt  }
0x62: {  	_ =	shalt  }
0x63: {  	_ =	shalt  }
0x64: {  	_ =	shalt  }
0x65: {  	_ =	shalt  }
0x66: {  	_ =	shalt  }
0x67: {  	_ =	shalt  }
0x68: {  	_ =	shalt  }
0x69: {  	_ =	shalt  }
0x6a: {  	_ =	shalt  }
0x6b: {  	_ =	shalt  }
0x6c: {  	_ =	shalt  }
0x6d: {  	_ =	shalt  }
0x6e: {  	_ =	shalt  }
0x6f: {  	_ =	shalt  }
0x70: {  	_ =	shalt  }
0x71: {  	_ =	shalt  }
0x72: {  	_ =	shalt  }
0x73: {  	_ =	shalt  }
0x74: {  	_ =	shalt  }
0x75: {  	_ =	shalt  }
0x76: {  	_ =	shalt  }
0x77: {  	_ =	shalt  }
0x78: {  	_ =	shalt  }
0x79: {  	_ =	shalt  }
0x7a: {  	_ =	shalt  }
0x7b: {  	_ =	shalt  }
0x7c: {  	_ =	shalt  }
0x7d: {  	_ =	shalt  }
0x7e: {  	_ =	shalt  }
0x7f: {  	_ =	shalt  }
0x80: {  	_ =	shalt  }
0x81: {  	_ =	shalt  }
0x82: {  	_ =	shalt  }
0x83: {  	_ =	shalt  }
0x84: {  	_ =	shalt  }
0x85: {  	_ =	shalt  }
0x86: {  	_ =	shalt  }
0x87: {  	_ =	shalt  }
.Lfunc_end0:
.L_simem_size_0:
called_computation_lowered:
.L_overlay_start_0:
0x88: {  	s2 =	sld [smem:$0x3FD9]  }
0x89: {  	s3 =	sld [smem:$0x3FFE];
	_ =	sdelay $0x1  }
0x8a: {  	s1 =	srdreg.scid  }
0x8b: {  	s0 =	sand.u32 $0x1, s1  }
0x8c: {  	s16 =	sshll.u32 s0, $0xA;
	s2 =	sadd.s32 s3, s2  }
0x8d: {  	s2 =	sadd.s32 s2, s16  }
0x8e: {  	[smem:$0x3FC0] =	sst s2  }
0x8f: {  	_ = 	snop  }
0x90: {  	(tm) =	ssettm $0x1  }
0x91: {  	s17 =	sld [smem:$0x3FFB];
	_ =	sdelay $0x3  }
0x92: {  	_ =	strace s17  }
0x93: {  	s2 =	sld [smem:$0x3FFC];
	_ =	sdelay $0x3  }
0x94: {  	_ =	strace s2  }
0x95: {  	s2 =	sld [smem:$0x3FFD];
	_ =	sdelay $0x3  }
0x96: {  	_ =	strace s2  }
0x97: {  	_ =	strace $0x8FFFFFFF  }
0x98: {  	s18 =	sld [smem:$0x3FDB];
	_ =	sdelay $0x1  }
0x99: {  	s19 =	simm.s32 $_scs_section_size  }
0x9a: {  	s4 =	simm.s32 $_size__tile_overlayer_lowered;
	s5 =	simm.s32 $_tile_overlayer_lowered  }
0x9b: {  	s22 =	simm.s32 $0x1BFF;
	s21 =	sshll.u32 s5, $0x1;
	s2 =	sadd.s32 s19, s18  }
0x9c: {  	s6 =	simm.s32 $0x0;
	s20 =	sshll.u32 s4, $0x1;
	s4 =	sadd.s32 s21, s2  }
0x9d: {  	[timem:s6], [sflag:s22] =	dma.local [hbm:s4], s20  }
0x9e: {  	_ =	swait.ge [sflag:s22], s20  }
0x9f: {  	s3 =	ssub.s32 $0x0, s20;
	[sflag:s22] =	ssyncset.done $0x0  }
0xa0: {  	[sflag:s22] =	ssyncadd.s32 s3;
	_ =	sdelay $0x1  }
0xa1: {  	s23 =	simm.s32 $0x1B8B  }
0xa2: {  	_ =	swait.ge [sflag:s23], $0x1  }
0xa3: {  	[sflag:s23] =	ssyncset.done $0x0  }
0xa4: {  	s25 =	simm.s32 $0x1B8E;
	s24 =	sld [smem:$0x3FFE];
	[sflag:s23] =	ssyncadd.s32 $0xFFFFFFFF  }
0xa5: {  	s26 =	simm.s32 $execute0_lowered;
	[smem:$0x3FD2] =	sst s25  }
0xa6: {  	s4 =	sshll.u32 s26, $0x1;
	_ =	strace $0x80000046;
	[dreg:$0x1] =	wrdreg $0xFFFFFFFF  }
0xa7: {  	s28 =	simm.s32 $_size_execute0_lowered;
	s2 =	sadd.s32 s2, s4;
	[dreg:$0x0] =	wrdreg $0x0  }
0xa8: {  	s4 =	sshll.u32 s28, $0x1;
	[dreg:$0x2] =	wrdreg s2  }
0xa9: {  	[dreg:$0x3] =	wrdreg s4  }
0xaa: {  	[dreg:$0x4] =	wrdreg $0xC0  }
0xab: {  	_ =	task [dreg:s6], $0x5FFFF  }
0xac: {  	[dreg:$0x1] =	wrdreg $0xFFFFFFFF  }
0xad: {  	[dreg:$0x0] =	wrdreg $0x60  }
0xae: {  	[dreg:$0x2] =	wrdreg s24  }
0xaf: {  	[dreg:$0x3] =	wrdreg $0x9  }
0xb0: {  	_ =	task.clear_ibuf [dreg:s6], $0x4FFFF;
	_ =	strace $0x90000046  }
0xb1: {  	s29 =	simm.s32 $0x9;
	_ =	strace $0x80000048  }
0xb2: {  	_ =	swait.ge [sflag:s29], $0x1  }
0xb3: {  	[sflag:s29] =	ssyncadd.s32 $0xFFFFFFFF  }
0xb4: {  	_ =	strace $0x90000048  }
0xb5: {  	_ =	sfence  }
0xb6: {  	s30 =	sld [smem:$0x0];
	_ =	sdelay $0x2  }
0xb7: {  	s31 =	sshll.u32 s1, $0xD;
	s1 =	sshrl.u32 s1, $0x2  }
0xb8: {  	s3 =	sand.u32 $0x4000, s31;
	s1 =	sadd.s32 s1, s30  }
0xb9: {  	s0 =	sor.u32 s3, s0;
	s1 =	sshll.u32 s1, $0x11  }
0xba: {  	s0 =	sor.u32 s1, s0  }
0xbb: {  	s0 =	sadd.s32 $0x8F2B, s0  }
0xbc: {  	[sflag:s0] =	ssyncadd.remote.s32 $0x1  }
0xbd: {  	_ =	sfence.sel $0xFFFF  }
0xbe: {  	[dreg:$0x0] =	wrdreg $0xFFFFFFFF;
	(pc) =	sbr.abs _section_cstart, $3  }
0xbf: {  	[dreg:$0x1] =	wrdreg $0xFFFFFFFF  }
0xc0: {  	_ =	task.clear_ibuf [dreg:s6], $0x2FFFF;
	_ =	strace $0x9FFFFFFF  }
0xc1: {  	(tm) =	ssettm $0x7FFFFFFF  }
tec
execute0_lowered:
.L_overlay_start_1:
0x0: {  	(tag) =	ssettag $0x1  }
0x1: {  	s4 =	rddreg [dreg:$0x0];
	s1 =	stileid.u32  }
0x2: {  	s0 =	rddreg [dreg:$0x1];
	s3 =	srdreg.scid;
	s2 =	simm.s32 $0x0  }
0x3: {  	s10 =	simm.s32 $0x400;
	s11 =	simm.s32 $0x0;
	s5 =	sshrl.u32 s1, $0x2  }
0x4: {  	s3 =	sand.u32 $0x1, s3;
	s6 =	sshll.u32 s1, $0x8;
	s8 =	sshrl.u32 s1, $0x3  }
0x5: {  	[smem:$0x7FF] =	sst s2;
	s26 =	sshll.u32 s1, $0x7;
	s5 =	smul.u32 $0x14000, s5  }
0x6: {  	s7 =	smul.u32 $0x28000, s3;
	s9 =	sshll.u32 s3, $0x7;
	s6 =	sand.u32 $0x300, s6  }
0x7: {  	s8 =	smul.u32 $0x14000, s8;
	s29 =	sand.u32 $0x380, s26;
	_ =	strace $0x80000047  }
0x8: {  	s30 =	ssub.s32 $0x2, s3;
	s3 =	sadd.s32 $0x17200, s4;
	s6 =	sor.u32 s9, s6  }
0x9: {  	s31 =	sshrl.u32 s30, $0x1;
	s5 =	sor.u32 s5, s6;
	s28 =	sadd.s32 s7, s8  }
0xa: {  	s9 =	simm.s32 $0x80;
	s5 =	sshrl.u32 s5, $0x3;
	s6 =	sor.u32 s29, s28  }
0xb: {  	s7 =	ssub.s32 s30, s31;
	s5 =	sadd.s32 s5, s4;
	s6 =	sshrl.u32 s6, $0x3  }
0xc: {  	s8 =	simm.s32 $0x1;
	s6 =	sadd.s32 s6, s4;
	s4 =	sadd.s32 $0xD200, s5  }
0xd: {  	v0 =	vimm.f32 $1.000000000e+00;
	s5 =	sadd.s32 $0x17800, s6;
	s6 =	smax.u32 s7, $0x1;
	s7 =	simm.s32 $0x2800  }
.LBB2_1:
0xe: {  	[tilespmem:s7], [sflag:$0x1] =	stream.linear.gather [hbm4b:s3+s2], $0x2800, $0x38;
	[tilespmem:$0x5000] =	vst v63  }
0xf: {  	_ =	swait.ge [sflag:s8], $0x2800  }
0x10: {  	[sflag:s8] =	ssyncset.done $0x0  }
0x11: {  	[sflag:s8] =	ssyncadd.s32 $0xFFFFD800  }
0x12: {  	[tilespmem:s2], [sflag:$0x1] =	stream.strided.gather [hbm4b:s4+s9], $0x2800, s10, s9, $0x38;
	[tilespmem:$0x5000] =	vst v63  }
0x13: {  	_ =	swait.ge [sflag:s8], $0x2800  }
0x14: {  	[sflag:s8] =	ssyncset.done $0x0  }
0x15: {  	s13 =	simm.s32 $0x0;
	s12 =	simm.s32 $0x40;
	[sflag:s8] =	ssyncadd.s32 $0xFFFFD800  }
.LBB2_2:
0x16: {  	p0 =	sne.s32 s12, $0x9FC0;
	v1 =	vld [tilespmem:s13+$0x0];
	_ =	sdelay $0x3  }
.Ltmp0:
0x17: {  	(pc) =	sbr.rel @p0 .LBB2_2-.Ltmp0, $2  }
0x18: {  	_ =	sdelay $0x2  }
0x19: {  	s13 =	sshra.s32 s12, $0x2;
	s12 =	sadd.s32 $0x40, s12;
	[tilespmem:v1+s7+$0x0] =	vst.idx.add.f32.msk $0xffff, v0  }
0x1a: {  	v1 =	vld [tilespmem:s13+$0x0];
	_ =	sdelay $0x5  }
0x1b: {  	s11 =	sadd.s32 $0x1, s11  }
0x1c: {  	p0 =	sne.s32 s11, s6  }
.Ltmp1:
0x1d: {  	[tilespmem:v1+s7+$0x0] =	vst.idx.add.f32.msk $0xffff, v0;
	(pc) =	sbr.rel @p0 .LBB2_1-.Ltmp1, $4  }
0x1e: {  	[hbm4b:s5+s9] =	stream.strided.scatter [tilespmem:s7], [sflag:$0x1], $0x2800, s10, s9, $0x38;
	[tilespmem:$0x5000] =	vst v63  }
0x1f: {  	_ =	swait.ge [sflag:s8], $0x2800  }
0x20: {  	[sflag:s8] =	ssyncset.done $0x0  }
0x21: {  	[sflag:s8] =	ssyncadd.s32 $0xFFFFD800  }
0x22: {  	_ =	sfence.sel $0x180000  }
0x23: {  	[bflag:$0x0] =	sbarrier.arrive $0xFFFF  }
0x24: {  	p0 =	sne.s32 s1, $0x0;
	_ =	strace $0x90000047  }
0x25: {  	s0 =	sadd.s32 @!p0 $0x100000, s0;
	[bflag:$0x2] =	sbarrier.arrive $0xFFFF  }
0x26: {  	[sflag:s0] =	ssyncadd.tile.s32 @!p0 $0x1;
	_ =	shalt  }
.Lfunc_end2:
_tile_overlayer_lowered:
.L_overlay_start_2:
0x27: {  	(tag) =	ssettag $0x2  }
0x28: {  	s0 =	rddreg [dreg:$0x0];
	s2 =	stileid.u32  }
0x29: {  	s1 =	rddreg [dreg:$0x1];
	p0 =	sne.s32 s2, $0x0  }
0x2a: {  	s3 =	rddreg [dreg:$0x2];
	[bflag:$0x3] =	sbarrier.arrive $0xFFFF;
	s2 =	simm.s32 @!p0 $0x1C01  }
0x2b: {  	[timem:s3], [sflag:s2] =	dma.local @!p0 [hbm:s0], s1  }
0x2c: {  	s0 =	simm.s32 @!p0 $0x1  }
0x2d: {  	_ =	swait.ge @!p0 [sflag:s0], s1  }
0x2e: {  	s1 =	ssub.s32 @!p0 $0x0, s1;
	[sflag:s0] =	ssyncset.done @!p0 $0x0  }
0x2f: {  	[sflag:s0] =	ssyncadd.s32 @!p0 s1  }
0x30: {  	[bflag:$0x3] =	sbarrier.arrive $0xFFFF  }
0x31: {  	_ =	shalt  }

// kernel: kernel.13.cloned.1.call-start
scs
__scs_entry_jumppad:
0x0: {  	(pc) =	sbr.rel $0x88, $3  }
0x1: {  	(tag) =	ssettag $0x0;
	lr =	simm.s32 $0x1  }
0x2: {  	[smem:$0x3F99] =	sst lr;
	_ =	strace $0xD0000000  }
0x3: {  	_ = 	snop  }
0x4: {  	_ = 	snop  }
0x5: {  	_ = 	snop  }
0x6: {  	_ = 	snop  }
0x7: {  	_ = 	snop  }
__scs_overlays_trampoline_lowered:
0x8: {  	[smem:$0x3FA8] =	sst s0  }
0x9: {  	[smem:$0x3FA9] =	sst s1  }
0xa: {  	[smem:$0x3FAA] =	sst s2  }
0xb: {  	[smem:$0x3FAB] =	sst s3  }
0xc: {  	[smem:$0x3FAC] =	sst s4  }
0xd: {  	[smem:$0x3FAD] =	sst s5  }
0xe: {  	[smem:$0x3FAE] =	sst s6  }
0xf: {  	[smem:$0x3FAF] =	sst s7  }
0x10: {  	[smem:$0x3FB0] =	sst s8  }
0x11: {  	[smem:$0x3FB1] =	sst s9;
	s0 =	simm.s32 @!p0 $0x0  }
0x12: {  	s1 =	sld [smem:$0x3F97];
	s0 =	simm.s32 @p0 $0x1  }
0x13: {  	[smem:$0x3FB2] =	sst s0;
	s0 =	simm.s32 @!p1 $0x0  }
0x14: {  	s2 =	sld [smem:$0x3F96];
	s0 =	simm.s32 @p1 $0x1  }
0x15: {  	[smem:$0x3FB3] =	sst s0;
	s0 =	simm.s32 @!p2 $0x0  }
0x16: {  	s3 =	sld [smem:$0x3FDB];
	s0 =	simm.s32 @p2 $0x1  }
0x17: {  	s4 =	simm.s32 $0x1BF5;
	[smem:$0x3FB5] =	sst s0  }
0x18: {  	s0 =	sld [smem:$0x3F98];
	_ =	swait.ge [sflag:s4], $0x0  }
0x19: {  	s7 =	sld [smem:$0x3F99]  }
0x1a: {  	s8 =	sadd.s32 $0xFFFFE003, lr  }
0x1b: {  	s9 =	sadd.s32 $0xFFFFFEF7, lr;
	s5 =	simm.s32 $0xFFFFFFFF;
	p2 =	slt.u32 s8, $0xFFFFF086  }
0x1c: {  	p1 =	slt.u32 s9, $0xF7A;
	s5 =	simm.s32 @!p2 $0x0  }
0x1d: {  	s5 =	simm.s32 @p1 $0x1;
	p0 =	seq.s32 s7, s2  }
0x1e: {  	s7 =	smul.u32 @!p0 $0xF7A, s2;
	p2 =	seq.s32 @!p0 s5, $0x0  }
0x1f: {  	s9 =	smul.u32 $0xF7A, s1;
	s8 =	simm.s32 @!p0 $0x1BF5;
	p2 =	por !p2, p0  }
0x20: {  	[sflag:s8] =	ssyncset.s32 @!p0 $0xFFFFF086;
	s6 =	sadd.s32 @!p0 s3, s7;
	s7 =	simm.s32 @!p0 $0x108  }
0x21: {  	s3 =	sadd.s32 s3, s9;
	s6 =	sadd.s32 @!p0 $0x88, s6;
	s7 =	simm.s32 @p2 $0x1082  }
0x22: {  	[simem:s7], [sflag:s8] =	dma.local @!p0 [hbm:s6], $0xF7A  }
0x23: {  	s9 =	sor.u32 $0xD0000000, s2;
	s6 =	simm.s32 $0x108;
	_ =	swait.ge @!p0 [sflag:s8], $0x0  }
0x24: {  	s3 =	sadd.s32 $0x88, s3;
	s6 =	simm.s32 @!p1 $0x1082;
	[sflag:s4] =	ssyncset.s32 $0xFFFFF086  }
0x25: {  	[simem:s6], [sflag:s4] =	dma.local [hbm:s3], $0xF7A  }
0x26: {  	[smem:$0x3F99] =	sst s1;
	(tag) =	ssettag s2;
	_ =	strace s9  }
0x27: {  	s1 =	sld [smem:$0x3FA9]  }
0x28: {  	s2 =	sld [smem:$0x3FAA]  }
0x29: {  	s4 =	sld [smem:$0x3FAC]  }
0x2a: {  	p0 =	seq.s32 s5, $0x0;
	s5 =	sld [smem:$0x3FAD]  }
0x2b: {  	s6 =	sld [smem:$0x3FAE]  }
0x2c: {  	s7 =	sld [smem:$0x3FAF]  }
0x2d: {  	s3 =	simm.s32 $0x108;
	s8 =	sld [smem:$0x3FB0]  }
0x2e: {  	s3 =	simm.s32 @!p0 $0x1082;
	s9 =	sld [smem:$0x3FB1]  }
0x2f: {  	lr =	sadd.s32 s0, s3;
	s0 =	sld [smem:$0x3FA8]  }
0x30: {  	s3 =	sld [smem:$0x3FAB]  }
0x31: {  	[smem:$0x3FB4] =	sst s10  }
0x32: {  	s10 =	sld [smem:$0x3FB2];
	_ =	sdelay $0x3  }
0x33: {  	p0 =	seq.s32 s10, $0x1;
	s10 =	sld [smem:$0x3FB4];
	_ =	sdelay $0x3  }
0x34: {  	[smem:$0x3FB4] =	sst s10  }
0x35: {  	s10 =	sld [smem:$0x3FB3];
	_ =	sdelay $0x3  }
0x36: {  	p1 =	seq.s32 s10, $0x1;
	s10 =	sld [smem:$0x3FB4];
	_ =	sdelay $0x3  }
0x37: {  	[smem:$0x3FB4] =	sst s10  }
0x38: {  	s10 =	sld [smem:$0x3FB5]  }
0x39: {  	_ = 	snop;
	(pc) =	sbr.ind lr, $3  }
0x3a: {  	_ = 	snop  }
0x3b: {  	_ = 	snop  }
0x3c: {  	p2 =	seq.s32 s10, $0x1;
	s10 =	sld [smem:$0x3FB4]  }
0x3d: {  	_ =	shalt  }
0x3e: {  	_ =	shalt  }
0x3f: {  	_ =	shalt  }
0x40: {  	_ =	shalt  }
0x41: {  	_ =	shalt  }
0x42: {  	_ =	shalt  }
0x43: {  	_ =	shalt  }
0x44: {  	_ =	shalt  }
0x45: {  	_ =	shalt  }
0x46: {  	_ =	shalt  }
0x47: {  	_ =	shalt  }
0x48: {  	_ =	shalt  }
0x49: {  	_ =	shalt  }
0x4a: {  	_ =	shalt  }
0x4b: {  	_ =	shalt  }
0x4c: {  	_ =	shalt  }
0x4d: {  	_ =	shalt  }
0x4e: {  	_ =	shalt  }
0x4f: {  	_ =	shalt  }
0x50: {  	_ =	shalt  }
0x51: {  	_ =	shalt  }
0x52: {  	_ =	shalt  }
0x53: {  	_ =	shalt  }
0x54: {  	_ =	shalt  }
0x55: {  	_ =	shalt  }
0x56: {  	_ =	shalt  }
0x57: {  	_ =	shalt  }
0x58: {  	_ =	shalt  }
0x59: {  	_ =	shalt  }
0x5a: {  	_ =	shalt  }
0x5b: {  	_ =	shalt  }
0x5c: {  	_ =	shalt  }
0x5d: {  	_ =	shalt  }
0x5e: {  	_ =	shalt  }
0x5f: {  	_ =	shalt  }
0x60: {  	_ =	shalt  }
0x61: {  	_ =	shalt  }
0x62: {  	_ =	shalt  }
0x63: {  	_ =	shalt  }
0x64: {  	_ =	shalt  }
0x65: {  	_ =	shalt  }
0x66: {  	_ =	shalt  }
0x67: {  	_ =	shalt  }
0x68: {  	_ =	shalt  }
0x69: {  	_ =	shalt  }
0x6a: {  	_ =	shalt  }
0x6b: {  	_ =	shalt  }
0x6c: {  	_ =	shalt  }
0x6d: {  	_ =	shalt  }
0x6e: {  	_ =	shalt  }
0x6f: {  	_ =	shalt  }
0x70: {  	_ =	shalt  }
0x71: {  	_ =	shalt  }
0x72: {  	_ =	shalt  }
0x73: {  	_ =	shalt  }
0x74: {  	_ =	shalt  }
0x75: {  	_ =	shalt  }
0x76: {  	_ =	shalt  }
0x77: {  	_ =	shalt  }
0x78: {  	_ =	shalt  }
0x79: {  	_ =	shalt  }
0x7a: {  	_ =	shalt  }
0x7b: {  	_ =	shalt  }
0x7c: {  	_ =	shalt  }
0x7d: {  	_ =	shalt  }
0x7e: {  	_ =	shalt  }
0x7f: {  	_ =	shalt  }
0x80: {  	_ =	shalt  }
0x81: {  	_ =	shalt  }
0x82: {  	_ =	shalt  }
0x83: {  	_ =	shalt  }
0x84: {  	_ =	shalt  }
0x85: {  	_ =	shalt  }
0x86: {  	_ =	shalt  }
0x87: {  	_ =	shalt  }
.Lfunc_end0:
.L_simem_size_0:
called_computation.1_lowered:
.L_overlay_start_0:
0x88: {  	s2 =	sld [smem:$0x3FD9]  }
0x89: {  	s3 =	sld [smem:$0x3FFE];
	_ =	sdelay $0x1  }
0x8a: {  	s1 =	srdreg.scid  }
0x8b: {  	s0 =	sand.u32 $0x1, s1  }
0x8c: {  	s17 =	sshll.u32 s0, $0xA;
	s2 =	sadd.s32 s3, s2  }
0x8d: {  	s2 =	sadd.s32 s2, s17  }
0x8e: {  	[smem:$0x3FC0] =	sst s2  }
0x8f: {  	_ = 	snop  }
0x90: {  	s2 =	sld [smem:$0x3FD0];
	(tm) =	ssettm $0x1  }
0x91: {  	s18 =	sld [smem:$0x3FFB];
	_ =	sdelay $0x3  }
0x92: {  	_ =	strace s18  }
0x93: {  	s3 =	sld [smem:$0x3FFC];
	_ =	sdelay $0x3  }
0x94: {  	_ =	strace s3  }
0x95: {  	s3 =	sld [smem:$0x3FFD];
	_ =	sdelay $0x3  }
0x96: {  	_ =	strace s3  }
0x97: {  	_ =	strace $0x8FFFFFFF  }
0x98: {  	s19 =	sld [smem:$0x3FDB];
	_ =	sdelay $0x1  }
0x99: {  	s4 =	simm.s32 $_scs_section_size  }
0x9a: {  	s5 =	simm.s32 $_size__tile_overlayer_lowered;
	s6 =	simm.s32 $_tile_overlayer_lowered  }
0x9b: {  	s22 =	simm.s32 $0x1BFF;
	s21 =	sshll.u32 s6, $0x1;
	s3 =	sadd.s32 s4, s19  }
0x9c: {  	s7 =	simm.s32 $0x0;
	s20 =	sshll.u32 s5, $0x1;
	s5 =	sadd.s32 s21, s3  }
0x9d: {  	[timem:s7], [sflag:s22] =	dma.local [hbm:s5], s20  }
0x9e: {  	_ =	swait.ge [sflag:s22], s20  }
0x9f: {  	s4 =	ssub.s32 $0x0, s20;
	[sflag:s22] =	ssyncset.done $0x0  }
0xa0: {  	[sflag:s22] =	ssyncadd.s32 s4;
	_ =	sdelay $0x1  }
0xa1: {  	s23 =	simm.s32 $0x1B8B  }
0xa2: {  	_ =	swait.ge [sflag:s23], $0x1  }
0xa3: {  	[sflag:s23] =	ssyncset.done $0x0  }
0xa4: {  	s25 =	simm.s32 $0x1B8E;
	s24 =	sld [smem:$0x3FFE];
	[sflag:s23] =	ssyncadd.s32 $0xFFFFFFFF  }
0xa5: {  	s26 =	simm.s32 $execute0_lowered;
	[smem:$0x3FD2] =	sst s25  }
0xa6: {  	s5 =	sshll.u32 s26, $0x1;
	_ =	strace $0x80000049;
	[dreg:$0x1] =	wrdreg $0xFFFFFFFF  }
0xa7: {  	s28 =	simm.s32 $_size_execute0_lowered;
	s3 =	sadd.s32 s3, s5;
	[dreg:$0x0] =	wrdreg $0x0  }
0xa8: {  	s5 =	sshll.u32 s28, $0x1;
	[dreg:$0x2] =	wrdreg s3  }
0xa9: {  	[dreg:$0x3] =	wrdreg s5  }
0xaa: {  	[dreg:$0x4] =	wrdreg $0xC0  }
0xab: {  	_ =	task [dreg:s7], $0x5FFFF  }
0xac: {  	[dreg:$0x1] =	wrdreg $0xFFFFFFFF  }
0xad: {  	[dreg:$0x0] =	wrdreg $0x60  }
0xae: {  	[dreg:$0x2] =	wrdreg s24  }
0xaf: {  	[dreg:$0x3] =	wrdreg s2  }
0xb0: {  	[dreg:$0x4] =	wrdreg $0xAA000  }
0xb1: {  	[dreg:$0x5] =	wrdreg $0x9  }
0xb2: {  	_ =	task.clear_ibuf [dreg:s7], $0x6FFFF;
	_ =	strace $0x90000049  }
0xb3: {  	s29 =	simm.s32 $0x9;
	_ =	strace $0x8000004B  }
0xb4: {  	_ =	swait.ge [sflag:s29], $0x1  }
0xb5: {  	[sflag:s29] =	ssyncadd.s32 $0xFFFFFFFF  }
0xb6: {  	_ =	strace $0x9000004B  }
0xb7: {  	_ =	sfence  }
0xb8: {  	s30 =	sld [smem:$0x0];
	_ =	sdelay $0x2  }
0xb9: {  	s31 =	sshll.u32 s1, $0xD;
	s1 =	sshrl.u32 s1, $0x2  }
0xba: {  	s3 =	sand.u32 $0x4000, s31;
	s1 =	sadd.s32 s1, s30  }
0xbb: {  	s0 =	sor.u32 s3, s0;
	s1 =	sshll.u32 s1, $0x11  }
0xbc: {  	s0 =	sor.u32 s1, s0  }
0xbd: {  	s0 =	sadd.s32 $0x8F2B, s0  }
0xbe: {  	[sflag:s0] =	ssyncadd.remote.s32 $0x1  }
0xbf: {  	_ =	sfence.sel $0xFFFF  }
0xc0: {  	[dreg:$0x0] =	wrdreg $0xFFFFFFFF;
	(pc) =	sbr.abs _section_cstart, $3  }
0xc1: {  	[dreg:$0x1] =	wrdreg $0xFFFFFFFF  }
0xc2: {  	_ =	task.clear_ibuf [dreg:s7], $0x2FFFF;
	_ =	strace $0x9FFFFFFF  }
0xc3: {  	(tm) =	ssettm $0x7FFFFFFF  }
tec
execute0_lowered:
.L_overlay_start_1:
0x0: {  	(tag) =	ssettag $0x1  }
0x1: {  	s0 =	srdreg.scid;
	s1 =	rddreg [dreg:$0x0]  }
0x2: {  	s13 =	stileid.u32;
	s2 =	rddreg [dreg:$0x1]  }
0x3: {  	s28 =	simm.s32 $0x2;
	s29 =	simm.s32 $0x6A00;
	s7 =	smul.u32 $0x14000, s13  }
0x4: {  	s30 =	simm.s32 $0x5;
	s31 =	simm.s32 $0x3;
	s14 =	smul.u32 $0x50000, s13  }
0x5: {  	s0 =	sand.u32 $0x1, s0;
	s3 =	sshll.u32 s13, $0x1;
	s21 =	smul.u32 $0xA00, s13  }
0x6: {  	s5 =	sadd.s32 $0xD200, s1;
	s16 =	sshll.u32 s13, $0x6;
	s8 =	smul.u32 $0x140000, s0  }
0x7: {  	s4 =	sor.u32 s0, s3;
	s11 =	ssub.s32 $0x2, s0;
	s0 =	smul.u32 $0x500, s0  }
0x8: {  	s3 =	rddreg [dreg:$0x2];
	s6 =	smul.u32 $0x500, s4;
	s4 =	simm.s32 $0x0  }
0x9: {  	s10 =	sshrl.u32 s7, $0x3;
	s15 =	sshrl.u32 s11, $0x1;
	[smem:$0x7FF] =	sst s4  }
0xa: {  	s7 =	sadd.s32 s7, s8;
	s10 =	sadd.s32 s10, s1;
	s8 =	sshrl.u32 s14, $0x2  }
0xb: {  	s11 =	ssub.s32 s11, s15;
	s0 =	sadd.s32 s0, s21;
	s21 =	simm.s32 $0x2880  }
0xc: {  	_ =	strace $0x8000004A;
	s17 =	sadd.s32 $0x35200, s10;
	[dreg:$0x4] =	wrdreg s0  }
0xd: {  	s9 =	sadd.s32 s6, s1;
	s18 =	sadd.s32 s2, s6;
	[dreg:$0x5] =	wrdreg s17  }
0xe: {  	s7 =	sshrl.u32 s7, $0x3;
	s26 =	smax.u32 s11, $0x1;
	[dreg:$0x6] =	wrdreg s18  }
0xf: {  	s12 =	sadd.s32 s8, s3;
	s19 =	sadd.s32 $0x3200, s9;
	[dreg:$0xf] =	wrdreg s26  }
0x10: {  	s0 =	simm.s32 $0x6;
	s20 =	sadd.s32 $0x10, s18;
	[dreg:$0x7] =	wrdreg s19  }
0x11: {  	s6 =	simm.s32 $0x4;
	s22 =	sadd.s32 $0x20, s18;
	[dreg:$0x8] =	wrdreg s20  }
0x12: {  	s10 =	simm.s32 $0x0;
	s23 =	sadd.s32 $0x30, s18;
	[dreg:$0x9] =	wrdreg s22  }
0x13: {  	s1 =	sadd.s32 s7, s1;
	s24 =	sadd.s32 $0x40, s18;
	[dreg:$0xa] =	wrdreg s23  }
0x14: {  	s7 =	sor.u32 $0x1C09, s16;
	s25 =	sadd.s32 $0x50, s18;
	[dreg:$0xb] =	wrdreg s24  }
0x15: {  	s8 =	sadd.s32 $0x60, s18;
	s18 =	sshrl.u32 s12, $0x3;
	[dreg:$0xc] =	wrdreg s25  }
0x16: {  	s26 =	simm.s32 $0x2A00;
	s9 =	simm.s32 $0x8;
	[dreg:$0xd] =	wrdreg s8  }
0x17: {  	s1 =	sadd.s32 $0x5D200, s1;
	s19 =	simm.s32 $0x9;
	s20 =	simm.s32 $0x2800  }
0x18: {  	s22 =	simm.s32 $0x2900;
	s23 =	simm.s32 $0x2980;
	s24 =	simm.s32 $0x1  }
0x19: {  	s25 =	simm.s32 $0x80;
	[dreg:$0xe] =	wrdreg s1;
	s1 =	simm.s32 $0x7  }
.LBB2_1:
0x1a: {  	s8 =	rddreg [dreg:$0x5]  }
0x1b: {  	[spmem:s18], [sflag:s7] =	dma.local [hbm:s8], $0x2800  }
0x1c: {  	_ =	swait.ge [sflag:s19], $0x2800  }
0x1d: {  	[sflag:s19] =	ssyncset.done $0x0  }
0x1e: {  	s14 =	rddreg [dreg:$0x7];
	[sflag:s19] =	ssyncadd.s32 $0xFFFFD800  }
0x1f: {  	[tilespmem:s4], [sflag:$0x9] =	stream.linear.gather [hbm4b:s14+s4], $0x2800, $0x38;
	[tilespmem:$0x1EA00] =	vst v63  }
0x20: {  	_ =	swait.ge [sflag:s19], $0x2800  }
0x21: {  	[sflag:s19] =	ssyncset.done $0x0  }
0x22: {  	[sflag:s19] =	ssyncadd.s32 $0xFFFFD800  }
0x23: {  	[bflag:$0x0] =	sbarrier.arrive $0xFFFF  }
0x24: {  	s15 =	rddreg [dreg:$0x6]  }
0x25: {  	[tilespmem:s20], [sflag:$0x1] =	stream.linear.gather [hbm4b:s15+s4], $0x80, $0x38;
	[tilespmem:$0x1EA00] =	vst v63  }
0x26: {  	s16 =	rddreg [dreg:$0x8]  }
0x27: {  	[tilespmem:s21], [sflag:$0x2] =	stream.linear.gather [hbm4b:s16+s4], $0x80, $0x38;
	[tilespmem:$0x1EA00] =	vst v63  }
0x28: {  	s17 =	rddreg [dreg:$0x9]  }
0x29: {  	[tilespmem:s22], [sflag:$0x3] =	stream.linear.gather [hbm4b:s17+s4], $0x80, $0x38;
	[tilespmem:$0x1EA00] =	vst v63  }
0x2a: {  	s11 =	rddreg [dreg:$0xa]  }
0x2b: {  	[tilespmem:s23], [sflag:$0x4] =	stream.linear.gather [hbm4b:s11+s4], $0x80, $0x38;
	[tilespmem:$0x1EA00] =	vst v63  }
0x2c: {  	_ =	swait.ge [sflag:s24], $0x80  }
0x2d: {  	[sflag:s24] =	ssyncset.done $0x0  }
0x2e: {  	[sflag:s24] =	ssyncadd.s32 $0xFFFFFF80  }
0x2f: {  	[tilespmem:s26], [sflag:$0x5] =	stream.indirect.gather [hbm4b:s5+s25], $0x80, s20, s25, $0xb8;
	[tilespmem:$0x1EA00] =	vst v63  }
0x30: {  	_ =	swait.ge [sflag:s28], $0x80  }
0x31: {  	[sflag:s28] =	ssyncset.done $0x0  }
0x32: {  	[sflag:s28] =	ssyncadd.s32 $0xFFFFFF80  }
0x33: {  	[tilespmem:s29], [sflag:$0x6] =	stream.indirect.gather [hbm4b:s5+s25], $0x80, s21, s25, $0xb8;
	[tilespmem:$0x1EA00] =	vst v63  }
0x34: {  	_ =	swait.ge [sflag:s30], $0x4000  }
0x35: {  	[sflag:s30] =	ssyncset.done $0x0  }
0x36: {  	s12 =	rddreg [dreg:$0xb];
	[sflag:s30] =	ssyncadd.s32 $0xFFFFC000  }
0x37: {  	[tilespmem:s20], [sflag:$0x1] =	stream.linear.gather [hbm4b:s12+s4], $0x80, $0x38;
	[tilespmem:$0x1EA00] =	vst v63  }
0x38: {  	_ = 	snop  }
0x39: {  	[spmem:s3] =	stream.indirect.scatter.add.f32 [tilespmem:s26], [sflag:$0x7], $0x80, s4, s25, $0xb8;
	[tilespmem:$0x1EA00] =	vst v63  }
0x3a: {  	_ =	swait.ge [sflag:s31], $0x80  }
0x3b: {  	[sflag:s31] =	ssyncset.done $0x0  }
0x3c: {  	[sflag:s31] =	ssyncadd.s32 $0xFFFFFF80  }
0x3d: {  	_ =	swait.ge [sflag:s1], $0x4000  }
0x3e: {  	[sflag:s1] =	ssyncset.done $0x0  }
0x3f: {  	[sflag:s1] =	ssyncadd.s32 $0xFFFFC000  }
0x40: {  	[tilespmem:s26], [sflag:$0x5] =	stream.indirect.gather [hbm4b:s5+s25], $0x80, s22, s25, $0xb8;
	[tilespmem:$0x1EA00] =	vst v63  }
0x41: {  	_ =	swait.ge [sflag:s0], $0x4000  }
0x42: {  	[sflag:s0] =	ssyncset.done $0x0  }
0x43: {  	s13 =	rddreg [dreg:$0xc];
	[sflag:s0] =	ssyncadd.s32 $0xFFFFC000  }
0x44: {  	[tilespmem:s21], [sflag:$0x2] =	stream.linear.gather [hbm4b:s13+s4], $0x80, $0x38;
	[tilespmem:$0x1EA00] =	vst v63  }
0x45: {  	_ = 	snop  }
0x46: {  	[spmem:s3] =	stream.indirect.scatter.add.f32 [tilespmem:s29], [sflag:$0x8], $0x80, s25, s25, $0xb8;
	[tilespmem:$0x1EA00] =	vst v63  }
0x47: {  	_ =	swait.ge [sflag:s6], $0x80  }
0x48: {  	[sflag:s6] =	ssyncset.done $0x0  }
0x49: {  	[sflag:s6] =	ssyncadd.s32 $0xFFFFFF80  }
0x4a: {  	_ =	swait.ge [sflag:s9], $0x4000  }
0x4b: {  	[sflag:s9] =	ssyncset.done $0x0  }
0x4c: {  	[sflag:s9] =	ssyncadd.s32 $0xFFFFC000  }
0x4d: {  	[tilespmem:s29], [sflag:$0x6] =	stream.indirect.gather [hbm4b:s5+s25], $0x80, s23, s25, $0xb8;
	[tilespmem:$0x1EA00] =	vst v63  }
0x4e: {  	_ =	swait.ge [sflag:s30], $0x4000  }
0x4f: {  	[sflag:s30] =	ssyncset.done $0x0  }
0x50: {  	s14 =	rddreg [dreg:$0xd];
	[sflag:s30] =	ssyncadd.s32 $0xFFFFC000  }
0x51: {  	[tilespmem:s22], [sflag:$0x3] =	stream.linear.gather [hbm4b:s14+s4], $0x80, $0x38;
	[tilespmem:$0x1EA00] =	vst v63  }
0x52: {  	s15 =	simm.s32 $0x100  }
0x53: {  	[spmem:s3] =	stream.indirect.scatter.add.f32 [tilespmem:s26], [sflag:$0x7], $0x80, s15, s25, $0xb8;
	[tilespmem:$0x1EA00] =	vst v63  }
0x54: {  	_ =	swait.ge [sflag:s24], $0x80  }
0x55: {  	[sflag:s24] =	ssyncset.done $0x0  }
0x56: {  	[sflag:s24] =	ssyncadd.s32 $0xFFFFFF80  }
0x57: {  	_ =	swait.ge [sflag:s1], $0x4000  }
0x58: {  	[sflag:s1] =	ssyncset.done $0x0  }
0x59: {  	[sflag:s1] =	ssyncadd.s32 $0xFFFFC000  }
0x5a: {  	[tilespmem:s26], [sflag:$0x5] =	stream.indirect.gather [hbm4b:s5+s25], $0x80, s20, s25, $0xb8;
	[tilespmem:$0x1EA00] =	vst v63  }
0x5b: {  	_ =	swait.ge [sflag:s0], $0x4000  }
0x5c: {  	s11 =	rddreg [dreg:$0x4]  }
0x5d: {  	s12 =	simm.s32 $0x40;
	s11 =	sadd.s32 $0xA0, s11  }
0x5e: {  	s12 =	sand.u32 $0x40, s12;
	s13 =	sadd.s32 $0xFFFFFFA0, s11  }
0x5f: {  	s12 =	sadd.s32 s12, s2;
	s13 =	sand.u32 $0xFFFFF80, s13  }
0x60: {  	[sflag:s0] =	ssyncset.done $0x0;
	s12 =	sadd.s32 s13, s12  }
0x61: {  	[sflag:s0] =	ssyncadd.s32 $0xFFFFC000;
	s12 =	sadd.s32 $0x30, s12  }
0x62: {  	[tilespmem:s23], [sflag:$0x4] =	stream.linear.gather [hbm4b:s12+s4], $0x80, $0x38;
	[tilespmem:$0x1EA00] =	vst v63  }
0x63: {  	s16 =	simm.s32 $0x180  }
0x64: {  	[spmem:s3] =	stream.indirect.scatter.add.f32 [tilespmem:s29], [sflag:$0x8], $0x80, s16, s25, $0xb8;
	[tilespmem:$0x1EA00] =	vst v63  }
0x65: {  	_ =	swait.ge [sflag:s28], $0x80  }
0x66: {  	[sflag:s28] =	ssyncset.done $0x0  }
0x67: {  	[sflag:s28] =	ssyncadd.s32 $0xFFFFFF80  }
0x68: {  	_ =	swait.ge [sflag:s9], $0x4000  }
0x69: {  	[sflag:s9] =	ssyncset.done $0x0  }
0x6a: {  	s17 =	simm.s32 $0x80;
	[sflag:s9] =	ssyncadd.s32 $0xFFFFC000  }
0x6b: {  	[tilespmem:s29], [sflag:$0x6] =	stream.indirect.gather [hbm4b:s5+s25], $0x80, s21, s25, $0xb8;
	[tilespmem:$0x1EA00] =	vst v63  }
0x6c: {  	s8 =	sadd.s32 $0xFFFFFFE0, s11;
	s12 =	sand.u32 $0x40, s17;
	_ =	swait.ge [sflag:s30], $0x4000  }
0x6d: {  	s13 =	sand.u32 $0xFFFFF80, s8;
	s12 =	sadd.s32 s2, s12;
	[sflag:s30] =	ssyncset.done $0x0  }
0x6e: {  	s12 =	sadd.s32 s13, s12;
	[sflag:s30] =	ssyncadd.s32 $0xFFFFC000  }
0x6f: {  	[tilespmem:s20], [sflag:$0x1] =	stream.linear.gather [hbm4b:s12+s4], $0x80, $0x38;
	[tilespmem:$0x1EA00] =	vst v63  }
0x70: {  	s13 =	simm.s32 $0x200  }
0x71: {  	[spmem:s3] =	stream.indirect.scatter.add.f32 [tilespmem:s26], [sflag:$0x7], $0x80, s13, s25, $0xb8;
	[tilespmem:$0x1EA00] =	vst v63  }
0x72: {  	_ =	swait.ge [sflag:s31], $0x80  }
0x73: {  	[sflag:s31] =	ssyncset.done $0x0  }
0x74: {  	[sflag:s31] =	ssyncadd.s32 $0xFFFFFF80  }
0x75: {  	_ =	swait.ge [sflag:s1], $0x4000  }
0x76: {  	[sflag:s1] =	ssyncset.done $0x0  }
0x77: {  	s14 =	simm.s32 $0x90;
	[sflag:s1] =	ssyncadd.s32 $0xFFFFC000  }
0x78: {  	[tilespmem:s26], [sflag:$0x5] =	stream.indirect.gather [hbm4b:s5+s25], $0x80, s22, s25, $0xb8;
	[tilespmem:$0x1EA00] =	vst v63  }
0x79: {  	s15 =	sadd.s32 $0xFFFFFFF0, s11;
	s12 =	sand.u32 $0x50, s14;
	_ =	swait.ge [sflag:s0], $0x4000  }
0x7a: {  	s12 =	sadd.s32 s2, s12;
	s13 =	sand.u32 $0xFFFFF80, s15;
	[sflag:s0] =	ssyncset.done $0x0  }
0x7b: {  	s12 =	sadd.s32 s13, s12;
	[sflag:s0] =	ssyncadd.s32 $0xFFFFC000  }
0x7c: {  	[tilespmem:s21], [sflag:$0x2] =	stream.linear.gather [hbm4b:s12+s4], $0x80, $0x38;
	[tilespmem:$0x1EA00] =	vst v63  }
0x7d: {  	s16 =	simm.s32 $0x280  }
0x7e: {  	[spmem:s3] =	stream.indirect.scatter.add.f32 [tilespmem:s29], [sflag:$0x8], $0x80, s16, s25, $0xb8;
	[tilespmem:$0x1EA00] =	vst v63  }
0x7f: {  	_ =	swait.ge [sflag:s6], $0x80  }
0x80: {  	[sflag:s6] =	ssyncset.done $0x0  }
0x81: {  	[sflag:s6] =	ssyncadd.s32 $0xFFFFFF80  }
0x82: {  	_ =	swait.ge [sflag:s9], $0x4000  }
0x83: {  	[sflag:s9] =	ssyncset.done $0x0  }
0x84: {  	s17 =	simm.s32 $0xA0;
	[sflag:s9] =	ssyncadd.s32 $0xFFFFC000  }
0x85: {  	[tilespmem:s29], [sflag:$0x6] =	stream.indirect.gather [hbm4b:s5+s25], $0x80, s23, s25, $0xb8;
	[tilespmem:$0x1EA00] =	vst v63  }
0x86: {  	s12 =	sand.u32 $0x60, s17;
	_ =	swait.ge [sflag:s30], $0x4000  }
0x87: {  	s11 =	sand.u32 $0xFFFFF80, s11;
	s12 =	sadd.s32 s2, s12;
	[sflag:s30] =	ssyncset.done $0x0  }
0x88: {  	s11 =	sadd.s32 s11, s12;
	[sflag:s30] =	ssyncadd.s32 $0xFFFFC000  }
0x89: {  	[tilespmem:s22], [sflag:$0x3] =	stream.linear.gather [hbm4b:s11+s4], $0x80, $0x38;
	[tilespmem:$0x1EA00] =	vst v63  }
0x8a: {  	s13 =	simm.s32 $0x500;
	s12 =	simm.s32 $0xE0;
	s11 =	simm.s32 $0x300  }
.LBB2_2:
0x8b: {  	[spmem:s3] =	stream.indirect.scatter.add.f32 [tilespmem:s26], [sflag:$0x7], $0x80, s11, s25, $0xb8;
	[tilespmem:$0x1EA00] =	vst v63  }
0x8c: {  	_ =	swait.ge [sflag:s24], $0x80  }
0x8d: {  	[sflag:s24] =	ssyncset.done $0x0  }
0x8e: {  	[sflag:s24] =	ssyncadd.s32 $0xFFFFFF80  }
0x8f: {  	_ =	swait.ge [sflag:s1], $0x4000  }
0x90: {  	[sflag:s1] =	ssyncset.done $0x0  }
0x91: {  	[sflag:s1] =	ssyncadd.s32 $0xFFFFC000  }
0x92: {  	[tilespmem:s26], [sflag:$0x5] =	stream.indirect.gather [hbm4b:s5+s25], $0x80, s20, s25, $0xb8;
	[tilespmem:$0x1EA00] =	vst v63  }
0x93: {  	_ =	swait.ge [sflag:s0], $0x4000  }
0x94: {  	s14 =	smov.u32 s12;
	s15 =	rddreg [dreg:$0x4]  }
0x95: {  	s16 =	sadd.s32 $0xFFFFFFA0, s14;
	s15 =	sadd.s32 s14, s15  }
0x96: {  	s16 =	sand.u32 $0x40, s16;
	s17 =	sadd.s32 $0xFFFFFFA0, s15  }
0x97: {  	s16 =	sadd.s32 s16, s2;
	s17 =	sand.u32 $0xFFFFF80, s17  }
0x98: {  	[sflag:s0] =	ssyncset.done $0x0;
	s16 =	sadd.s32 s17, s16  }
0x99: {  	[sflag:s0] =	ssyncadd.s32 $0xFFFFC000;
	s16 =	sadd.s32 $0x30, s16  }
0x9a: {  	[tilespmem:s23], [sflag:$0x4] =	stream.linear.gather [hbm4b:s16+s4], $0x80, $0x38;
	[tilespmem:$0x1EA00] =	vst v63  }
0x9b: {  	s16 =	sadd.s32 $0xFFFFFE80, s13  }
0x9c: {  	[spmem:s3] =	stream.indirect.scatter.add.f32 [tilespmem:s29], [sflag:$0x8], $0x80, s16, s25, $0xb8;
	[tilespmem:$0x1EA00] =	vst v63  }
0x9d: {  	_ =	swait.ge [sflag:s28], $0x80  }
0x9e: {  	[sflag:s28] =	ssyncset.done $0x0  }
0x9f: {  	[sflag:s28] =	ssyncadd.s32 $0xFFFFFF80  }
0xa0: {  	_ =	swait.ge [sflag:s9], $0x4000  }
0xa1: {  	[sflag:s9] =	ssyncset.done $0x0  }
0xa2: {  	s16 =	sadd.s32 $0xFFFFFFE0, s14;
	[sflag:s9] =	ssyncadd.s32 $0xFFFFC000  }
0xa3: {  	[tilespmem:s29], [sflag:$0x6] =	stream.indirect.gather [hbm4b:s5+s25], $0x80, s21, s25, $0xb8;
	[tilespmem:$0x1EA00] =	vst v63  }
0xa4: {  	s8 =	sadd.s32 $0xFFFFFFE0, s15;
	s16 =	sand.u32 $0x40, s16;
	_ =	swait.ge [sflag:s30], $0x4000  }
0xa5: {  	s8 =	sand.u32 $0xFFFFF80, s8;
	s16 =	sadd.s32 s2, s16;
	[sflag:s30] =	ssyncset.done $0x0  }
0xa6: {  	s8 =	sadd.s32 s8, s16;
	[sflag:s30] =	ssyncadd.s32 $0xFFFFC000  }
0xa7: {  	[tilespmem:s20], [sflag:$0x1] =	stream.linear.gather [hbm4b:s8+s4], $0x80, $0x38;
	[tilespmem:$0x1EA00] =	vst v63  }
0xa8: {  	s16 =	sadd.s32 $0xFFFFFF00, s13  }
0xa9: {  	[spmem:s3] =	stream.indirect.scatter.add.f32 [tilespmem:s26], [sflag:$0x7], $0x80, s16, s25, $0xb8;
	[tilespmem:$0x1EA00] =	vst v63  }
0xaa: {  	_ =	swait.ge [sflag:s31], $0x80  }
0xab: {  	[sflag:s31] =	ssyncset.done $0x0  }
0xac: {  	[sflag:s31] =	ssyncadd.s32 $0xFFFFFF80  }
0xad: {  	_ =	swait.ge [sflag:s1], $0x4000  }
0xae: {  	[sflag:s1] =	ssyncset.done $0x0  }
0xaf: {  	s16 =	sadd.s32 $0xFFFFFFF0, s14;
	[sflag:s1] =	ssyncadd.s32 $0xFFFFC000  }
0xb0: {  	[tilespmem:s26], [sflag:$0x5] =	stream.indirect.gather [hbm4b:s5+s25], $0x80, s22, s25, $0xb8;
	[tilespmem:$0x1EA00] =	vst v63  }
0xb1: {  	s17 =	sadd.s32 $0xFFFFFFF0, s15;
	s8 =	sand.u32 $0x50, s16;
	_ =	swait.ge [sflag:s0], $0x4000  }
0xb2: {  	s17 =	sand.u32 $0xFFFFF80, s17;
	s8 =	sadd.s32 s2, s8;
	[sflag:s0] =	ssyncset.done $0x0  }
0xb3: {  	s8 =	sadd.s32 s17, s8;
	[sflag:s0] =	ssyncadd.s32 $0xFFFFC000  }
0xb4: {  	[tilespmem:s21], [sflag:$0x2] =	stream.linear.gather [hbm4b:s8+s4], $0x80, $0x38;
	[tilespmem:$0x1EA00] =	vst v63  }
0xb5: {  	s16 =	sadd.s32 $0xFFFFFF80, s13  }
0xb6: {  	[spmem:s3] =	stream.indirect.scatter.add.f32 [tilespmem:s29], [sflag:$0x8], $0x80, s16, s25, $0xb8;
	[tilespmem:$0x1EA00] =	vst v63  }
0xb7: {  	_ =	swait.ge [sflag:s6], $0x80  }
0xb8: {  	[sflag:s6] =	ssyncset.done $0x0  }
0xb9: {  	[sflag:s6] =	ssyncadd.s32 $0xFFFFFF80  }
0xba: {  	_ =	swait.ge [sflag:s9], $0x4000  }
0xbb: {  	[sflag:s9] =	ssyncset.done $0x0  }
0xbc: {  	p0 =	sne.s32 s12, $0x520;
	[sflag:s9] =	ssyncadd.s32 $0xFFFFC000  }
0xbd: {  	[tilespmem:s29], [sflag:$0x6] =	stream.indirect.gather [hbm4b:s5+s25], $0x80, s23, s25, $0xb8;
	[tilespmem:$0x1EA00] =	vst v63  }
.Ltmp0:
0xbe: {  	s11 =	smov.u32 s13;
	(pc) =	sbr.rel @p0 .LBB2_2-.Ltmp0, $4  }
0xbf: {  	s12 =	sadd.s32 $0x40, s12;
	s17 =	sand.u32 $0x60, s14;
	_ =	swait.ge [sflag:s30], $0x4000  }
0xc0: {  	s15 =	sand.u32 $0xFFFFF80, s15;
	s8 =	sadd.s32 s2, s17;
	[sflag:s30] =	ssyncset.done $0x0  }
0xc1: {  	s13 =	sadd.s32 $0x200, s13;
	s8 =	sadd.s32 s15, s8;
	[sflag:s30] =	ssyncadd.s32 $0xFFFFC000  }
0xc2: {  	[tilespmem:s22], [sflag:$0x3] =	stream.linear.gather [hbm4b:s8+s4], $0x80, $0x38;
	[tilespmem:$0x1EA00] =	vst v63  }
0xc3: {  	[spmem:s3] =	stream.indirect.scatter.add.f32 [tilespmem:s26], [sflag:$0x7], $0x80, s11, s25, $0xb8;
	[tilespmem:$0x1EA00] =	vst v63  }
0xc4: {  	_ =	swait.ge [sflag:s0], $0x4000  }
0xc5: {  	[sflag:s0] =	ssyncset.done $0x0  }
0xc6: {  	s8 =	simm.s32 $0x2780;
	[sflag:s0] =	ssyncadd.s32 $0xFFFFC000  }
0xc7: {  	[spmem:s3] =	stream.indirect.scatter.add.f32 [tilespmem:s29], [sflag:$0x8], $0x80, s8, s25, $0xb8;
	[tilespmem:$0x1EA00] =	vst v63  }
0xc8: {  	_ =	swait.ge [sflag:s1], $0x4000  }
0xc9: {  	[sflag:s1] =	ssyncset.done $0x0  }
0xca: {  	[sflag:s1] =	ssyncadd.s32 $0xFFFFC000  }
0xcb: {  	_ =	swait.ge [sflag:s9], $0x4000  }
0xcc: {  	[sflag:s9] =	ssyncset.done $0x0  }
0xcd: {  	[sflag:s9] =	ssyncadd.s32 $0xFFFFC000  }
0xce: {  	_ =	swait.ge [sflag:s24], $0x80  }
0xcf: {  	[sflag:s24] =	ssyncset.done $0x0  }
0xd0: {  	[sflag:s24] =	ssyncadd.s32 $0xFFFFFF80  }
0xd1: {  	_ =	swait.ge [sflag:s28], $0x80  }
0xd2: {  	[sflag:s28] =	ssyncset.done $0x0  }
0xd3: {  	[sflag:s28] =	ssyncadd.s32 $0xFFFFFF80  }
0xd4: {  	_ =	swait.ge [sflag:s31], $0x80  }
0xd5: {  	[sflag:s31] =	ssyncset.done $0x0  }
0xd6: {  	[sflag:s31] =	ssyncadd.s32 $0xFFFFFF80  }
0xd7: {  	[bflag:$0x0] =	sbarrier.arrive $0xFFFF  }
0xd8: {  	s16 =	rddreg [dreg:$0xe]  }
0xd9: {  	[hbm:s16], [sflag:s7] =	dma.local [spmem:s18], $0x2800  }
0xda: {  	_ =	swait.ge [sflag:s19], $0x2800  }
0xdb: {  	s10 =	sadd.s32 $0x1, s10;
	s17 =	rddreg [dreg:$0xf]  }
0xdc: {  	p0 =	sne.s32 s10, s17  }
.Ltmp1:
0xdd: {  	_ = 	snop;
	(pc) =	sbr.rel @p0 .LBB2_1-.Ltmp1, $3  }
0xde: {  	_ =	sdelay $0x1  }
0xdf: {  	[sflag:s19] =	ssyncset.done $0x0  }
0xe0: {  	[sflag:s19] =	ssyncadd.s32 $0xFFFFD800  }
0xe1: {  	_ =	sfence.sel $0x180000  }
0xe2: {  	[bflag:$0x0] =	sbarrier.arrive $0xFFFF  }
0xe3: {  	_ =	strace $0x9000004A  }
0xe4: {  	s0 =	stileid.u32;
	[bflag:$0x2] =	sbarrier.arrive $0xFFFF  }
0xe5: {  	p0 =	sne.s32 s0, $0x0;
	s0 =	rddreg [dreg:$0x3]  }
0xe6: {  	s0 =	sadd.s32 @!p0 $0x100000, s0  }
0xe7: {  	[sflag:s0] =	ssyncadd.tile.s32 @!p0 $0x1;
	_ =	shalt  }
.Lfunc_end2:
_tile_overlayer_lowered:
.L_overlay_start_2:
0xe8: {  	(tag) =	ssettag $0x2  }
0xe9: {  	s0 =	rddreg [dreg:$0x0];
	s2 =	stileid.u32  }
0xea: {  	s1 =	rddreg [dreg:$0x1];
	p0 =	sne.s32 s2, $0x0  }
0xeb: {  	s3 =	rddreg [dreg:$0x2];
	[bflag:$0x3] =	sbarrier.arrive $0xFFFF;
	s2 =	simm.s32 @!p0 $0x1C09  }
0xec: {  	[timem:s3], [sflag:s2] =	dma.local @!p0 [hbm:s0], s1  }
0xed: {  	s0 =	simm.s32 @!p0 $0x9  }
0xee: {  	_ =	swait.ge @!p0 [sflag:s0], s1  }
0xef: {  	s1 =	ssub.s32 @!p0 $0x0, s1;
	[sflag:s0] =	ssyncset.done @!p0 $0x0  }
0xf0: {  	[sflag:s0] =	ssyncadd.s32 @!p0 s1  }
0xf1: {  	[bflag:$0x3] =	sbarrier.arrive $0xFFFF  }
0xf2: {  	_ =	shalt  }

// kernel: kernel.16.cloned.1.call-start
scs
__scs_entry_jumppad:
0x0: {  	(pc) =	sbr.rel $0x88, $3  }
0x1: {  	(tag) =	ssettag $0x0;
	lr =	simm.s32 $0x1  }
0x2: {  	[smem:$0x3F99] =	sst lr;
	_ =	strace $0xD0000000  }
0x3: {  	_ = 	snop  }
0x4: {  	_ = 	snop  }
0x5: {  	_ = 	snop  }
0x6: {  	_ = 	snop  }
0x7: {  	_ = 	snop  }
__scs_overlays_trampoline_lowered:
0x8: {  	[smem:$0x3FA8] =	sst s0  }
0x9: {  	[smem:$0x3FA9] =	sst s1  }
0xa: {  	[smem:$0x3FAA] =	sst s2  }
0xb: {  	[smem:$0x3FAB] =	sst s3  }
0xc: {  	[smem:$0x3FAC] =	sst s4  }
0xd: {  	[smem:$0x3FAD] =	sst s5  }
0xe: {  	[smem:$0x3FAE] =	sst s6  }
0xf: {  	[smem:$0x3FAF] =	sst s7  }
0x10: {  	[smem:$0x3FB0] =	sst s8  }
0x11: {  	[smem:$0x3FB1] =	sst s9;
	s0 =	simm.s32 @!p0 $0x0  }
0x12: {  	s1 =	sld [smem:$0x3F97];
	s0 =	simm.s32 @p0 $0x1  }
0x13: {  	[smem:$0x3FB2] =	sst s0;
	s0 =	simm.s32 @!p1 $0x0  }
0x14: {  	s2 =	sld [smem:$0x3F96];
	s0 =	simm.s32 @p1 $0x1  }
0x15: {  	[smem:$0x3FB3] =	sst s0;
	s0 =	simm.s32 @!p2 $0x0  }
0x16: {  	s3 =	sld [smem:$0x3FDB];
	s0 =	simm.s32 @p2 $0x1  }
0x17: {  	s4 =	simm.s32 $0x1BF5;
	[smem:$0x3FB5] =	sst s0  }
0x18: {  	s0 =	sld [smem:$0x3F98];
	_ =	swait.ge [sflag:s4], $0x0  }
0x19: {  	s7 =	sld [smem:$0x3F99]  }
0x1a: {  	s8 =	sadd.s32 $0xFFFFE003, lr  }
0x1b: {  	s9 =	sadd.s32 $0xFFFFFEF7, lr;
	s5 =	simm.s32 $0xFFFFFFFF;
	p2 =	slt.u32 s8, $0xFFFFF086  }
0x1c: {  	p1 =	slt.u32 s9, $0xF7A;
	s5 =	simm.s32 @!p2 $0x0  }
0x1d: {  	s5 =	simm.s32 @p1 $0x1;
	p0 =	seq.s32 s7, s2  }
0x1e: {  	s7 =	smul.u32 @!p0 $0xF7A, s2;
	p2 =	seq.s32 @!p0 s5, $0x0  }
0x1f: {  	s9 =	smul.u32 $0xF7A, s1;
	s8 =	simm.s32 @!p0 $0x1BF5;
	p2 =	por !p2, p0  }
0x20: {  	[sflag:s8] =	ssyncset.s32 @!p0 $0xFFFFF086;
	s6 =	sadd.s32 @!p0 s3, s7;
	s7 =	simm.s32 @!p0 $0x108  }
0x21: {  	s3 =	sadd.s32 s3, s9;
	s6 =	sadd.s32 @!p0 $0x88, s6;
	s7 =	simm.s32 @p2 $0x1082  }
0x22: {  	[simem:s7], [sflag:s8] =	dma.local @!p0 [hbm:s6], $0xF7A  }
0x23: {  	s9 =	sor.u32 $0xD0000000, s2;
	s6 =	simm.s32 $0x108;
	_ =	swait.ge @!p0 [sflag:s8], $0x0  }
0x24: {  	s3 =	sadd.s32 $0x88, s3;
	s6 =	simm.s32 @!p1 $0x1082;
	[sflag:s4] =	ssyncset.s32 $0xFFFFF086  }
0x25: {  	[simem:s6], [sflag:s4] =	dma.local [hbm:s3], $0xF7A  }
0x26: {  	[smem:$0x3F99] =	sst s1;
	(tag) =	ssettag s2;
	_ =	strace s9  }
0x27: {  	s1 =	sld [smem:$0x3FA9]  }
0x28: {  	s2 =	sld [smem:$0x3FAA]  }
0x29: {  	s4 =	sld [smem:$0x3FAC]  }
0x2a: {  	p0 =	seq.s32 s5, $0x0;
	s5 =	sld [smem:$0x3FAD]  }
0x2b: {  	s6 =	sld [smem:$0x3FAE]  }
0x2c: {  	s7 =	sld [smem:$0x3FAF]  }
0x2d: {  	s3 =	simm.s32 $0x108;
	s8 =	sld [smem:$0x3FB0]  }
0x2e: {  	s3 =	simm.s32 @!p0 $0x1082;
	s9 =	sld [smem:$0x3FB1]  }
0x2f: {  	lr =	sadd.s32 s0, s3;
	s0 =	sld [smem:$0x3FA8]  }
0x30: {  	s3 =	sld [smem:$0x3FAB]  }
0x31: {  	[smem:$0x3FB4] =	sst s10  }
0x32: {  	s10 =	sld [smem:$0x3FB2];
	_ =	sdelay $0x3  }
0x33: {  	p0 =	seq.s32 s10, $0x1;
	s10 =	sld [smem:$0x3FB4];
	_ =	sdelay $0x3  }
0x34: {  	[smem:$0x3FB4] =	sst s10  }
0x35: {  	s10 =	sld [smem:$0x3FB3];
	_ =	sdelay $0x3  }
0x36: {  	p1 =	seq.s32 s10, $0x1;
	s10 =	sld [smem:$0x3FB4];
	_ =	sdelay $0x3  }
0x37: {  	[smem:$0x3FB4] =	sst s10  }
0x38: {  	s10 =	sld [smem:$0x3FB5]  }
0x39: {  	_ = 	snop;
	(pc) =	sbr.ind lr, $3  }
0x3a: {  	_ = 	snop  }
0x3b: {  	_ = 	snop  }
0x3c: {  	p2 =	seq.s32 s10, $0x1;
	s10 =	sld [smem:$0x3FB4]  }
0x3d: {  	_ =	shalt  }
0x3e: {  	_ =	shalt  }
0x3f: {  	_ =	shalt  }
0x40: {  	_ =	shalt  }
0x41: {  	_ =	shalt  }
0x42: {  	_ =	shalt  }
0x43: {  	_ =	shalt  }
0x44: {  	_ =	shalt  }
0x45: {  	_ =	shalt  }
0x46: {  	_ =	shalt  }
0x47: {  	_ =	shalt  }
0x48: {  	_ =	shalt  }
0x49: {  	_ =	shalt  }
0x4a: {  	_ =	shalt  }
0x4b: {  	_ =	shalt  }
0x4c: {  	_ =	shalt  }
0x4d: {  	_ =	shalt  }
0x4e: {  	_ =	shalt  }
0x4f: {  	_ =	shalt  }
0x50: {  	_ =	shalt  }
0x51: {  	_ =	shalt  }
0x52: {  	_ =	shalt  }
0x53: {  	_ =	shalt  }
0x54: {  	_ =	shalt  }
0x55: {  	_ =	shalt  }
0x56: {  	_ =	shalt  }
0x57: {  	_ =	shalt  }
0x58: {  	_ =	shalt  }
0x59: {  	_ =	shalt  }
0x5a: {  	_ =	shalt  }
0x5b: {  	_ =	shalt  }
0x5c: {  	_ =	shalt  }
0x5d: {  	_ =	shalt  }
0x5e: {  	_ =	shalt  }
0x5f: {  	_ =	shalt  }
0x60: {  	_ =	shalt  }
0x61: {  	_ =	shalt  }
0x62: {  	_ =	shalt  }
0x63: {  	_ =	shalt  }
0x64: {  	_ =	shalt  }
0x65: {  	_ =	shalt  }
0x66: {  	_ =	shalt  }
0x67: {  	_ =	shalt  }
0x68: {  	_ =	shalt  }
0x69: {  	_ =	shalt  }
0x6a: {  	_ =	shalt  }
0x6b: {  	_ =	shalt  }
0x6c: {  	_ =	shalt  }
0x6d: {  	_ =	shalt  }
0x6e: {  	_ =	shalt  }
0x6f: {  	_ =	shalt  }
0x70: {  	_ =	shalt  }
0x71: {  	_ =	shalt  }
0x72: {  	_ =	shalt  }
0x73: {  	_ =	shalt  }
0x74: {  	_ =	shalt  }
0x75: {  	_ =	shalt  }
0x76: {  	_ =	shalt  }
0x77: {  	_ =	shalt  }
0x78: {  	_ =	shalt  }
0x79: {  	_ =	shalt  }
0x7a: {  	_ =	shalt  }
0x7b: {  	_ =	shalt  }
0x7c: {  	_ =	shalt  }
0x7d: {  	_ =	shalt  }
0x7e: {  	_ =	shalt  }
0x7f: {  	_ =	shalt  }
0x80: {  	_ =	shalt  }
0x81: {  	_ =	shalt  }
0x82: {  	_ =	shalt  }
0x83: {  	_ =	shalt  }
0x84: {  	_ =	shalt  }
0x85: {  	_ =	shalt  }
0x86: {  	_ =	shalt  }
0x87: {  	_ =	shalt  }
.Lfunc_end0:
.L_simem_size_0:
called_computation.2_lowered:
.L_overlay_start_0:
0x88: {  	s2 =	sld [smem:$0x3FD9]  }
0x89: {  	s3 =	sld [smem:$0x3FFE];
	_ =	sdelay $0x1  }
0x8a: {  	s1 =	srdreg.scid  }
0x8b: {  	s0 =	sand.u32 $0x1, s1  }
0x8c: {  	s17 =	sshll.u32 s0, $0xA;
	s2 =	sadd.s32 s3, s2  }
0x8d: {  	s2 =	sadd.s32 s2, s17  }
0x8e: {  	[smem:$0x3FC0] =	sst s2  }
0x8f: {  	_ = 	snop  }
0x90: {  	s2 =	sld [smem:$0x3FD0];
	(tm) =	ssettm $0x1  }
0x91: {  	s18 =	sld [smem:$0x3FFB];
	_ =	sdelay $0x3  }
0x92: {  	_ =	strace s18  }
0x93: {  	s3 =	sld [smem:$0x3FFC];
	_ =	sdelay $0x3  }
0x94: {  	_ =	strace s3  }
0x95: {  	s3 =	sld [smem:$0x3FFD];
	_ =	sdelay $0x3  }
0x96: {  	_ =	strace s3  }
0x97: {  	_ =	strace $0x8FFFFFFF  }
0x98: {  	s19 =	sld [smem:$0x3FDB];
	_ =	sdelay $0x1  }
0x99: {  	s4 =	simm.s32 $_scs_section_size  }
0x9a: {  	s5 =	simm.s32 $_size__tile_overlayer_lowered;
	s6 =	simm.s32 $_tile_overlayer_lowered  }
0x9b: {  	s22 =	simm.s32 $0x1BFF;
	s21 =	sshll.u32 s6, $0x1;
	s3 =	sadd.s32 s4, s19  }
0x9c: {  	s7 =	simm.s32 $0x0;
	s20 =	sshll.u32 s5, $0x1;
	s5 =	sadd.s32 s21, s3  }
0x9d: {  	[timem:s7], [sflag:s22] =	dma.local [hbm:s5], s20  }
0x9e: {  	_ =	swait.ge [sflag:s22], s20  }
0x9f: {  	s4 =	ssub.s32 $0x0, s20;
	[sflag:s22] =	ssyncset.done $0x0  }
0xa0: {  	[sflag:s22] =	ssyncadd.s32 s4;
	_ =	sdelay $0x1  }
0xa1: {  	s23 =	simm.s32 $0x1B8B  }
0xa2: {  	_ =	swait.ge [sflag:s23], $0x1  }
0xa3: {  	[sflag:s23] =	ssyncset.done $0x0  }
0xa4: {  	s25 =	simm.s32 $0x1B8E;
	s24 =	sld [smem:$0x3FFE];
	[sflag:s23] =	ssyncadd.s32 $0xFFFFFFFF  }
0xa5: {  	s26 =	simm.s32 $execute0_lowered;
	[smem:$0x3FD2] =	sst s25  }
0xa6: {  	s5 =	sshll.u32 s26, $0x1;
	_ =	strace $0x8000004C;
	[dreg:$0x1] =	wrdreg $0xFFFFFFFF  }
0xa7: {  	s28 =	simm.s32 $_size_execute0_lowered;
	s3 =	sadd.s32 s3, s5;
	[dreg:$0x0] =	wrdreg $0x0  }
0xa8: {  	s5 =	sshll.u32 s28, $0x1;
	[dreg:$0x2] =	wrdreg s3  }
0xa9: {  	[dreg:$0x3] =	wrdreg s5  }
0xaa: {  	[dreg:$0x4] =	wrdreg $0xC0  }
0xab: {  	_ =	task [dreg:s7], $0x5FFFF  }
0xac: {  	[dreg:$0x1] =	wrdreg $0xFFFFFFFF  }
0xad: {  	[dreg:$0x0] =	wrdreg $0x60  }
0xae: {  	[dreg:$0x2] =	wrdreg s24  }
0xaf: {  	[dreg:$0x3] =	wrdreg s2  }
0xb0: {  	[dreg:$0x4] =	wrdreg $0xAA000  }
0xb1: {  	[dreg:$0x5] =	wrdreg $0x9  }
0xb2: {  	_ =	task.clear_ibuf [dreg:s7], $0x6FFFF;
	_ =	strace $0x9000004C  }
0xb3: {  	s29 =	simm.s32 $0x9;
	_ =	strace $0x8000004E  }
0xb4: {  	_ =	swait.ge [sflag:s29], $0x1  }
0xb5: {  	[sflag:s29] =	ssyncadd.s32 $0xFFFFFFFF  }
0xb6: {  	_ =	strace $0x9000004E  }
0xb7: {  	_ =	sfence  }
0xb8: {  	s30 =	sld [smem:$0x0];
	_ =	sdelay $0x2  }
0xb9: {  	s31 =	sshll.u32 s1, $0xD;
	s1 =	sshrl.u32 s1, $0x2  }
0xba: {  	s3 =	sand.u32 $0x4000, s31;
	s1 =	sadd.s32 s1, s30  }
0xbb: {  	s0 =	sor.u32 s3, s0;
	s1 =	sshll.u32 s1, $0x11  }
0xbc: {  	s0 =	sor.u32 s1, s0  }
0xbd: {  	s0 =	sadd.s32 $0x8F2B, s0  }
0xbe: {  	[sflag:s0] =	ssyncadd.remote.s32 $0x1  }
0xbf: {  	_ =	sfence.sel $0xFFFF  }
0xc0: {  	[dreg:$0x0] =	wrdreg $0xFFFFFFFF;
	(pc) =	sbr.abs _section_cstart, $3  }
0xc1: {  	[dreg:$0x1] =	wrdreg $0xFFFFFFFF  }
0xc2: {  	_ =	task.clear_ibuf [dreg:s7], $0x2FFFF;
	_ =	strace $0x9FFFFFFF  }
0xc3: {  	(tm) =	ssettm $0x7FFFFFFF  }
tec
execute0_lowered:
.L_overlay_start_1:
0x0: {  	(tag) =	ssettag $0x1  }
0x1: {  	s0 =	srdreg.scid;
	s1 =	rddreg [dreg:$0x0]  }
0x2: {  	s13 =	stileid.u32;
	s2 =	rddreg [dreg:$0x1]  }
0x3: {  	s28 =	simm.s32 $0x2;
	s29 =	simm.s32 $0x6A00;
	s7 =	smul.u32 $0x14000, s13  }
0x4: {  	s30 =	simm.s32 $0x5;
	s31 =	simm.s32 $0x3;
	s14 =	smul.u32 $0x50000, s13  }
0x5: {  	s0 =	sand.u32 $0x1, s0;
	s3 =	sshll.u32 s13, $0x1;
	s21 =	smul.u32 $0xA00, s13  }
0x6: {  	s5 =	sadd.s32 $0xD200, s1;
	s16 =	sshll.u32 s13, $0x6;
	s8 =	smul.u32 $0x140000, s0  }
0x7: {  	s4 =	sor.u32 s0, s3;
	s11 =	ssub.s32 $0x2, s0;
	s0 =	smul.u32 $0x500, s0  }
0x8: {  	s3 =	rddreg [dreg:$0x2];
	s6 =	smul.u32 $0x500, s4;
	s4 =	simm.s32 $0x0  }
0x9: {  	s10 =	sshrl.u32 s7, $0x3;
	s15 =	sshrl.u32 s11, $0x1;
	[smem:$0x7FF] =	sst s4  }
0xa: {  	s7 =	sadd.s32 s7, s8;
	s10 =	sadd.s32 s10, s1;
	s8 =	sshrl.u32 s14, $0x2  }
0xb: {  	s11 =	ssub.s32 s11, s15;
	s0 =	sadd.s32 s0, s21;
	s21 =	simm.s32 $0x2880  }
0xc: {  	_ =	strace $0x8000004D;
	s17 =	sadd.s32 $0x35200, s10;
	[dreg:$0x4] =	wrdreg s0  }
0xd: {  	s9 =	sadd.s32 s6, s1;
	s18 =	sadd.s32 s2, s6;
	[dreg:$0x5] =	wrdreg s17  }
0xe: {  	s7 =	sshrl.u32 s7, $0x3;
	s26 =	smax.u32 s11, $0x1;
	[dreg:$0x6] =	wrdreg s18  }
0xf: {  	s12 =	sadd.s32 s8, s3;
	s19 =	sadd.s32 $0x3200, s9;
	[dreg:$0xf] =	wrdreg s26  }
0x10: {  	s0 =	simm.s32 $0x6;
	s20 =	sadd.s32 $0x10, s18;
	[dreg:$0x7] =	wrdreg s19  }
0x11: {  	s6 =	simm.s32 $0x4;
	s22 =	sadd.s32 $0x20, s18;
	[dreg:$0x8] =	wrdreg s20  }
0x12: {  	s10 =	simm.s32 $0x0;
	s23 =	sadd.s32 $0x30, s18;
	[dreg:$0x9] =	wrdreg s22  }
0x13: {  	s1 =	sadd.s32 s7, s1;
	s24 =	sadd.s32 $0x40, s18;
	[dreg:$0xa] =	wrdreg s23  }
0x14: {  	s7 =	sor.u32 $0x1C09, s16;
	s25 =	sadd.s32 $0x50, s18;
	[dreg:$0xb] =	wrdreg s24  }
0x15: {  	s8 =	sadd.s32 $0x60, s18;
	s18 =	sshrl.u32 s12, $0x3;
	[dreg:$0xc] =	wrdreg s25  }
0x16: {  	s26 =	simm.s32 $0x2A00;
	s9 =	simm.s32 $0x8;
	[dreg:$0xd] =	wrdreg s8  }
0x17: {  	s1 =	sadd.s32 $0x5D200, s1;
	s19 =	simm.s32 $0x9;
	s20 =	simm.s32 $0x2800  }
0x18: {  	s22 =	simm.s32 $0x2900;
	s23 =	simm.s32 $0x2980;
	s24 =	simm.s32 $0x1  }
0x19: {  	s25 =	simm.s32 $0x80;
	[dreg:$0xe] =	wrdreg s1;
	s1 =	simm.s32 $0x7  }
.LBB2_1:
0x1a: {  	s8 =	rddreg [dreg:$0x5]  }
0x1b: {  	[spmem:s18], [sflag:s7] =	dma.local [hbm:s8], $0x2800  }
0x1c: {  	_ =	swait.ge [sflag:s19], $0x2800  }
0x1d: {  	[sflag:s19] =	ssyncset.done $0x0  }
0x1e: {  	s14 =	rddreg [dreg:$0x7];
	[sflag:s19] =	ssyncadd.s32 $0xFFFFD800  }
0x1f: {  	[tilespmem:s4], [sflag:$0x9] =	stream.linear.gather [hbm4b:s14+s4], $0x2800, $0x38;
	[tilespmem:$0x1EA00] =	vst v63  }
0x20: {  	_ =	swait.ge [sflag:s19], $0x2800  }
0x21: {  	[sflag:s19] =	ssyncset.done $0x0  }
0x22: {  	[sflag:s19] =	ssyncadd.s32 $0xFFFFD800  }
0x23: {  	[bflag:$0x0] =	sbarrier.arrive $0xFFFF  }
0x24: {  	s15 =	rddreg [dreg:$0x6]  }
0x25: {  	[tilespmem:s20], [sflag:$0x1] =	stream.linear.gather [hbm4b:s15+s4], $0x80, $0x38;
	[tilespmem:$0x1EA00] =	vst v63  }
0x26: {  	s16 =	rddreg [dreg:$0x8]  }
0x27: {  	[tilespmem:s21], [sflag:$0x2] =	stream.linear.gather [hbm4b:s16+s4], $0x80, $0x38;
	[tilespmem:$0x1EA00] =	vst v63  }
0x28: {  	s17 =	rddreg [dreg:$0x9]  }
0x29: {  	[tilespmem:s22], [sflag:$0x3] =	stream.linear.gather [hbm4b:s17+s4], $0x80, $0x38;
	[tilespmem:$0x1EA00] =	vst v63  }
0x2a: {  	s11 =	rddreg [dreg:$0xa]  }
0x2b: {  	[tilespmem:s23], [sflag:$0x4] =	stream.linear.gather [hbm4b:s11+s4], $0x80, $0x38;
	[tilespmem:$0x1EA00] =	vst v63  }
0x2c: {  	_ =	swait.ge [sflag:s24], $0x80  }
0x2d: {  	[sflag:s24] =	ssyncset.done $0x0  }
0x2e: {  	[sflag:s24] =	ssyncadd.s32 $0xFFFFFF80  }
0x2f: {  	[tilespmem:s26], [sflag:$0x5] =	stream.indirect.gather [hbm4b:s5+s25], $0x80, s20, s25, $0xb8;
	[tilespmem:$0x1EA00] =	vst v63  }
0x30: {  	_ =	swait.ge [sflag:s28], $0x80  }
0x31: {  	[sflag:s28] =	ssyncset.done $0x0  }
0x32: {  	[sflag:s28] =	ssyncadd.s32 $0xFFFFFF80  }
0x33: {  	[tilespmem:s29], [sflag:$0x6] =	stream.indirect.gather [hbm4b:s5+s25], $0x80, s21, s25, $0xb8;
	[tilespmem:$0x1EA00] =	vst v63  }
0x34: {  	_ =	swait.ge [sflag:s30], $0x4000  }
0x35: {  	[sflag:s30] =	ssyncset.done $0x0  }
0x36: {  	s12 =	rddreg [dreg:$0xb];
	[sflag:s30] =	ssyncadd.s32 $0xFFFFC000  }
0x37: {  	[tilespmem:s20], [sflag:$0x1] =	stream.linear.gather [hbm4b:s12+s4], $0x80, $0x38;
	[tilespmem:$0x1EA00] =	vst v63  }
0x38: {  	_ = 	snop  }
0x39: {  	[spmem:s3] =	stream.indirect.scatter.add.f32 [tilespmem:s26], [sflag:$0x7], $0x80, s4, s25, $0xb8;
	[tilespmem:$0x1EA00] =	vst v63  }
0x3a: {  	_ =	swait.ge [sflag:s31], $0x80  }
0x3b: {  	[sflag:s31] =	ssyncset.done $0x0  }
0x3c: {  	[sflag:s31] =	ssyncadd.s32 $0xFFFFFF80  }
0x3d: {  	_ =	swait.ge [sflag:s1], $0x4000  }
0x3e: {  	[sflag:s1] =	ssyncset.done $0x0  }
0x3f: {  	[sflag:s1] =	ssyncadd.s32 $0xFFFFC000  }
0x40: {  	[tilespmem:s26], [sflag:$0x5] =	stream.indirect.gather [hbm4b:s5+s25], $0x80, s22, s25, $0xb8;
	[tilespmem:$0x1EA00] =	vst v63  }
0x41: {  	_ =	swait.ge [sflag:s0], $0x4000  }
0x42: {  	[sflag:s0] =	ssyncset.done $0x0  }
0x43: {  	s13 =	rddreg [dreg:$0xc];
	[sflag:s0] =	ssyncadd.s32 $0xFFFFC000  }
0x44: {  	[tilespmem:s21], [sflag:$0x2] =	stream.linear.gather [hbm4b:s13+s4], $0x80, $0x38;
	[tilespmem:$0x1EA00] =	vst v63  }
0x45: {  	_ = 	snop  }
0x46: {  	[spmem:s3] =	stream.indirect.scatter.add.f32 [tilespmem:s29], [sflag:$0x8], $0x80, s25, s25, $0xb8;
	[tilespmem:$0x1EA00] =	vst v63  }
0x47: {  	_ =	swait.ge [sflag:s6], $0x80  }
0x48: {  	[sflag:s6] =	ssyncset.done $0x0  }
0x49: {  	[sflag:s6] =	ssyncadd.s32 $0xFFFFFF80  }
0x4a: {  	_ =	swait.ge [sflag:s9], $0x4000  }
0x4b: {  	[sflag:s9] =	ssyncset.done $0x0  }
0x4c: {  	[sflag:s9] =	ssyncadd.s32 $0xFFFFC000  }
0x4d: {  	[tilespmem:s29], [sflag:$0x6] =	stream.indirect.gather [hbm4b:s5+s25], $0x80, s23, s25, $0xb8;
	[tilespmem:$0x1EA00] =	vst v63  }
0x4e: {  	_ =	swait.ge [sflag:s30], $0x4000  }
0x4f: {  	[sflag:s30] =	ssyncset.done $0x0  }
0x50: {  	s14 =	rddreg [dreg:$0xd];
	[sflag:s30] =	ssyncadd.s32 $0xFFFFC000  }
0x51: {  	[tilespmem:s22], [sflag:$0x3] =	stream.linear.gather [hbm4b:s14+s4], $0x80, $0x38;
	[tilespmem:$0x1EA00] =	vst v63  }
0x52: {  	s15 =	simm.s32 $0x100  }
0x53: {  	[spmem:s3] =	stream.indirect.scatter.add.f32 [tilespmem:s26], [sflag:$0x7], $0x80, s15, s25, $0xb8;
	[tilespmem:$0x1EA00] =	vst v63  }
0x54: {  	_ =	swait.ge [sflag:s24], $0x80  }
0x55: {  	[sflag:s24] =	ssyncset.done $0x0  }
0x56: {  	[sflag:s24] =	ssyncadd.s32 $0xFFFFFF80  }
0x57: {  	_ =	swait.ge [sflag:s1], $0x4000  }
0x58: {  	[sflag:s1] =	ssyncset.done $0x0  }
0x59: {  	[sflag:s1] =	ssyncadd.s32 $0xFFFFC000  }
0x5a: {  	[tilespmem:s26], [sflag:$0x5] =	stream.indirect.gather [hbm4b:s5+s25], $0x80, s20, s25, $0xb8;
	[tilespmem:$0x1EA00] =	vst v63  }
0x5b: {  	_ =	swait.ge [sflag:s0], $0x4000  }
0x5c: {  	s11 =	rddreg [dreg:$0x4]  }
0x5d: {  	s12 =	simm.s32 $0x40;
	s11 =	sadd.s32 $0xA0, s11  }
0x5e: {  	s12 =	sand.u32 $0x40, s12;
	s13 =	sadd.s32 $0xFFFFFFA0, s11  }
0x5f: {  	s12 =	sadd.s32 s12, s2;
	s13 =	sand.u32 $0xFFFFF80, s13  }
0x60: {  	[sflag:s0] =	ssyncset.done $0x0;
	s12 =	sadd.s32 s13, s12  }
0x61: {  	[sflag:s0] =	ssyncadd.s32 $0xFFFFC000;
	s12 =	sadd.s32 $0x30, s12  }
0x62: {  	[tilespmem:s23], [sflag:$0x4] =	stream.linear.gather [hbm4b:s12+s4], $0x80, $0x38;
	[tilespmem:$0x1EA00] =	vst v63  }
0x63: {  	s16 =	simm.s32 $0x180  }
0x64: {  	[spmem:s3] =	stream.indirect.scatter.add.f32 [tilespmem:s29], [sflag:$0x8], $0x80, s16, s25, $0xb8;
	[tilespmem:$0x1EA00] =	vst v63  }
0x65: {  	_ =	swait.ge [sflag:s28], $0x80  }
0x66: {  	[sflag:s28] =	ssyncset.done $0x0  }
0x67: {  	[sflag:s28] =	ssyncadd.s32 $0xFFFFFF80  }
0x68: {  	_ =	swait.ge [sflag:s9], $0x4000  }
0x69: {  	[sflag:s9] =	ssyncset.done $0x0  }
0x6a: {  	s17 =	simm.s32 $0x80;
	[sflag:s9] =	ssyncadd.s32 $0xFFFFC000  }
0x6b: {  	[tilespmem:s29], [sflag:$0x6] =	stream.indirect.gather [hbm4b:s5+s25], $0x80, s21, s25, $0xb8;
	[tilespmem:$0x1EA00] =	vst v63  }
0x6c: {  	s8 =	sadd.s32 $0xFFFFFFE0, s11;
	s12 =	sand.u32 $0x40, s17;
	_ =	swait.ge [sflag:s30], $0x4000  }
0x6d: {  	s13 =	sand.u32 $0xFFFFF80, s8;
	s12 =	sadd.s32 s2, s12;
	[sflag:s30] =	ssyncset.done $0x0  }
0x6e: {  	s12 =	sadd.s32 s13, s12;
	[sflag:s30] =	ssyncadd.s32 $0xFFFFC000  }
0x6f: {  	[tilespmem:s20], [sflag:$0x1] =	stream.linear.gather [hbm4b:s12+s4], $0x80, $0x38;
	[tilespmem:$0x1EA00] =	vst v63  }
0x70: {  	s13 =	simm.s32 $0x200  }
0x71: {  	[spmem:s3] =	stream.indirect.scatter.add.f32 [tilespmem:s26], [sflag:$0x7], $0x80, s13, s25, $0xb8;
	[tilespmem:$0x1EA00] =	vst v63  }
0x72: {  	_ =	swait.ge [sflag:s31], $0x80  }
0x73: {  	[sflag:s31] =	ssyncset.done $0x0  }
0x74: {  	[sflag:s31] =	ssyncadd.s32 $0xFFFFFF80  }
0x75: {  	_ =	swait.ge [sflag:s1], $0x4000  }
0x76: {  	[sflag:s1] =	ssyncset.done $0x0  }
0x77: {  	s14 =	simm.s32 $0x90;
	[sflag:s1] =	ssyncadd.s32 $0xFFFFC000  }
0x78: {  	[tilespmem:s26], [sflag:$0x5] =	stream.indirect.gather [hbm4b:s5+s25], $0x80, s22, s25, $0xb8;
	[tilespmem:$0x1EA00] =	vst v63  }
0x79: {  	s15 =	sadd.s32 $0xFFFFFFF0, s11;
	s12 =	sand.u32 $0x50, s14;
	_ =	swait.ge [sflag:s0], $0x4000  }
0x7a: {  	s12 =	sadd.s32 s2, s12;
	s13 =	sand.u32 $0xFFFFF80, s15;
	[sflag:s0] =	ssyncset.done $0x0  }
0x7b: {  	s12 =	sadd.s32 s13, s12;
	[sflag:s0] =	ssyncadd.s32 $0xFFFFC000  }
0x7c: {  	[tilespmem:s21], [sflag:$0x2] =	stream.linear.gather [hbm4b:s12+s4], $0x80, $0x38;
	[tilespmem:$0x1EA00] =	vst v63  }
0x7d: {  	s16 =	simm.s32 $0x280  }
0x7e: {  	[spmem:s3] =	stream.indirect.scatter.add.f32 [tilespmem:s29], [sflag:$0x8], $0x80, s16, s25, $0xb8;
	[tilespmem:$0x1EA00] =	vst v63  }
0x7f: {  	_ =	swait.ge [sflag:s6], $0x80  }
0x80: {  	[sflag:s6] =	ssyncset.done $0x0  }
0x81: {  	[sflag:s6] =	ssyncadd.s32 $0xFFFFFF80  }
0x82: {  	_ =	swait.ge [sflag:s9], $0x4000  }
0x83: {  	[sflag:s9] =	ssyncset.done $0x0  }
0x84: {  	s17 =	simm.s32 $0xA0;
	[sflag:s9] =	ssyncadd.s32 $0xFFFFC000  }
0x85: {  	[tilespmem:s29], [sflag:$0x6] =	stream.indirect.gather [hbm4b:s5+s25], $0x80, s23, s25, $0xb8;
	[tilespmem:$0x1EA00] =	vst v63  }
0x86: {  	s12 =	sand.u32 $0x60, s17;
	_ =	swait.ge [sflag:s30], $0x4000  }
0x87: {  	s11 =	sand.u32 $0xFFFFF80, s11;
	s12 =	sadd.s32 s2, s12;
	[sflag:s30] =	ssyncset.done $0x0  }
0x88: {  	s11 =	sadd.s32 s11, s12;
	[sflag:s30] =	ssyncadd.s32 $0xFFFFC000  }
0x89: {  	[tilespmem:s22], [sflag:$0x3] =	stream.linear.gather [hbm4b:s11+s4], $0x80, $0x38;
	[tilespmem:$0x1EA00] =	vst v63  }
0x8a: {  	s13 =	simm.s32 $0x500;
	s12 =	simm.s32 $0xE0;
	s11 =	simm.s32 $0x300  }
.LBB2_2:
0x8b: {  	[spmem:s3] =	stream.indirect.scatter.add.f32 [tilespmem:s26], [sflag:$0x7], $0x80, s11, s25, $0xb8;
	[tilespmem:$0x1EA00] =	vst v63  }
0x8c: {  	_ =	swait.ge [sflag:s24], $0x80  }
0x8d: {  	[sflag:s24] =	ssyncset.done $0x0  }
0x8e: {  	[sflag:s24] =	ssyncadd.s32 $0xFFFFFF80  }
0x8f: {  	_ =	swait.ge [sflag:s1], $0x4000  }
0x90: {  	[sflag:s1] =	ssyncset.done $0x0  }
0x91: {  	[sflag:s1] =	ssyncadd.s32 $0xFFFFC000  }
0x92: {  	[tilespmem:s26], [sflag:$0x5] =	stream.indirect.gather [hbm4b:s5+s25], $0x80, s20, s25, $0xb8;
	[tilespmem:$0x1EA00] =	vst v63  }
0x93: {  	_ =	swait.ge [sflag:s0], $0x4000  }
0x94: {  	s14 =	smov.u32 s12;
	s15 =	rddreg [dreg:$0x4]  }
0x95: {  	s16 =	sadd.s32 $0xFFFFFFA0, s14;
	s15 =	sadd.s32 s14, s15  }
0x96: {  	s16 =	sand.u32 $0x40, s16;
	s17 =	sadd.s32 $0xFFFFFFA0, s15  }
0x97: {  	s16 =	sadd.s32 s16, s2;
	s17 =	sand.u32 $0xFFFFF80, s17  }
0x98: {  	[sflag:s0] =	ssyncset.done $0x0;
	s16 =	sadd.s32 s17, s16  }
0x99: {  	[sflag:s0] =	ssyncadd.s32 $0xFFFFC000;
	s16 =	sadd.s32 $0x30, s16  }
0x9a: {  	[tilespmem:s23], [sflag:$0x4] =	stream.linear.gather [hbm4b:s16+s4], $0x80, $0x38;
	[tilespmem:$0x1EA00] =	vst v63  }
0x9b: {  	s16 =	sadd.s32 $0xFFFFFE80, s13  }
0x9c: {  	[spmem:s3] =	stream.indirect.scatter.add.f32 [tilespmem:s29], [sflag:$0x8], $0x80, s16, s25, $0xb8;
	[tilespmem:$0x1EA00] =	vst v63  }
0x9d: {  	_ =	swait.ge [sflag:s28], $0x80  }
0x9e: {  	[sflag:s28] =	ssyncset.done $0x0  }
0x9f: {  	[sflag:s28] =	ssyncadd.s32 $0xFFFFFF80  }
0xa0: {  	_ =	swait.ge [sflag:s9], $0x4000  }
0xa1: {  	[sflag:s9] =	ssyncset.done $0x0  }
0xa2: {  	s16 =	sadd.s32 $0xFFFFFFE0, s14;
	[sflag:s9] =	ssyncadd.s32 $0xFFFFC000  }
0xa3: {  	[tilespmem:s29], [sflag:$0x6] =	stream.indirect.gather [hbm4b:s5+s25], $0x80, s21, s25, $0xb8;
	[tilespmem:$0x1EA00] =	vst v63  }
0xa4: {  	s8 =	sadd.s32 $0xFFFFFFE0, s15;
	s16 =	sand.u32 $0x40, s16;
	_ =	swait.ge [sflag:s30], $0x4000  }
0xa5: {  	s8 =	sand.u32 $0xFFFFF80, s8;
	s16 =	sadd.s32 s2, s16;
	[sflag:s30] =	ssyncset.done $0x0  }
0xa6: {  	s8 =	sadd.s32 s8, s16;
	[sflag:s30] =	ssyncadd.s32 $0xFFFFC000  }
0xa7: {  	[tilespmem:s20], [sflag:$0x1] =	stream.linear.gather [hbm4b:s8+s4], $0x80, $0x38;
	[tilespmem:$0x1EA00] =	vst v63  }
0xa8: {  	s16 =	sadd.s32 $0xFFFFFF00, s13  }
0xa9: {  	[spmem:s3] =	stream.indirect.scatter.add.f32 [tilespmem:s26], [sflag:$0x7], $0x80, s16, s25, $0xb8;
	[tilespmem:$0x1EA00] =	vst v63  }
0xaa: {  	_ =	swait.ge [sflag:s31], $0x80  }
0xab: {  	[sflag:s31] =	ssyncset.done $0x0  }
0xac: {  	[sflag:s31] =	ssyncadd.s32 $0xFFFFFF80  }
0xad: {  	_ =	swait.ge [sflag:s1], $0x4000  }
0xae: {  	[sflag:s1] =	ssyncset.done $0x0  }
0xaf: {  	s16 =	sadd.s32 $0xFFFFFFF0, s14;
	[sflag:s1] =	ssyncadd.s32 $0xFFFFC000  }
0xb0: {  	[tilespmem:s26], [sflag:$0x5] =	stream.indirect.gather [hbm4b:s5+s25], $0x80, s22, s25, $0xb8;
	[tilespmem:$0x1EA00] =	vst v63  }
0xb1: {  	s17 =	sadd.s32 $0xFFFFFFF0, s15;
	s8 =	sand.u32 $0x50, s16;
	_ =	swait.ge [sflag:s0], $0x4000  }
0xb2: {  	s17 =	sand.u32 $0xFFFFF80, s17;
	s8 =	sadd.s32 s2, s8;
	[sflag:s0] =	ssyncset.done $0x0  }
0xb3: {  	s8 =	sadd.s32 s17, s8;
	[sflag:s0] =	ssyncadd.s32 $0xFFFFC000  }
0xb4: {  	[tilespmem:s21], [sflag:$0x2] =	stream.linear.gather [hbm4b:s8+s4], $0x80, $0x38;
	[tilespmem:$0x1EA00] =	vst v63  }
0xb5: {  	s16 =	sadd.s32 $0xFFFFFF80, s13  }
0xb6: {  	[spmem:s3] =	stream.indirect.scatter.add.f32 [tilespmem:s29], [sflag:$0x8], $0x80, s16, s25, $0xb8;
	[tilespmem:$0x1EA00] =	vst v63  }
0xb7: {  	_ =	swait.ge [sflag:s6], $0x80  }
0xb8: {  	[sflag:s6] =	ssyncset.done $0x0  }
0xb9: {  	[sflag:s6] =	ssyncadd.s32 $0xFFFFFF80  }
0xba: {  	_ =	swait.ge [sflag:s9], $0x4000  }
0xbb: {  	[sflag:s9] =	ssyncset.done $0x0  }
0xbc: {  	p0 =	sne.s32 s12, $0x520;
	[sflag:s9] =	ssyncadd.s32 $0xFFFFC000  }
0xbd: {  	[tilespmem:s29], [sflag:$0x6] =	stream.indirect.gather [hbm4b:s5+s25], $0x80, s23, s25, $0xb8;
	[tilespmem:$0x1EA00] =	vst v63  }
.Ltmp0:
0xbe: {  	s11 =	smov.u32 s13;
	(pc) =	sbr.rel @p0 .LBB2_2-.Ltmp0, $4  }
0xbf: {  	s12 =	sadd.s32 $0x40, s12;
	s17 =	sand.u32 $0x60, s14;
	_ =	swait.ge [sflag:s30], $0x4000  }
0xc0: {  	s15 =	sand.u32 $0xFFFFF80, s15;
	s8 =	sadd.s32 s2, s17;
	[sflag:s30] =	ssyncset.done $0x0  }
0xc1: {  	s13 =	sadd.s32 $0x200, s13;
	s8 =	sadd.s32 s15, s8;
	[sflag:s30] =	ssyncadd.s32 $0xFFFFC000  }
0xc2: {  	[tilespmem:s22], [sflag:$0x3] =	stream.linear.gather [hbm4b:s8+s4], $0x80, $0x38;
	[tilespmem:$0x1EA00] =	vst v63  }
0xc3: {  	[spmem:s3] =	stream.indirect.scatter.add.f32 [tilespmem:s26], [sflag:$0x7], $0x80, s11, s25, $0xb8;
	[tilespmem:$0x1EA00] =	vst v63  }
0xc4: {  	_ =	swait.ge [sflag:s0], $0x4000  }
0xc5: {  	[sflag:s0] =	ssyncset.done $0x0  }
0xc6: {  	s8 =	simm.s32 $0x2780;
	[sflag:s0] =	ssyncadd.s32 $0xFFFFC000  }
0xc7: {  	[spmem:s3] =	stream.indirect.scatter.add.f32 [tilespmem:s29], [sflag:$0x8], $0x80, s8, s25, $0xb8;
	[tilespmem:$0x1EA00] =	vst v63  }
0xc8: {  	_ =	swait.ge [sflag:s1], $0x4000  }
0xc9: {  	[sflag:s1] =	ssyncset.done $0x0  }
0xca: {  	[sflag:s1] =	ssyncadd.s32 $0xFFFFC000  }
0xcb: {  	_ =	swait.ge [sflag:s9], $0x4000  }
0xcc: {  	[sflag:s9] =	ssyncset.done $0x0  }
0xcd: {  	[sflag:s9] =	ssyncadd.s32 $0xFFFFC000  }
0xce: {  	_ =	swait.ge [sflag:s24], $0x80  }
0xcf: {  	[sflag:s24] =	ssyncset.done $0x0  }
0xd0: {  	[sflag:s24] =	ssyncadd.s32 $0xFFFFFF80  }
0xd1: {  	_ =	swait.ge [sflag:s28], $0x80  }
0xd2: {  	[sflag:s28] =	ssyncset.done $0x0  }
0xd3: {  	[sflag:s28] =	ssyncadd.s32 $0xFFFFFF80  }
0xd4: {  	_ =	swait.ge [sflag:s31], $0x80  }
0xd5: {  	[sflag:s31] =	ssyncset.done $0x0  }
0xd6: {  	[sflag:s31] =	ssyncadd.s32 $0xFFFFFF80  }
0xd7: {  	[bflag:$0x0] =	sbarrier.arrive $0xFFFF  }
0xd8: {  	s16 =	rddreg [dreg:$0xe]  }
0xd9: {  	[hbm:s16], [sflag:s7] =	dma.local [spmem:s18], $0x2800  }
0xda: {  	_ =	swait.ge [sflag:s19], $0x2800  }
0xdb: {  	s10 =	sadd.s32 $0x1, s10;
	s17 =	rddreg [dreg:$0xf]  }
0xdc: {  	p0 =	sne.s32 s10, s17  }
.Ltmp1:
0xdd: {  	_ = 	snop;
	(pc) =	sbr.rel @p0 .LBB2_1-.Ltmp1, $3  }
0xde: {  	_ =	sdelay $0x1  }
0xdf: {  	[sflag:s19] =	ssyncset.done $0x0  }
0xe0: {  	[sflag:s19] =	ssyncadd.s32 $0xFFFFD800  }
0xe1: {  	_ =	sfence.sel $0x180000  }
0xe2: {  	[bflag:$0x0] =	sbarrier.arrive $0xFFFF  }
0xe3: {  	_ =	strace $0x9000004D  }
0xe4: {  	s0 =	stileid.u32;
	[bflag:$0x2] =	sbarrier.arrive $0xFFFF  }
0xe5: {  	p0 =	sne.s32 s0, $0x0;
	s0 =	rddreg [dreg:$0x3]  }
0xe6: {  	s0 =	sadd.s32 @!p0 $0x100000, s0  }
0xe7: {  	[sflag:s0] =	ssyncadd.tile.s32 @!p0 $0x1;
	_ =	shalt  }
.Lfunc_end2:
_tile_overlayer_lowered:
.L_overlay_start_2:
0xe8: {  	(tag) =	ssettag $0x2  }
0xe9: {  	s0 =	rddreg [dreg:$0x0];
	s2 =	stileid.u32  }
0xea: {  	s1 =	rddreg [dreg:$0x1];
	p0 =	sne.s32 s2, $0x0  }
0xeb: {  	s3 =	rddreg [dreg:$0x2];
	[bflag:$0x3] =	sbarrier.arrive $0xFFFF;
	s2 =	simm.s32 @!p0 $0x1C09  }
0xec: {  	[timem:s3], [sflag:s2] =	dma.local @!p0 [hbm:s0], s1  }
0xed: {  	s0 =	simm.s32 @!p0 $0x9  }
0xee: {  	_ =	swait.ge @!p0 [sflag:s0], s1  }
0xef: {  	s1 =	ssub.s32 @!p0 $0x0, s1;
	[sflag:s0] =	ssyncset.done @!p0 $0x0  }
0xf0: {  	[sflag:s0] =	ssyncadd.s32 @!p0 s1  }
0xf1: {  	[bflag:$0x3] =	sbarrier.arrive $0xFFFF  }
0xf2: {  	_ =	shalt  }

// kernel: kernel.19.cloned.1.call-start
scs
__scs_entry_jumppad:
0x0: {  	(pc) =	sbr.rel $0x88, $3  }
0x1: {  	(tag) =	ssettag $0x0;
	lr =	simm.s32 $0x1  }
0x2: {  	[smem:$0x3F99] =	sst lr;
	_ =	strace $0xD0000000  }
0x3: {  	_ = 	snop  }
0x4: {  	_ = 	snop  }
0x5: {  	_ = 	snop  }
0x6: {  	_ = 	snop  }
0x7: {  	_ = 	snop  }
__scs_overlays_trampoline_lowered:
0x8: {  	[smem:$0x3FA8] =	sst s0  }
0x9: {  	[smem:$0x3FA9] =	sst s1  }
0xa: {  	[smem:$0x3FAA] =	sst s2  }
0xb: {  	[smem:$0x3FAB] =	sst s3  }
0xc: {  	[smem:$0x3FAC] =	sst s4  }
0xd: {  	[smem:$0x3FAD] =	sst s5  }
0xe: {  	[smem:$0x3FAE] =	sst s6  }
0xf: {  	[smem:$0x3FAF] =	sst s7  }
0x10: {  	[smem:$0x3FB0] =	sst s8  }
0x11: {  	[smem:$0x3FB1] =	sst s9;
	s0 =	simm.s32 @!p0 $0x0  }
0x12: {  	s1 =	sld [smem:$0x3F97];
	s0 =	simm.s32 @p0 $0x1  }
0x13: {  	[smem:$0x3FB2] =	sst s0;
	s0 =	simm.s32 @!p1 $0x0  }
0x14: {  	s2 =	sld [smem:$0x3F96];
	s0 =	simm.s32 @p1 $0x1  }
0x15: {  	[smem:$0x3FB3] =	sst s0;
	s0 =	simm.s32 @!p2 $0x0  }
0x16: {  	s3 =	sld [smem:$0x3FDB];
	s0 =	simm.s32 @p2 $0x1  }
0x17: {  	s4 =	simm.s32 $0x1BF5;
	[smem:$0x3FB5] =	sst s0  }
0x18: {  	s0 =	sld [smem:$0x3F98];
	_ =	swait.ge [sflag:s4], $0x0  }
0x19: {  	s7 =	sld [smem:$0x3F99]  }
0x1a: {  	s8 =	sadd.s32 $0xFFFFE003, lr  }
0x1b: {  	s9 =	sadd.s32 $0xFFFFFEF7, lr;
	s5 =	simm.s32 $0xFFFFFFFF;
	p2 =	slt.u32 s8, $0xFFFFF086  }
0x1c: {  	p1 =	slt.u32 s9, $0xF7A;
	s5 =	simm.s32 @!p2 $0x0  }
0x1d: {  	s5 =	simm.s32 @p1 $0x1;
	p0 =	seq.s32 s7, s2  }
0x1e: {  	s7 =	smul.u32 @!p0 $0xF7A, s2;
	p2 =	seq.s32 @!p0 s5, $0x0  }
0x1f: {  	s9 =	smul.u32 $0xF7A, s1;
	s8 =	simm.s32 @!p0 $0x1BF5;
	p2 =	por !p2, p0  }
0x20: {  	[sflag:s8] =	ssyncset.s32 @!p0 $0xFFFFF086;
	s6 =	sadd.s32 @!p0 s3, s7;
	s7 =	simm.s32 @!p0 $0x108  }
0x21: {  	s3 =	sadd.s32 s3, s9;
	s6 =	sadd.s32 @!p0 $0x88, s6;
	s7 =	simm.s32 @p2 $0x1082  }
0x22: {  	[simem:s7], [sflag:s8] =	dma.local @!p0 [hbm:s6], $0xF7A  }
0x23: {  	s9 =	sor.u32 $0xD0000000, s2;
	s6 =	simm.s32 $0x108;
	_ =	swait.ge @!p0 [sflag:s8], $0x0  }
0x24: {  	s3 =	sadd.s32 $0x88, s3;
	s6 =	simm.s32 @!p1 $0x1082;
	[sflag:s4] =	ssyncset.s32 $0xFFFFF086  }
0x25: {  	[simem:s6], [sflag:s4] =	dma.local [hbm:s3], $0xF7A  }
0x26: {  	[smem:$0x3F99] =	sst s1;
	(tag) =	ssettag s2;
	_ =	strace s9  }
0x27: {  	s1 =	sld [smem:$0x3FA9]  }
0x28: {  	s2 =	sld [smem:$0x3FAA]  }
0x29: {  	s4 =	sld [smem:$0x3FAC]  }
0x2a: {  	p0 =	seq.s32 s5, $0x0;
	s5 =	sld [smem:$0x3FAD]  }
0x2b: {  	s6 =	sld [smem:$0x3FAE]  }
0x2c: {  	s7 =	sld [smem:$0x3FAF]  }
0x2d: {  	s3 =	simm.s32 $0x108;
	s8 =	sld [smem:$0x3FB0]  }
0x2e: {  	s3 =	simm.s32 @!p0 $0x1082;
	s9 =	sld [smem:$0x3FB1]  }
0x2f: {  	lr =	sadd.s32 s0, s3;
	s0 =	sld [smem:$0x3FA8]  }
0x30: {  	s3 =	sld [smem:$0x3FAB]  }
0x31: {  	[smem:$0x3FB4] =	sst s10  }
0x32: {  	s10 =	sld [smem:$0x3FB2];
	_ =	sdelay $0x3  }
0x33: {  	p0 =	seq.s32 s10, $0x1;
	s10 =	sld [smem:$0x3FB4];
	_ =	sdelay $0x3  }
0x34: {  	[smem:$0x3FB4] =	sst s10  }
0x35: {  	s10 =	sld [smem:$0x3FB3];
	_ =	sdelay $0x3  }
0x36: {  	p1 =	seq.s32 s10, $0x1;
	s10 =	sld [smem:$0x3FB4];
	_ =	sdelay $0x3  }
0x37: {  	[smem:$0x3FB4] =	sst s10  }
0x38: {  	s10 =	sld [smem:$0x3FB5]  }
0x39: {  	_ = 	snop;
	(pc) =	sbr.ind lr, $3  }
0x3a: {  	_ = 	snop  }
0x3b: {  	_ = 	snop  }
0x3c: {  	p2 =	seq.s32 s10, $0x1;
	s10 =	sld [smem:$0x3FB4]  }
0x3d: {  	_ =	shalt  }
0x3e: {  	_ =	shalt  }
0x3f: {  	_ =	shalt  }
0x40: {  	_ =	shalt  }
0x41: {  	_ =	shalt  }
0x42: {  	_ =	shalt  }
0x43: {  	_ =	shalt  }
0x44: {  	_ =	shalt  }
0x45: {  	_ =	shalt  }
0x46: {  	_ =	shalt  }
0x47: {  	_ =	shalt  }
0x48: {  	_ =	shalt  }
0x49: {  	_ =	shalt  }
0x4a: {  	_ =	shalt  }
0x4b: {  	_ =	shalt  }
0x4c: {  	_ =	shalt  }
0x4d: {  	_ =	shalt  }
0x4e: {  	_ =	shalt  }
0x4f: {  	_ =	shalt  }
0x50: {  	_ =	shalt  }
0x51: {  	_ =	shalt  }
0x52: {  	_ =	shalt  }
0x53: {  	_ =	shalt  }
0x54: {  	_ =	shalt  }
0x55: {  	_ =	shalt  }
0x56: {  	_ =	shalt  }
0x57: {  	_ =	shalt  }
0x58: {  	_ =	shalt  }
0x59: {  	_ =	shalt  }
0x5a: {  	_ =	shalt  }
0x5b: {  	_ =	shalt  }
0x5c: {  	_ =	shalt  }
0x5d: {  	_ =	shalt  }
0x5e: {  	_ =	shalt  }
0x5f: {  	_ =	shalt  }
0x60: {  	_ =	shalt  }
0x61: {  	_ =	shalt  }
0x62: {  	_ =	shalt  }
0x63: {  	_ =	shalt  }
0x64: {  	_ =	shalt  }
0x65: {  	_ =	shalt  }
0x66: {  	_ =	shalt  }
0x67: {  	_ =	shalt  }
0x68: {  	_ =	shalt  }
0x69: {  	_ =	shalt  }
0x6a: {  	_ =	shalt  }
0x6b: {  	_ =	shalt  }
0x6c: {  	_ =	shalt  }
0x6d: {  	_ =	shalt  }
0x6e: {  	_ =	shalt  }
0x6f: {  	_ =	shalt  }
0x70: {  	_ =	shalt  }
0x71: {  	_ =	shalt  }
0x72: {  	_ =	shalt  }
0x73: {  	_ =	shalt  }
0x74: {  	_ =	shalt  }
0x75: {  	_ =	shalt  }
0x76: {  	_ =	shalt  }
0x77: {  	_ =	shalt  }
0x78: {  	_ =	shalt  }
0x79: {  	_ =	shalt  }
0x7a: {  	_ =	shalt  }
0x7b: {  	_ =	shalt  }
0x7c: {  	_ =	shalt  }
0x7d: {  	_ =	shalt  }
0x7e: {  	_ =	shalt  }
0x7f: {  	_ =	shalt  }
0x80: {  	_ =	shalt  }
0x81: {  	_ =	shalt  }
0x82: {  	_ =	shalt  }
0x83: {  	_ =	shalt  }
0x84: {  	_ =	shalt  }
0x85: {  	_ =	shalt  }
0x86: {  	_ =	shalt  }
0x87: {  	_ =	shalt  }
.Lfunc_end0:
.L_simem_size_0:
called_computation.3_lowered:
.L_overlay_start_0:
0x88: {  	s2 =	sld [smem:$0x3FD9]  }
0x89: {  	s3 =	sld [smem:$0x3FFE];
	_ =	sdelay $0x1  }
0x8a: {  	s1 =	srdreg.scid  }
0x8b: {  	s0 =	sand.u32 $0x1, s1  }
0x8c: {  	s17 =	sshll.u32 s0, $0xA;
	s2 =	sadd.s32 s3, s2  }
0x8d: {  	s2 =	sadd.s32 s2, s17  }
0x8e: {  	[smem:$0x3FC0] =	sst s2  }
0x8f: {  	_ = 	snop  }
0x90: {  	s2 =	sld [smem:$0x3FD0];
	(tm) =	ssettm $0x1  }
0x91: {  	s18 =	sld [smem:$0x3FFB];
	_ =	sdelay $0x3  }
0x92: {  	_ =	strace s18  }
0x93: {  	s3 =	sld [smem:$0x3FFC];
	_ =	sdelay $0x3  }
0x94: {  	_ =	strace s3  }
0x95: {  	s3 =	sld [smem:$0x3FFD];
	_ =	sdelay $0x3  }
0x96: {  	_ =	strace s3  }
0x97: {  	_ =	strace $0x8FFFFFFF  }
0x98: {  	s19 =	sld [smem:$0x3FDB];
	_ =	sdelay $0x1  }
0x99: {  	s4 =	simm.s32 $_scs_section_size  }
0x9a: {  	s5 =	simm.s32 $_size__tile_overlayer_lowered;
	s6 =	simm.s32 $_tile_overlayer_lowered  }
0x9b: {  	s22 =	simm.s32 $0x1BFF;
	s21 =	sshll.u32 s6, $0x1;
	s3 =	sadd.s32 s4, s19  }
0x9c: {  	s7 =	simm.s32 $0x0;
	s20 =	sshll.u32 s5, $0x1;
	s5 =	sadd.s32 s21, s3  }
0x9d: {  	[timem:s7], [sflag:s22] =	dma.local [hbm:s5], s20  }
0x9e: {  	_ =	swait.ge [sflag:s22], s20  }
0x9f: {  	s4 =	ssub.s32 $0x0, s20;
	[sflag:s22] =	ssyncset.done $0x0  }
0xa0: {  	[sflag:s22] =	ssyncadd.s32 s4;
	_ =	sdelay $0x1  }
0xa1: {  	s23 =	simm.s32 $0x1B8B  }
0xa2: {  	_ =	swait.ge [sflag:s23], $0x1  }
0xa3: {  	[sflag:s23] =	ssyncset.done $0x0  }
0xa4: {  	s25 =	simm.s32 $0x1B8E;
	s24 =	sld [smem:$0x3FFE];
	[sflag:s23] =	ssyncadd.s32 $0xFFFFFFFF  }
0xa5: {  	s26 =	simm.s32 $execute0_lowered;
	[smem:$0x3FD2] =	sst s25  }
0xa6: {  	s5 =	sshll.u32 s26, $0x1;
	_ =	strace $0x8000004F;
	[dreg:$0x1] =	wrdreg $0xFFFFFFFF  }
0xa7: {  	s28 =	simm.s32 $_size_execute0_lowered;
	s3 =	sadd.s32 s3, s5;
	[dreg:$0x0] =	wrdreg $0x0  }
0xa8: {  	s5 =	sshll.u32 s28, $0x1;
	[dreg:$0x2] =	wrdreg s3  }
0xa9: {  	[dreg:$0x3] =	wrdreg s5  }
0xaa: {  	[dreg:$0x4] =	wrdreg $0xC0  }
0xab: {  	_ =	task [dreg:s7], $0x5FFFF  }
0xac: {  	[dreg:$0x1] =	wrdreg $0xFFFFFFFF  }
0xad: {  	[dreg:$0x0] =	wrdreg $0x60  }
0xae: {  	[dreg:$0x2] =	wrdreg s24  }
0xaf: {  	[dreg:$0x3] =	wrdreg s2  }
0xb0: {  	[dreg:$0x4] =	wrdreg $0xAA000  }
0xb1: {  	[dreg:$0x5] =	wrdreg $0x9  }
0xb2: {  	_ =	task.clear_ibuf [dreg:s7], $0x6FFFF;
	_ =	strace $0x9000004F  }
0xb3: {  	s29 =	simm.s32 $0x9;
	_ =	strace $0x80000051  }
0xb4: {  	_ =	swait.ge [sflag:s29], $0x1  }
0xb5: {  	[sflag:s29] =	ssyncadd.s32 $0xFFFFFFFF  }
0xb6: {  	_ =	strace $0x90000051  }
0xb7: {  	_ =	sfence  }
0xb8: {  	s30 =	sld [smem:$0x0];
	_ =	sdelay $0x2  }
0xb9: {  	s31 =	sshll.u32 s1, $0xD;
	s1 =	sshrl.u32 s1, $0x2  }
0xba: {  	s3 =	sand.u32 $0x4000, s31;
	s1 =	sadd.s32 s1, s30  }
0xbb: {  	s0 =	sor.u32 s3, s0;
	s1 =	sshll.u32 s1, $0x11  }
0xbc: {  	s0 =	sor.u32 s1, s0  }
0xbd: {  	s0 =	sadd.s32 $0x8F2B, s0  }
0xbe: {  	[sflag:s0] =	ssyncadd.remote.s32 $0x1  }
0xbf: {  	_ =	sfence.sel $0xFFFF  }
0xc0: {  	[dreg:$0x0] =	wrdreg $0xFFFFFFFF;
	(pc) =	sbr.abs _section_cstart, $3  }
0xc1: {  	[dreg:$0x1] =	wrdreg $0xFFFFFFFF  }
0xc2: {  	_ =	task.clear_ibuf [dreg:s7], $0x2FFFF;
	_ =	strace $0x9FFFFFFF  }
0xc3: {  	(tm) =	ssettm $0x7FFFFFFF  }
tec
execute0_lowered:
.L_overlay_start_1:
0x0: {  	(tag) =	ssettag $0x1  }
0x1: {  	s0 =	srdreg.scid;
	s1 =	rddreg [dreg:$0x0]  }
0x2: {  	s13 =	stileid.u32;
	s2 =	rddreg [dreg:$0x1]  }
0x3: {  	s28 =	simm.s32 $0x2;
	s29 =	simm.s32 $0x6A00;
	s7 =	smul.u32 $0x14000, s13  }
0x4: {  	s30 =	simm.s32 $0x5;
	s31 =	simm.s32 $0x3;
	s14 =	smul.u32 $0x50000, s13  }
0x5: {  	s0 =	sand.u32 $0x1, s0;
	s3 =	sshll.u32 s13, $0x1;
	s21 =	smul.u32 $0xA00, s13  }
0x6: {  	s5 =	sadd.s32 $0xD200, s1;
	s16 =	sshll.u32 s13, $0x6;
	s8 =	smul.u32 $0x140000, s0  }
0x7: {  	s4 =	sor.u32 s0, s3;
	s11 =	ssub.s32 $0x2, s0;
	s0 =	smul.u32 $0x500, s0  }
0x8: {  	s3 =	rddreg [dreg:$0x2];
	s6 =	smul.u32 $0x500, s4;
	s4 =	simm.s32 $0x0  }
0x9: {  	s10 =	sshrl.u32 s7, $0x3;
	s15 =	sshrl.u32 s11, $0x1;
	[smem:$0x7FF] =	sst s4  }
0xa: {  	s7 =	sadd.s32 s7, s8;
	s10 =	sadd.s32 s10, s1;
	s8 =	sshrl.u32 s14, $0x2  }
0xb: {  	s11 =	ssub.s32 s11, s15;
	s0 =	sadd.s32 s0, s21;
	s21 =	simm.s32 $0x2880  }
0xc: {  	_ =	strace $0x80000050;
	s17 =	sadd.s32 $0x35200, s10;
	[dreg:$0x4] =	wrdreg s0  }
0xd: {  	s9 =	sadd.s32 s6, s1;
	s18 =	sadd.s32 s2, s6;
	[dreg:$0x5] =	wrdreg s17  }
0xe: {  	s7 =	sshrl.u32 s7, $0x3;
	s26 =	smax.u32 s11, $0x1;
	[dreg:$0x6] =	wrdreg s18  }
0xf: {  	s12 =	sadd.s32 s8, s3;
	s19 =	sadd.s32 $0x3200, s9;
	[dreg:$0xf] =	wrdreg s26  }
0x10: {  	s0 =	simm.s32 $0x6;
	s20 =	sadd.s32 $0x10, s18;
	[dreg:$0x7] =	wrdreg s19  }
0x11: {  	s6 =	simm.s32 $0x4;
	s22 =	sadd.s32 $0x20, s18;
	[dreg:$0x8] =	wrdreg s20  }
0x12: {  	s10 =	simm.s32 $0x0;
	s23 =	sadd.s32 $0x30, s18;
	[dreg:$0x9] =	wrdreg s22  }
0x13: {  	s1 =	sadd.s32 s7, s1;
	s24 =	sadd.s32 $0x40, s18;
	[dreg:$0xa] =	wrdreg s23  }
0x14: {  	s7 =	sor.u32 $0x1C09, s16;
	s25 =	sadd.s32 $0x50, s18;
	[dreg:$0xb] =	wrdreg s24  }
0x15: {  	s8 =	sadd.s32 $0x60, s18;
	s18 =	sshrl.u32 s12, $0x3;
	[dreg:$0xc] =	wrdreg s25  }
0x16: {  	s26 =	simm.s32 $0x2A00;
	s9 =	simm.s32 $0x8;
	[dreg:$0xd] =	wrdreg s8  }
0x17: {  	s1 =	sadd.s32 $0x5D200, s1;
	s19 =	simm.s32 $0x9;
	s20 =	simm.s32 $0x2800  }
0x18: {  	s22 =	simm.s32 $0x2900;
	s23 =	simm.s32 $0x2980;
	s24 =	simm.s32 $0x1  }
0x19: {  	s25 =	simm.s32 $0x80;
	[dreg:$0xe] =	wrdreg s1;
	s1 =	simm.s32 $0x7  }
.LBB2_1:
0x1a: {  	s8 =	rddreg [dreg:$0x5]  }
0x1b: {  	[spmem:s18], [sflag:s7] =	dma.local [hbm:s8], $0x2800  }
0x1c: {  	_ =	swait.ge [sflag:s19], $0x2800  }
0x1d: {  	[sflag:s19] =	ssyncset.done $0x0  }
0x1e: {  	s14 =	rddreg [dreg:$0x7];
	[sflag:s19] =	ssyncadd.s32 $0xFFFFD800  }
0x1f: {  	[tilespmem:s4], [sflag:$0x9] =	stream.linear.gather [hbm4b:s14+s4], $0x2800, $0x38;
	[tilespmem:$0x1EA00] =	vst v63  }
0x20: {  	_ =	swait.ge [sflag:s19], $0x2800  }
0x21: {  	[sflag:s19] =	ssyncset.done $0x0  }
0x22: {  	[sflag:s19] =	ssyncadd.s32 $0xFFFFD800  }
0x23: {  	[bflag:$0x0] =	sbarrier.arrive $0xFFFF  }
0x24: {  	s15 =	rddreg [dreg:$0x6]  }
0x25: {  	[tilespmem:s20], [sflag:$0x1] =	stream.linear.gather [hbm4b:s15+s4], $0x80, $0x38;
	[tilespmem:$0x1EA00] =	vst v63  }
0x26: {  	s16 =	rddreg [dreg:$0x8]  }
0x27: {  	[tilespmem:s21], [sflag:$0x2] =	stream.linear.gather [hbm4b:s16+s4], $0x80, $0x38;
	[tilespmem:$0x1EA00] =	vst v63  }
0x28: {  	s17 =	rddreg [dreg:$0x9]  }
0x29: {  	[tilespmem:s22], [sflag:$0x3] =	stream.linear.gather [hbm4b:s17+s4], $0x80, $0x38;
	[tilespmem:$0x1EA00] =	vst v63  }
0x2a: {  	s11 =	rddreg [dreg:$0xa]  }
0x2b: {  	[tilespmem:s23], [sflag:$0x4] =	stream.linear.gather [hbm4b:s11+s4], $0x80, $0x38;
	[tilespmem:$0x1EA00] =	vst v63  }
0x2c: {  	_ =	swait.ge [sflag:s24], $0x80  }
0x2d: {  	[sflag:s24] =	ssyncset.done $0x0  }
0x2e: {  	[sflag:s24] =	ssyncadd.s32 $0xFFFFFF80  }
0x2f: {  	[tilespmem:s26], [sflag:$0x5] =	stream.indirect.gather [hbm4b:s5+s25], $0x80, s20, s25, $0xb8;
	[tilespmem:$0x1EA00] =	vst v63  }
0x30: {  	_ =	swait.ge [sflag:s28], $0x80  }
0x31: {  	[sflag:s28] =	ssyncset.done $0x0  }
0x32: {  	[sflag:s28] =	ssyncadd.s32 $0xFFFFFF80  }
0x33: {  	[tilespmem:s29], [sflag:$0x6] =	stream.indirect.gather [hbm4b:s5+s25], $0x80, s21, s25, $0xb8;
	[tilespmem:$0x1EA00] =	vst v63  }
0x34: {  	_ =	swait.ge [sflag:s30], $0x4000  }
0x35: {  	[sflag:s30] =	ssyncset.done $0x0  }
0x36: {  	s12 =	rddreg [dreg:$0xb];
	[sflag:s30] =	ssyncadd.s32 $0xFFFFC000  }
0x37: {  	[tilespmem:s20], [sflag:$0x1] =	stream.linear.gather [hbm4b:s12+s4], $0x80, $0x38;
	[tilespmem:$0x1EA00] =	vst v63  }
0x38: {  	_ = 	snop  }
0x39: {  	[spmem:s3] =	stream.indirect.scatter.add.f32 [tilespmem:s26], [sflag:$0x7], $0x80, s4, s25, $0xb8;
	[tilespmem:$0x1EA00] =	vst v63  }
0x3a: {  	_ =	swait.ge [sflag:s31], $0x80  }
0x3b: {  	[sflag:s31] =	ssyncset.done $0x0  }
0x3c: {  	[sflag:s31] =	ssyncadd.s32 $0xFFFFFF80  }
0x3d: {  	_ =	swait.ge [sflag:s1], $0x4000  }
0x3e: {  	[sflag:s1] =	ssyncset.done $0x0  }
0x3f: {  	[sflag:s1] =	ssyncadd.s32 $0xFFFFC000  }
0x40: {  	[tilespmem:s26], [sflag:$0x5] =	stream.indirect.gather [hbm4b:s5+s25], $0x80, s22, s25, $0xb8;
	[tilespmem:$0x1EA00] =	vst v63  }
0x41: {  	_ =	swait.ge [sflag:s0], $0x4000  }
0x42: {  	[sflag:s0] =	ssyncset.done $0x0  }
0x43: {  	s13 =	rddreg [dreg:$0xc];
	[sflag:s0] =	ssyncadd.s32 $0xFFFFC000  }
0x44: {  	[tilespmem:s21], [sflag:$0x2] =	stream.linear.gather [hbm4b:s13+s4], $0x80, $0x38;
	[tilespmem:$0x1EA00] =	vst v63  }
0x45: {  	_ = 	snop  }
0x46: {  	[spmem:s3] =	stream.indirect.scatter.add.f32 [tilespmem:s29], [sflag:$0x8], $0x80, s25, s25, $0xb8;
	[tilespmem:$0x1EA00] =	vst v63  }
0x47: {  	_ =	swait.ge [sflag:s6], $0x80  }
0x48: {  	[sflag:s6] =	ssyncset.done $0x0  }
0x49: {  	[sflag:s6] =	ssyncadd.s32 $0xFFFFFF80  }
0x4a: {  	_ =	swait.ge [sflag:s9], $0x4000  }
0x4b: {  	[sflag:s9] =	ssyncset.done $0x0  }
0x4c: {  	[sflag:s9] =	ssyncadd.s32 $0xFFFFC000  }
0x4d: {  	[tilespmem:s29], [sflag:$0x6] =	stream.indirect.gather [hbm4b:s5+s25], $0x80, s23, s25, $0xb8;
	[tilespmem:$0x1EA00] =	vst v63  }
0x4e: {  	_ =	swait.ge [sflag:s30], $0x4000  }
0x4f: {  	[sflag:s30] =	ssyncset.done $0x0  }
0x50: {  	s14 =	rddreg [dreg:$0xd];
	[sflag:s30] =	ssyncadd.s32 $0xFFFFC000  }
0x51: {  	[tilespmem:s22], [sflag:$0x3] =	stream.linear.gather [hbm4b:s14+s4], $0x80, $0x38;
	[tilespmem:$0x1EA00] =	vst v63  }
0x52: {  	s15 =	simm.s32 $0x100  }
0x53: {  	[spmem:s3] =	stream.indirect.scatter.add.f32 [tilespmem:s26], [sflag:$0x7], $0x80, s15, s25, $0xb8;
	[tilespmem:$0x1EA00] =	vst v63  }
0x54: {  	_ =	swait.ge [sflag:s24], $0x80  }
0x55: {  	[sflag:s24] =	ssyncset.done $0x0  }
0x56: {  	[sflag:s24] =	ssyncadd.s32 $0xFFFFFF80  }
0x57: {  	_ =	swait.ge [sflag:s1], $0x4000  }
0x58: {  	[sflag:s1] =	ssyncset.done $0x0  }
0x59: {  	[sflag:s1] =	ssyncadd.s32 $0xFFFFC000  }
0x5a: {  	[tilespmem:s26], [sflag:$0x5] =	stream.indirect.gather [hbm4b:s5+s25], $0x80, s20, s25, $0xb8;
	[tilespmem:$0x1EA00] =	vst v63  }
0x5b: {  	_ =	swait.ge [sflag:s0], $0x4000  }
0x5c: {  	s11 =	rddreg [dreg:$0x4]  }
0x5d: {  	s12 =	simm.s32 $0x40;
	s11 =	sadd.s32 $0xA0, s11  }
0x5e: {  	s12 =	sand.u32 $0x40, s12;
	s13 =	sadd.s32 $0xFFFFFFA0, s11  }
0x5f: {  	s12 =	sadd.s32 s12, s2;
	s13 =	sand.u32 $0xFFFFF80, s13  }
0x60: {  	[sflag:s0] =	ssyncset.done $0x0;
	s12 =	sadd.s32 s13, s12  }
0x61: {  	[sflag:s0] =	ssyncadd.s32 $0xFFFFC000;
	s12 =	sadd.s32 $0x30, s12  }
0x62: {  	[tilespmem:s23], [sflag:$0x4] =	stream.linear.gather [hbm4b:s12+s4], $0x80, $0x38;
	[tilespmem:$0x1EA00] =	vst v63  }
0x63: {  	s16 =	simm.s32 $0x180  }
0x64: {  	[spmem:s3] =	stream.indirect.scatter.add.f32 [tilespmem:s29], [sflag:$0x8], $0x80, s16, s25, $0xb8;
	[tilespmem:$0x1EA00] =	vst v63  }
0x65: {  	_ =	swait.ge [sflag:s28], $0x80  }
0x66: {  	[sflag:s28] =	ssyncset.done $0x0  }
0x67: {  	[sflag:s28] =	ssyncadd.s32 $0xFFFFFF80  }
0x68: {  	_ =	swait.ge [sflag:s9], $0x4000  }
0x69: {  	[sflag:s9] =	ssyncset.done $0x0  }
0x6a: {  	s17 =	simm.s32 $0x80;
	[sflag:s9] =	ssyncadd.s32 $0xFFFFC000  }
0x6b: {  	[tilespmem:s29], [sflag:$0x6] =	stream.indirect.gather [hbm4b:s5+s25], $0x80, s21, s25, $0xb8;
	[tilespmem:$0x1EA00] =	vst v63  }
0x6c: {  	s8 =	sadd.s32 $0xFFFFFFE0, s11;
	s12 =	sand.u32 $0x40, s17;
	_ =	swait.ge [sflag:s30], $0x4000  }
0x6d: {  	s13 =	sand.u32 $0xFFFFF80, s8;
	s12 =	sadd.s32 s2, s12;
	[sflag:s30] =	ssyncset.done $0x0  }
0x6e: {  	s12 =	sadd.s32 s13, s12;
	[sflag:s30] =	ssyncadd.s32 $0xFFFFC000  }
0x6f: {  	[tilespmem:s20], [sflag:$0x1] =	stream.linear.gather [hbm4b:s12+s4], $0x80, $0x38;
	[tilespmem:$0x1EA00] =	vst v63  }
0x70: {  	s13 =	simm.s32 $0x200  }
0x71: {  	[spmem:s3] =	stream.indirect.scatter.add.f32 [tilespmem:s26], [sflag:$0x7], $0x80, s13, s25, $0xb8;
	[tilespmem:$0x1EA00] =	vst v63  }
0x72: {  	_ =	swait.ge [sflag:s31], $0x80  }
0x73: {  	[sflag:s31] =	ssyncset.done $0x0  }
0x74: {  	[sflag:s31] =	ssyncadd.s32 $0xFFFFFF80  }
0x75: {  	_ =	swait.ge [sflag:s1], $0x4000  }
0x76: {  	[sflag:s1] =	ssyncset.done $0x0  }
0x77: {  	s14 =	simm.s32 $0x90;
	[sflag:s1] =	ssyncadd.s32 $0xFFFFC000  }
0x78: {  	[tilespmem:s26], [sflag:$0x5] =	stream.indirect.gather [hbm4b:s5+s25], $0x80, s22, s25, $0xb8;
	[tilespmem:$0x1EA00] =	vst v63  }
0x79: {  	s15 =	sadd.s32 $0xFFFFFFF0, s11;
	s12 =	sand.u32 $0x50, s14;
	_ =	swait.ge [sflag:s0], $0x4000  }
0x7a: {  	s12 =	sadd.s32 s2, s12;
	s13 =	sand.u32 $0xFFFFF80, s15;
	[sflag:s0] =	ssyncset.done $0x0  }
0x7b: {  	s12 =	sadd.s32 s13, s12;
	[sflag:s0] =	ssyncadd.s32 $0xFFFFC000  }
0x7c: {  	[tilespmem:s21], [sflag:$0x2] =	stream.linear.gather [hbm4b:s12+s4], $0x80, $0x38;
	[tilespmem:$0x1EA00] =	vst v63  }
0x7d: {  	s16 =	simm.s32 $0x280  }
0x7e: {  	[spmem:s3] =	stream.indirect.scatter.add.f32 [tilespmem:s29], [sflag:$0x8], $0x80, s16, s25, $0xb8;
	[tilespmem:$0x1EA00] =	vst v63  }
0x7f: {  	_ =	swait.ge [sflag:s6], $0x80  }
0x80: {  	[sflag:s6] =	ssyncset.done $0x0  }
0x81: {  	[sflag:s6] =	ssyncadd.s32 $0xFFFFFF80  }
0x82: {  	_ =	swait.ge [sflag:s9], $0x4000  }
0x83: {  	[sflag:s9] =	ssyncset.done $0x0  }
0x84: {  	s17 =	simm.s32 $0xA0;
	[sflag:s9] =	ssyncadd.s32 $0xFFFFC000  }
0x85: {  	[tilespmem:s29], [sflag:$0x6] =	stream.indirect.gather [hbm4b:s5+s25], $0x80, s23, s25, $0xb8;
	[tilespmem:$0x1EA00] =	vst v63  }
0x86: {  	s12 =	sand.u32 $0x60, s17;
	_ =	swait.ge [sflag:s30], $0x4000  }
0x87: {  	s11 =	sand.u32 $0xFFFFF80, s11;
	s12 =	sadd.s32 s2, s12;
	[sflag:s30] =	ssyncset.done $0x0  }
0x88: {  	s11 =	sadd.s32 s11, s12;
	[sflag:s30] =	ssyncadd.s32 $0xFFFFC000  }
0x89: {  	[tilespmem:s22], [sflag:$0x3] =	stream.linear.gather [hbm4b:s11+s4], $0x80, $0x38;
	[tilespmem:$0x1EA00] =	vst v63  }
0x8a: {  	s13 =	simm.s32 $0x500;
	s12 =	simm.s32 $0xE0;
	s11 =	simm.s32 $0x300  }
.LBB2_2:
0x8b: {  	[spmem:s3] =	stream.indirect.scatter.add.f32 [tilespmem:s26], [sflag:$0x7], $0x80, s11, s25, $0xb8;
	[tilespmem:$0x1EA00] =	vst v63  }
0x8c: {  	_ =	swait.ge [sflag:s24], $0x80  }
0x8d: {  	[sflag:s24] =	ssyncset.done $0x0  }
0x8e: {  	[sflag:s24] =	ssyncadd.s32 $0xFFFFFF80  }
0x8f: {  	_ =	swait.ge [sflag:s1], $0x4000  }
0x90: {  	[sflag:s1] =	ssyncset.done $0x0  }
0x91: {  	[sflag:s1] =	ssyncadd.s32 $0xFFFFC000  }
0x92: {  	[tilespmem:s26], [sflag:$0x5] =	stream.indirect.gather [hbm4b:s5+s25], $0x80, s20, s25, $0xb8;
	[tilespmem:$0x1EA00] =	vst v63  }
0x93: {  	_ =	swait.ge [sflag:s0], $0x4000  }
0x94: {  	s14 =	smov.u32 s12;
	s15 =	rddreg [dreg:$0x4]  }
0x95: {  	s16 =	sadd.s32 $0xFFFFFFA0, s14;
	s15 =	sadd.s32 s14, s15  }
0x96: {  	s16 =	sand.u32 $0x40, s16;
	s17 =	sadd.s32 $0xFFFFFFA0, s15  }
0x97: {  	s16 =	sadd.s32 s16, s2;
	s17 =	sand.u32 $0xFFFFF80, s17  }
0x98: {  	[sflag:s0] =	ssyncset.done $0x0;
	s16 =	sadd.s32 s17, s16  }
0x99: {  	[sflag:s0] =	ssyncadd.s32 $0xFFFFC000;
	s16 =	sadd.s32 $0x30, s16  }
0x9a: {  	[tilespmem:s23], [sflag:$0x4] =	stream.linear.gather [hbm4b:s16+s4], $0x80, $0x38;
	[tilespmem:$0x1EA00] =	vst v63  }
0x9b: {  	s16 =	sadd.s32 $0xFFFFFE80, s13  }
0x9c: {  	[spmem:s3] =	stream.indirect.scatter.add.f32 [tilespmem:s29], [sflag:$0x8], $0x80, s16, s25, $0xb8;
	[tilespmem:$0x1EA00] =	vst v63  }
0x9d: {  	_ =	swait.ge [sflag:s28], $0x80  }
0x9e: {  	[sflag:s28] =	ssyncset.done $0x0  }
0x9f: {  	[sflag:s28] =	ssyncadd.s32 $0xFFFFFF80  }
0xa0: {  	_ =	swait.ge [sflag:s9], $0x4000  }
0xa1: {  	[sflag:s9] =	ssyncset.done $0x0  }
0xa2: {  	s16 =	sadd.s32 $0xFFFFFFE0, s14;
	[sflag:s9] =	ssyncadd.s32 $0xFFFFC000  }
0xa3: {  	[tilespmem:s29], [sflag:$0x6] =	stream.indirect.gather [hbm4b:s5+s25], $0x80, s21, s25, $0xb8;
	[tilespmem:$0x1EA00] =	vst v63  }
0xa4: {  	s8 =	sadd.s32 $0xFFFFFFE0, s15;
	s16 =	sand.u32 $0x40, s16;
	_ =	swait.ge [sflag:s30], $0x4000  }
0xa5: {  	s8 =	sand.u32 $0xFFFFF80, s8;
	s16 =	sadd.s32 s2, s16;
	[sflag:s30] =	ssyncset.done $0x0  }
0xa6: {  	s8 =	sadd.s32 s8, s16;
	[sflag:s30] =	ssyncadd.s32 $0xFFFFC000  }
0xa7: {  	[tilespmem:s20], [sflag:$0x1] =	stream.linear.gather [hbm4b:s8+s4], $0x80, $0x38;
	[tilespmem:$0x1EA00] =	vst v63  }
0xa8: {  	s16 =	sadd.s32 $0xFFFFFF00, s13  }
0xa9: {  	[spmem:s3] =	stream.indirect.scatter.add.f32 [tilespmem:s26], [sflag:$0x7], $0x80, s16, s25, $0xb8;
	[tilespmem:$0x1EA00] =	vst v63  }
0xaa: {  	_ =	swait.ge [sflag:s31], $0x80  }
0xab: {  	[sflag:s31] =	ssyncset.done $0x0  }
0xac: {  	[sflag:s31] =	ssyncadd.s32 $0xFFFFFF80  }
0xad: {  	_ =	swait.ge [sflag:s1], $0x4000  }
0xae: {  	[sflag:s1] =	ssyncset.done $0x0  }
0xaf: {  	s16 =	sadd.s32 $0xFFFFFFF0, s14;
	[sflag:s1] =	ssyncadd.s32 $0xFFFFC000  }
0xb0: {  	[tilespmem:s26], [sflag:$0x5] =	stream.indirect.gather [hbm4b:s5+s25], $0x80, s22, s25, $0xb8;
	[tilespmem:$0x1EA00] =	vst v63  }
0xb1: {  	s17 =	sadd.s32 $0xFFFFFFF0, s15;
	s8 =	sand.u32 $0x50, s16;
	_ =	swait.ge [sflag:s0], $0x4000  }
0xb2: {  	s17 =	sand.u32 $0xFFFFF80, s17;
	s8 =	sadd.s32 s2, s8;
	[sflag:s0] =	ssyncset.done $0x0  }
0xb3: {  	s8 =	sadd.s32 s17, s8;
	[sflag:s0] =	ssyncadd.s32 $0xFFFFC000  }
0xb4: {  	[tilespmem:s21], [sflag:$0x2] =	stream.linear.gather [hbm4b:s8+s4], $0x80, $0x38;
	[tilespmem:$0x1EA00] =	vst v63  }
0xb5: {  	s16 =	sadd.s32 $0xFFFFFF80, s13  }
0xb6: {  	[spmem:s3] =	stream.indirect.scatter.add.f32 [tilespmem:s29], [sflag:$0x8], $0x80, s16, s25, $0xb8;
	[tilespmem:$0x1EA00] =	vst v63  }
0xb7: {  	_ =	swait.ge [sflag:s6], $0x80  }
0xb8: {  	[sflag:s6] =	ssyncset.done $0x0  }
0xb9: {  	[sflag:s6] =	ssyncadd.s32 $0xFFFFFF80  }
0xba: {  	_ =	swait.ge [sflag:s9], $0x4000  }
0xbb: {  	[sflag:s9] =	ssyncset.done $0x0  }
0xbc: {  	p0 =	sne.s32 s12, $0x520;
	[sflag:s9] =	ssyncadd.s32 $0xFFFFC000  }
0xbd: {  	[tilespmem:s29], [sflag:$0x6] =	stream.indirect.gather [hbm4b:s5+s25], $0x80, s23, s25, $0xb8;
	[tilespmem:$0x1EA00] =	vst v63  }
.Ltmp0:
0xbe: {  	s11 =	smov.u32 s13;
	(pc) =	sbr.rel @p0 .LBB2_2-.Ltmp0, $4  }
0xbf: {  	s12 =	sadd.s32 $0x40, s12;
	s17 =	sand.u32 $0x60, s14;
	_ =	swait.ge [sflag:s30], $0x4000  }
0xc0: {  	s15 =	sand.u32 $0xFFFFF80, s15;
	s8 =	sadd.s32 s2, s17;
	[sflag:s30] =	ssyncset.done $0x0  }
0xc1: {  	s13 =	sadd.s32 $0x200, s13;
	s8 =	sadd.s32 s15, s8;
	[sflag:s30] =	ssyncadd.s32 $0xFFFFC000  }
0xc2: {  	[tilespmem:s22], [sflag:$0x3] =	stream.linear.gather [hbm4b:s8+s4], $0x80, $0x38;
	[tilespmem:$0x1EA00] =	vst v63  }
0xc3: {  	[spmem:s3] =	stream.indirect.scatter.add.f32 [tilespmem:s26], [sflag:$0x7], $0x80, s11, s25, $0xb8;
	[tilespmem:$0x1EA00] =	vst v63  }
0xc4: {  	_ =	swait.ge [sflag:s0], $0x4000  }
0xc5: {  	[sflag:s0] =	ssyncset.done $0x0  }
0xc6: {  	s8 =	simm.s32 $0x2780;
	[sflag:s0] =	ssyncadd.s32 $0xFFFFC000  }
0xc7: {  	[spmem:s3] =	stream.indirect.scatter.add.f32 [tilespmem:s29], [sflag:$0x8], $0x80, s8, s25, $0xb8;
	[tilespmem:$0x1EA00] =	vst v63  }
0xc8: {  	_ =	swait.ge [sflag:s1], $0x4000  }
0xc9: {  	[sflag:s1] =	ssyncset.done $0x0  }
0xca: {  	[sflag:s1] =	ssyncadd.s32 $0xFFFFC000  }
0xcb: {  	_ =	swait.ge [sflag:s9], $0x4000  }
0xcc: {  	[sflag:s9] =	ssyncset.done $0x0  }
0xcd: {  	[sflag:s9] =	ssyncadd.s32 $0xFFFFC000  }
0xce: {  	_ =	swait.ge [sflag:s24], $0x80  }
0xcf: {  	[sflag:s24] =	ssyncset.done $0x0  }
0xd0: {  	[sflag:s24] =	ssyncadd.s32 $0xFFFFFF80  }
0xd1: {  	_ =	swait.ge [sflag:s28], $0x80  }
0xd2: {  	[sflag:s28] =	ssyncset.done $0x0  }
0xd3: {  	[sflag:s28] =	ssyncadd.s32 $0xFFFFFF80  }
0xd4: {  	_ =	swait.ge [sflag:s31], $0x80  }
0xd5: {  	[sflag:s31] =	ssyncset.done $0x0  }
0xd6: {  	[sflag:s31] =	ssyncadd.s32 $0xFFFFFF80  }
0xd7: {  	[bflag:$0x0] =	sbarrier.arrive $0xFFFF  }
0xd8: {  	s16 =	rddreg [dreg:$0xe]  }
0xd9: {  	[hbm:s16], [sflag:s7] =	dma.local [spmem:s18], $0x2800  }
0xda: {  	_ =	swait.ge [sflag:s19], $0x2800  }
0xdb: {  	s10 =	sadd.s32 $0x1, s10;
	s17 =	rddreg [dreg:$0xf]  }
0xdc: {  	p0 =	sne.s32 s10, s17  }
.Ltmp1:
0xdd: {  	_ = 	snop;
	(pc) =	sbr.rel @p0 .LBB2_1-.Ltmp1, $3  }
0xde: {  	_ =	sdelay $0x1  }
0xdf: {  	[sflag:s19] =	ssyncset.done $0x0  }
0xe0: {  	[sflag:s19] =	ssyncadd.s32 $0xFFFFD800  }
0xe1: {  	_ =	sfence.sel $0x180000  }
0xe2: {  	[bflag:$0x0] =	sbarrier.arrive $0xFFFF  }
0xe3: {  	_ =	strace $0x90000050  }
0xe4: {  	s0 =	stileid.u32;
	[bflag:$0x2] =	sbarrier.arrive $0xFFFF  }
0xe5: {  	p0 =	sne.s32 s0, $0x0;
	s0 =	rddreg [dreg:$0x3]  }
0xe6: {  	s0 =	sadd.s32 @!p0 $0x100000, s0  }
0xe7: {  	[sflag:s0] =	ssyncadd.tile.s32 @!p0 $0x1;
	_ =	shalt  }
.Lfunc_end2:
_tile_overlayer_lowered:
.L_overlay_start_2:
0xe8: {  	(tag) =	ssettag $0x2  }
0xe9: {  	s0 =	rddreg [dreg:$0x0];
	s2 =	stileid.u32  }
0xea: {  	s1 =	rddreg [dreg:$0x1];
	p0 =	sne.s32 s2, $0x0  }
0xeb: {  	s3 =	rddreg [dreg:$0x2];
	[bflag:$0x3] =	sbarrier.arrive $0xFFFF;
	s2 =	simm.s32 @!p0 $0x1C09  }
0xec: {  	[timem:s3], [sflag:s2] =	dma.local @!p0 [hbm:s0], s1  }
0xed: {  	s0 =	simm.s32 @!p0 $0x9  }
0xee: {  	_ =	swait.ge @!p0 [sflag:s0], s1  }
0xef: {  	s1 =	ssub.s32 @!p0 $0x0, s1;
	[sflag:s0] =	ssyncset.done @!p0 $0x0  }
0xf0: {  	[sflag:s0] =	ssyncadd.s32 @!p0 s1  }
0xf1: {  	[bflag:$0x3] =	sbarrier.arrive $0xFFFF  }
0xf2: {  	_ =	shalt  }

</sc_bundles>
